<compile_context>
chip_gen: v7x
topology: tpu7x:2x2x1
jax: 0.10.2.dev20260603
libtpu: 0.0.44.dev20260713+nightly
codegen_flags: <defaults>
</compile_context>

<pallas_src>
import functools

import jax
import jax.numpy as jnp
from jax import lax
from jax.experimental import pallas as pl
from jax.experimental.pallas import tpu as pltpu
from jax.experimental.pallas import tpu_sc as plsc

N = 16896
IN_CH = 128
H2 = 32
E_POS = 540672
E_NEG = 270336

NC = 2
NS = 16
NW = NC * NS
CHUNK = 128

POS_ROWS = E_POS // CHUNK
NEG_ROWS = E_NEG // CHUNK
POS_PW = POS_ROWS // NW
NEG_PW = NEG_ROWS // NW
POS_STAGE = POS_PW + 4
NEG_STAGE = NEG_PW + 6
STRIPE = N // NS


def _seg_sum_kernel(feat_w, with_deg):
    out_type = jax.ShapeDtypeStruct((NC * N, 128), jnp.float32)
    scratch = [
        pltpu.VMEM((POS_STAGE, CHUNK), jnp.int32),
        pltpu.VMEM((POS_STAGE, CHUNK), jnp.int32),
        pltpu.VMEM((CHUNK, feat_w), jnp.float32),
        pltpu.VMEM((CHUNK, feat_w), jnp.float32),
        pltpu.VMEM_SHARED((N, feat_w), jnp.float32),
        pltpu.SemaphoreType.DMA,
        pltpu.SemaphoreType.DMA,
    ]
    if with_deg:
        scratch += [
            pltpu.VMEM((CHUNK, 16), jnp.float32),
            pltpu.VMEM_SHARED((N, 16), jnp.float32),
            pltpu.VMEM_SHARED((N, 16), jnp.float32),
            pltpu.SemaphoreType.DMA,
        ]

    mesh = plsc.VectorSubcoreMesh(core_axis_name="c", subcore_axis_name="s",
                                  num_cores=NC, num_subcores=NS)

    def body(t_pos, t_neg, pos_idx, neg_idx, zf, zd, ones_h,
             out_hbm, *rest):
        src_v, dst_v, rows0, rows1, acc, gs0, gs1 = rest[:7]
        if with_deg:
            ones_v, deg_p, deg_n, ds = rest[7:]

        cid = lax.axis_index("c")
        sid = lax.axis_index("s")
        wid = sid * NC + cid
        stripe = sid * STRIPE

        pltpu.sync_copy(zf, acc.at[pl.ds(stripe, STRIPE)])
        if with_deg:
            pltpu.sync_copy(zd, deg_p.at[pl.ds(stripe, STRIPE)])
            pltpu.sync_copy(zd, deg_n.at[pl.ds(stripe, STRIPE)])
            pltpu.sync_copy(ones_h, ones_v)
        plsc.subcore_barrier()

        def run_pass(table, idx2d, pw, n_rows, stage, deg_acc):
            base = (pw * wid) // 8 * 8
            n_w = (pw * wid + pw) // 8 * 8 - base
            pltpu.sync_copy(idx2d.at[pl.ds(base, stage)],
                            src_v.at[pl.ds(0, stage)])
            pltpu.sync_copy(idx2d.at[pl.ds(n_rows + base, stage)],
                            dst_v.at[pl.ds(0, stage)])

            bufs = ((rows0, gs0), (rows1, gs1))

            def gather(c, buf, gsem):
                return pltpu.async_copy(table.at[src_v.at[c]], buf, gsem)

            gather(0, rows0, gs0)
            gather(1, rows1, gs1)

            n2 = n_w // 2

            def iter_g(g, carry):
                for k, (buf, gsem) in enumerate(bufs):
                    c = 2 * g + k
                    pltpu.make_async_copy(table.at[src_v.at[c]],
                                          buf, gsem).wait()
                    pltpu.sync_copy(buf, acc.at[dst_v.at[c]], add=True)
                    if deg_acc is not None:
                        if k == 0:
                            @pl.when(g > 0)
                            def _():
                                pltpu.make_async_copy(
                                    ones_v, deg_acc.at[dst_v.at[c - 1]],
                                    ds).wait()
                        else:
                            pltpu.make_async_copy(
                                ones_v, deg_acc.at[dst_v.at[c - 1]],
                                ds).wait()
                        pltpu.async_copy(ones_v, deg_acc.at[dst_v.at[c]],
                                         ds, add=True)

                    @pl.when(g < n2 - 1)
                    def _():
                        gather(c + 2, buf, gsem)
                return carry

            lax.fori_loop(0, n2, iter_g, 0)
            if deg_acc is not None:
                pltpu.make_async_copy(ones_v, deg_acc.at[dst_v.at[n_w - 1]],
                                      ds).wait()

        def write_out(sh_acc, col, width):
            pltpu.sync_copy(
                sh_acc.at[pl.ds(stripe, STRIPE)],
                out_hbm.at[pl.ds(cid * N + stripe, STRIPE),
                           pl.ds(col, width)])

        run_pass(t_pos, pos_idx, POS_PW, POS_ROWS, POS_STAGE,
                 deg_p if with_deg else None)
        plsc.subcore_barrier()
        write_out(acc, 0, feat_w)
        if with_deg:
            write_out(deg_p, 2 * feat_w, 16)
        pltpu.sync_copy(zf, acc.at[pl.ds(stripe, STRIPE)])
        plsc.subcore_barrier()
        run_pass(t_neg, neg_idx, NEG_PW, NEG_ROWS, NEG_STAGE,
                 deg_n if with_deg else None)
        plsc.subcore_barrier()
        write_out(acc, feat_w, feat_w)
        if with_deg:
            write_out(deg_n, 2 * feat_w + 16, 16)

    return pl.kernel(body, out_type=out_type, mesh=mesh,
                     scratch_types=scratch,
                     compiler_params=pltpu.CompilerParams(
                         use_tc_tiling_on_sc=False))


_seg32 = _seg_sum_kernel(H2, with_deg=True)
_seg64 = _seg_sum_kernel(2 * H2, with_deg=False)

ROW_BLK = 1056
GRID = N // ROW_BLK
NBLK = N // ROW_BLK


def _proj_body(x_ref, wp_ref, wn_ref, wr_ref, b_ref,
               tp_ref, tn_ref, lin_ref):
    x = x_ref[...]
    tp_ref[...] = jnp.dot(x, wp_ref[...], preferred_element_type=jnp.float32)
    tn_ref[...] = jnp.dot(x, wn_ref[...], preferred_element_type=jnp.float32)
    lin_ref[...] = (jnp.dot(x, wr_ref[...], preferred_element_type=jnp.float32)
                    + b_ref[...])


_proj = pl.pallas_call(
    _proj_body,
    grid=(GRID,),
    in_specs=[
        pl.BlockSpec((ROW_BLK, IN_CH), lambda i: (i, 0)),
        pl.BlockSpec((IN_CH, H2), lambda i: (0, 0)),
        pl.BlockSpec((IN_CH, H2), lambda i: (0, 0)),
        pl.BlockSpec((IN_CH, 2 * H2), lambda i: (0, 0)),
        pl.BlockSpec((1, 2 * H2), lambda i: (0, 0)),
    ],
    out_specs=[
        pl.BlockSpec((ROW_BLK, H2), lambda i: (i, 0)),
        pl.BlockSpec((ROW_BLK, H2), lambda i: (i, 0)),
        pl.BlockSpec((ROW_BLK, 2 * H2), lambda i: (i, 0)),
    ],
    out_shape=[
        jax.ShapeDtypeStruct((N, H2), jnp.float32),
        jax.ShapeDtypeStruct((N, H2), jnp.float32),
        jax.ShapeDtypeStruct((N, 2 * H2), jnp.float32),
    ],
)


def _pair_specs():
    return [
        pl.BlockSpec((ROW_BLK, 128), lambda i: (i, 0)),
        pl.BlockSpec((ROW_BLK, 128), lambda i: (NBLK + i, 0)),
    ]


def _deg_recips(q0, q1):
    dp = q0[:, 64:65] + q1[:, 64:65]
    dn = q0[:, 80:81] + q1[:, 80:81]
    return (1.0 / jnp.maximum(dp, 1.0), 1.0 / jnp.maximum(dn, 1.0))


def _z_body(q0_ref, q1_ref, lin_ref, z_ref):
    q0 = q0_ref[...]
    q1 = q1_ref[...]
    sp = q0[:, 0:H2] + q1[:, 0:H2]
    sn = q0[:, H2:2 * H2] + q1[:, H2:2 * H2]
    rp, rn = _deg_recips(q0, q1)
    agg = jnp.concatenate([sp * rp, sn * rn], axis=1)
    z_ref[...] = jnp.maximum(agg + lin_ref[...], 0.0)


_zker = pl.pallas_call(
    _z_body,
    grid=(GRID,),
    in_specs=(_pair_specs()
              + [pl.BlockSpec((ROW_BLK, 2 * H2), lambda i: (i, 0))]),
    out_specs=pl.BlockSpec((ROW_BLK, 2 * H2), lambda i: (i, 0)),
    out_shape=jax.ShapeDtypeStruct((N, 2 * H2), jnp.float32),
)


def _final_body(p0_ref, p1_ref, q0_ref, q1_ref, z_ref, m1_ref, m2_ref,
                m3_ref, b_ref, out_ref):
    p0 = p0_ref[...]
    p1 = p1_ref[...]
    rp, rn = _deg_recips(q0_ref[...], q1_ref[...])
    mp = (p0[:, :2 * H2] + p1[:, :2 * H2]) * rp
    mn = (p0[:, 2 * H2:] + p1[:, 2 * H2:]) * rn
    acc = jnp.dot(mp, m1_ref[...], preferred_element_type=jnp.float32)
    acc += jnp.dot(mn, m2_ref[...], preferred_element_type=jnp.float32)
    acc += jnp.dot(z_ref[...], m3_ref[...], preferred_element_type=jnp.float32)
    out_ref[...] = jnp.maximum(acc + b_ref[...], 0.0)


_finalker = pl.pallas_call(
    _final_body,
    grid=(GRID,),
    in_specs=(_pair_specs() + _pair_specs()
              + [
                  pl.BlockSpec((ROW_BLK, 2 * H2), lambda i: (i, 0)),
                  pl.BlockSpec((2 * H2, 2 * H2), lambda i: (0, 0)),
                  pl.BlockSpec((2 * H2, 2 * H2), lambda i: (0, 0)),
                  pl.BlockSpec((2 * H2, 2 * H2), lambda i: (0, 0)),
                  pl.BlockSpec((1, 2 * H2), lambda i: (0, 0)),
              ]),
    out_specs=pl.BlockSpec((ROW_BLK, 2 * H2), lambda i: (i, 0)),
    out_shape=jax.ShapeDtypeStruct((N, 2 * H2), jnp.float32),
)


def kernel(x, pos_edge_index, neg_edge_index, x_param, W1_pl, W1_pr, b1_p,
           W1_nl, W1_nr, b1_n, W2_pl, W2_pr, b2_p, W2_nl, W2_nr, b2_n):
    del x

    pos_idx = pos_edge_index.reshape(2 * POS_ROWS, CHUNK)
    neg_idx = neg_edge_index.reshape(2 * NEG_ROWS, CHUNK)

    zf32 = jnp.zeros((STRIPE, H2), jnp.float32)
    zf64 = jnp.zeros((STRIPE, 2 * H2), jnp.float32)
    zd = jnp.zeros((STRIPE, 16), jnp.float32)
    ones_h = jnp.ones((CHUNK, 16), jnp.float32)

    wr1 = jnp.concatenate([W1_pr, W1_nr], axis=1)
    b1 = jnp.concatenate([b1_p, b1_n]).reshape(1, 2 * H2)

    t_pos, t_neg, lin = _proj(x_param, W1_pl, W1_nl, wr1, b1)
    q = _seg32(t_pos, t_neg, pos_idx, neg_idx, zf32, zd, ones_h)

    z = _zker(q, q, lin)

    p = _seg64(z, z, pos_idx, neg_idx, zf64, zd, ones_h)

    zero = jnp.zeros((H2, H2), jnp.float32)
    A, B = W2_pl[:H2], W2_pl[H2:]
    C, D = W2_nl[:H2], W2_nl[H2:]
    m1 = jnp.concatenate([jnp.concatenate([A, zero], axis=1),
                          jnp.concatenate([zero, C], axis=1)], axis=0)
    m2 = jnp.concatenate([jnp.concatenate([zero, D], axis=1),
                          jnp.concatenate([B, zero], axis=1)], axis=0)
    m3 = jnp.concatenate([jnp.concatenate([W2_pr, zero], axis=1),
                          jnp.concatenate([zero, W2_nr], axis=1)], axis=0)
    b2 = jnp.concatenate([b2_p, b2_n]).reshape(1, 2 * H2)

    return _finalker(p, p, q, q, z, m1, m2, m3, b2)

# --- scband reference (transcript-rebuilt; emitter-appended) ---
"""Pipeline reference for scband-signed-gcn-20512763805795 (READ-ONLY COPY).

The authoritative reference and input builder live on the scoring server;
editing this copy changes nothing except your own understanding.
"""

import jax, jax.numpy as jnp
import numpy as np

N_NODES = 16896
IN_CH = 128
H2 = 32
E_POS = 540672
E_NEG = 270336


def _mean_agg(feat, src, dst, n):
    msg = jnp.take(feat, src, axis=0)
    s = jax.ops.segment_sum(msg, dst, num_segments=n)
    deg = jax.ops.segment_sum(jnp.ones((src.shape[0],), feat.dtype), dst, num_segments=n)
    return s / jnp.clip(deg, 1.0)[:, None]


def setup_inputs(seed: int = 0):
    key = jax.random.key(seed)
    ks = jax.random.split(key, 16)
    inp = {}
    inp["x"] = jax.random.normal(ks[0], (N_NODES, IN_CH), dtype=jnp.float32)
    inp["pos_edge_index"] = jax.random.randint(ks[1], (2, E_POS), 0, N_NODES, dtype=jnp.int32)
    inp["neg_edge_index"] = jax.random.randint(ks[2], (2, E_NEG), 0, N_NODES, dtype=jnp.int32)
    # learned parameters
    inp["x_param"] = jax.random.normal(ks[3], (N_NODES, IN_CH), dtype=jnp.float32) * 0.05
    # conv1 (first_aggr=True): in=128, out=32
    inp["W1_pl"] = jax.random.normal(ks[4], (IN_CH, H2), dtype=jnp.float32) * 0.05
    inp["W1_pr"] = jax.random.normal(ks[5], (IN_CH, H2), dtype=jnp.float32) * 0.05
    inp["b1_p"] = jnp.zeros((H2,), dtype=jnp.float32)
    inp["W1_nl"] = jax.random.normal(ks[6], (IN_CH, H2), dtype=jnp.float32) * 0.05
    inp["W1_nr"] = jax.random.normal(ks[7], (IN_CH, H2), dtype=jnp.float32) * 0.05
    inp["b1_n"] = jnp.zeros((H2,), dtype=jnp.float32)
    # conv2 (first_aggr=False): in=32 per branch, lin_l takes 2*32
    inp["W2_pl"] = jax.random.normal(ks[8], (2 * H2, H2), dtype=jnp.float32) * 0.05
    inp["W2_pr"] = jax.random.normal(ks[9], (H2, H2), dtype=jnp.float32) * 0.05
    inp["b2_p"] = jnp.zeros((H2,), dtype=jnp.float32)
    inp["W2_nl"] = jax.random.normal(ks[10], (2 * H2, H2), dtype=jnp.float32) * 0.05
    inp["W2_nr"] = jax.random.normal(ks[11], (H2, H2), dtype=jnp.float32) * 0.05
    inp["b2_n"] = jnp.zeros((H2,), dtype=jnp.float32)
    return inp


def reference(x, pos_edge_index, neg_edge_index, x_param, W1_pl, W1_pr, b1_p, W1_nl, W1_nr, b1_n, W2_pl, W2_pr, b2_p, W2_nl, W2_nr, b2_n):
    # NOTE: original torch forward ignores the input x and uses self.x (x_param)
    n = x_param.shape[0]
    ps, pd = pos_edge_index[0], pos_edge_index[1]
    ns, nd = neg_edge_index[0], neg_edge_index[1]
    # conv1: SignedConv(first_aggr=True), mean aggregation
    agg_p = _mean_agg(x_param, ps, pd, n)
    agg_n = _mean_agg(x_param, ns, nd, n)
    out_p = agg_p @ W1_pl + x_param @ W1_pr + b1_p
    out_n = agg_n @ W1_nl + x_param @ W1_nr + b1_n
    z = jax.nn.relu(jnp.concatenate([out_p, out_n], axis=-1))
    # conv2: SignedConv(first_aggr=False)
    zp, zn = z[:, :H2], z[:, H2:]
    op_in = jnp.concatenate([_mean_agg(zp, ps, pd, n), _mean_agg(zn, ns, nd, n)], axis=-1)
    on_in = jnp.concatenate([_mean_agg(zn, ps, pd, n), _mean_agg(zp, ns, nd, n)], axis=-1)
    out_p = op_in @ W2_pl + zp @ W2_pr + b2_p
    out_n = on_in @ W2_nl + zn @ W2_nr + b2_n
    z = jax.nn.relu(jnp.concatenate([out_p, out_n], axis=-1))
    return z

if __name__ == "__main__":
    import jax
    _d = setup_inputs()
    print(jax.jit(kernel)(*tuple(_d.values())))

</pallas_src>

<mosaic_0001>
#map = affine_map<(d0, d1) -> (0, 0)>
module attributes {stable_mosaic.version = 14 : i64} {
  func.func @body(%arg0: i32, %arg1: i32, %arg2: memref<16896x64xf32, #tpu.memory_space<hbm>>, %arg3: memref<16896x64xf32, #tpu.memory_space<hbm>>, %arg4: memref<8448x128xi32, #tpu.memory_space<hbm>>, %arg5: memref<4224x128xi32, #tpu.memory_space<hbm>>, %arg6: memref<1056x64xf32, #tpu.memory_space<hbm>>, %arg7: memref<1056x16xf32, #tpu.memory_space<hbm>>, %arg8: memref<128x16xf32, #tpu.memory_space<hbm>>, %arg9: memref<33792x128xf32, #tpu.memory_space<hbm>>, %arg10: memref<136x128xi32, #tpu.memory_space<vmem>>, %arg11: memref<136x128xi32, #tpu.memory_space<vmem>>, %arg12: memref<128x64xf32, #tpu.memory_space<vmem>>, %arg13: memref<128x64xf32, #tpu.memory_space<vmem>>, %arg14: memref<16896x64xf32, #tpu.memory_space<vmem_shared>>, %arg15: memref<!tpu.dma_semaphore, #tpu.memory_space<semaphore_mem>>, %arg16: memref<!tpu.dma_semaphore, #tpu.memory_space<semaphore_mem>>) attributes {dimension_semantics = [#tpu.dimension_semantics<core_parallel>, #tpu.dimension_semantics<subcore_parallel>], iteration_bounds = array<i64: 2, 16>, scalar_prefetch = 0 : i64, scratch_operands = 7 : i64, tpu.core_type = #tpu.core_type<sc_vector_subcore>, window_params = [{transform_indices = #map}, {transform_indices = #map}, {transform_indices = #map}, {transform_indices = #map}, {transform_indices = #map}, {transform_indices = #map}, {transform_indices = #map}, {transform_indices = #map}]} {
    %mul3A = arith.constant 2 : i32
    %mul3A_0 = arith.muli %arg1, %mul3A : i32
    %add3A = arith.addi %mul3A_0, %arg0 : i32
    %mul3A_1 = arith.constant 1056 : i32
    %mul3A_2 = arith.muli %arg1, %mul3A_1 : i32
    "tpu.region"() ({
      %run_scoped3A = tpu.sem_alloc : memref<!tpu.dma_semaphore, #tpu.memory_space<semaphore_mem>>
      %dma_start3A_220 = arith.constant 0 : i32
      %dma_start3A_221 = tpu.memref_slice %arg14[%mul3A_2, %dma_start3A_220] : memref<16896x64xf32, #tpu.memory_space<vmem_shared>> -> memref<1056x64xf32, #tpu.memory_space<vmem_shared>>
      tpu.enqueue_dma source(%arg6 : memref<1056x64xf32, #tpu.memory_space<hbm>>) target(%dma_start3A_221 : memref<1056x64xf32, #tpu.memory_space<vmem_shared>>) target_semaphore(%run_scoped3A : memref<!tpu.dma_semaphore, #tpu.memory_space<semaphore_mem>>)
      %dma_wait3A = arith.constant 0 : i32
      %dma_wait3A_222 = tpu.memref_slice %arg14[%mul3A_2, %dma_wait3A] : memref<16896x64xf32, #tpu.memory_space<vmem_shared>> -> memref<1056x64xf32, #tpu.memory_space<vmem_shared>>
      tpu.wait_dma2 semaphore(%run_scoped3A : memref<!tpu.dma_semaphore, #tpu.memory_space<semaphore_mem>>) src(%arg6 : memref<1056x64xf32, #tpu.memory_space<hbm>>) dst(%dma_wait3A_222 : memref<1056x64xf32, #tpu.memory_space<vmem_shared>>)
      tpu.yield
    }) : () -> ()
    %barrier3A = arith.constant 0 : index
    tpu.barrier barrier_id(%barrier3A)
    %mul3A_3 = arith.constant 132 : i32
    %mul3A_4 = arith.muli %mul3A_3, %add3A : i32
    %jit3A = arith.constant 8 : i32
    %div3A = arith.divsi %mul3A_4, %jit3A : i32
    %sign3A = arith.constant 0 : i32
    %sign3A_5 = arith.cmpi sgt, %mul3A_4, %sign3A : i32
    %sign3A_6 = arith.extui %sign3A_5 : i1 to i32
    %sign3A_7 = arith.constant 0 : i32
    %sign3A_8 = arith.cmpi slt, %mul3A_4, %sign3A_7 : i32
    %sign3A_9 = arith.extui %sign3A_8 : i1 to i32
    %sign3A_10 = arith.subi %sign3A_6, %sign3A_9 : i32
    %sign3A_11 = arith.constant 0 : i32
    %sign3A_12 = arith.cmpi sgt, %jit3A, %sign3A_11 : i32
    %sign3A_13 = arith.extui %sign3A_12 : i1 to i32
    %sign3A_14 = arith.constant 0 : i32
    %sign3A_15 = arith.cmpi slt, %jit3A, %sign3A_14 : i32
    %sign3A_16 = arith.extui %sign3A_15 : i1 to i32
    %sign3A_17 = arith.subi %sign3A_13, %sign3A_16 : i32
    %ne3A = arith.cmpi ne, %sign3A_10, %sign3A_17 : i32
    %rem3A = arith.remsi %mul3A_4, %jit3A : i32
    %ne3A_18 = arith.constant 0 : i32
    %ne3A_19 = arith.cmpi ne, %rem3A, %ne3A_18 : i32
    %and3A = arith.andi %ne3A, %ne3A_19 : i1
    %sub3A = arith.constant 1 : i32
    %sub3A_20 = arith.subi %div3A, %sub3A : i32
    %select_n3A = arith.select %and3A, %sub3A_20, %div3A : i32
    %mul3A_21 = arith.constant 8 : i32
    %mul3A_22 = arith.muli %select_n3A, %mul3A_21 : i32
    %mul3A_23 = arith.constant 132 : i32
    %mul3A_24 = arith.muli %mul3A_23, %add3A : i32
    %add3A_25 = arith.constant 132 : i32
    %add3A_26 = arith.addi %mul3A_24, %add3A_25 : i32
    %jit3A_27 = arith.constant 8 : i32
    %div3A_28 = arith.divsi %add3A_26, %jit3A_27 : i32
    %sign3A_29 = arith.constant 0 : i32
    %sign3A_30 = arith.cmpi sgt, %add3A_26, %sign3A_29 : i32
    %sign3A_31 = arith.extui %sign3A_30 : i1 to i32
    %sign3A_32 = arith.constant 0 : i32
    %sign3A_33 = arith.cmpi slt, %add3A_26, %sign3A_32 : i32
    %sign3A_34 = arith.extui %sign3A_33 : i1 to i32
    %sign3A_35 = arith.subi %sign3A_31, %sign3A_34 : i32
    %sign3A_36 = arith.constant 0 : i32
    %sign3A_37 = arith.cmpi sgt, %jit3A_27, %sign3A_36 : i32
    %sign3A_38 = arith.extui %sign3A_37 : i1 to i32
    %sign3A_39 = arith.constant 0 : i32
    %sign3A_40 = arith.cmpi slt, %jit3A_27, %sign3A_39 : i32
    %sign3A_41 = arith.extui %sign3A_40 : i1 to i32
    %sign3A_42 = arith.subi %sign3A_38, %sign3A_41 : i32
    %ne3A_43 = arith.cmpi ne, %sign3A_35, %sign3A_42 : i32
    %rem3A_44 = arith.remsi %add3A_26, %jit3A_27 : i32
    %ne3A_45 = arith.constant 0 : i32
    %ne3A_46 = arith.cmpi ne, %rem3A_44, %ne3A_45 : i32
    %and3A_47 = arith.andi %ne3A_43, %ne3A_46 : i1
    %sub3A_48 = arith.constant 1 : i32
    %sub3A_49 = arith.subi %div3A_28, %sub3A_48 : i32
    %select_n3A_50 = arith.select %and3A_47, %sub3A_49, %div3A_28 : i32
    %mul3A_51 = arith.constant 8 : i32
    %mul3A_52 = arith.muli %select_n3A_50, %mul3A_51 : i32
    %sub3A_53 = arith.subi %mul3A_52, %mul3A_22 : i32
    "tpu.region"() ({
      %run_scoped3A = tpu.sem_alloc : memref<!tpu.dma_semaphore, #tpu.memory_space<semaphore_mem>>
      %dma_start3A_220 = arith.constant 0 : i32
      %dma_start3A_221 = arith.constant 0 : i32
      %dma_start3A_222 = tpu.memref_slice %arg10[%dma_start3A_220, %dma_start3A_221] : memref<136x128xi32, #tpu.memory_space<vmem>> -> memref<136x128xi32, #tpu.memory_space<vmem>>
      %dma_start3A_223 = arith.constant 0 : i32
      %dma_start3A_224 = tpu.memref_slice %arg4[%mul3A_22, %dma_start3A_223] : memref<8448x128xi32, #tpu.memory_space<hbm>> -> memref<136x128xi32, #tpu.memory_space<hbm>>
      %dma_start3A_225 = arith.constant 0 : i32
      %dma_start3A_226 = arith.constant 0 : i32
      %dma_start3A_227 = tpu.memref_slice %arg10[%dma_start3A_225, %dma_start3A_226] : memref<136x128xi32, #tpu.memory_space<vmem>> -> memref<136x128xi32, #tpu.memory_space<vmem>>
      %dma_start3A_228 = arith.constant 0 : i32
      %dma_start3A_229 = tpu.memref_slice %arg4[%mul3A_22, %dma_start3A_228] : memref<8448x128xi32, #tpu.memory_space<hbm>> -> memref<136x128xi32, #tpu.memory_space<hbm>>
      tpu.enqueue_dma source(%dma_start3A_229 : memref<136x128xi32, #tpu.memory_space<hbm>>) target(%dma_start3A_227 : memref<136x128xi32, #tpu.memory_space<vmem>>) target_semaphore(%run_scoped3A : memref<!tpu.dma_semaphore, #tpu.memory_space<semaphore_mem>>)
      %dma_wait3A = arith.constant 0 : i32
      %dma_wait3A_230 = arith.constant 0 : i32
      %dma_wait3A_231 = tpu.memref_slice %arg10[%dma_wait3A, %dma_wait3A_230] : memref<136x128xi32, #tpu.memory_space<vmem>> -> memref<136x128xi32, #tpu.memory_space<vmem>>
      %dma_wait3A_232 = arith.constant 0 : i32
      %dma_wait3A_233 = tpu.memref_slice %arg4[%mul3A_22, %dma_wait3A_232] : memref<8448x128xi32, #tpu.memory_space<hbm>> -> memref<136x128xi32, #tpu.memory_space<hbm>>
      %dma_wait3A_234 = arith.constant 0 : i32
      %dma_wait3A_235 = arith.constant 0 : i32
      %dma_wait3A_236 = tpu.memref_slice %arg10[%dma_wait3A_234, %dma_wait3A_235] : memref<136x128xi32, #tpu.memory_space<vmem>> -> memref<136x128xi32, #tpu.memory_space<vmem>>
      %dma_wait3A_237 = arith.constant 0 : i32
      %dma_wait3A_238 = tpu.memref_slice %arg4[%mul3A_22, %dma_wait3A_237] : memref<8448x128xi32, #tpu.memory_space<hbm>> -> memref<136x128xi32, #tpu.memory_space<hbm>>
      tpu.wait_dma2 semaphore(%run_scoped3A : memref<!tpu.dma_semaphore, #tpu.memory_space<semaphore_mem>>) src(%dma_wait3A_238 : memref<136x128xi32, #tpu.memory_space<hbm>>) dst(%dma_wait3A_236 : memref<136x128xi32, #tpu.memory_space<vmem>>)
      tpu.yield
    }) : () -> ()
    %add3A_54 = arith.constant 4224 : i32
    %add3A_55 = arith.addi %add3A_54, %mul3A_22 : i32
    "tpu.region"() ({
      %run_scoped3A = tpu.sem_alloc : memref<!tpu.dma_semaphore, #tpu.memory_space<semaphore_mem>>
      %dma_start3A_220 = arith.constant 0 : i32
      %dma_start3A_221 = arith.constant 0 : i32
      %dma_start3A_222 = tpu.memref_slice %arg11[%dma_start3A_220, %dma_start3A_221] : memref<136x128xi32, #tpu.memory_space<vmem>> -> memref<136x128xi32, #tpu.memory_space<vmem>>
      %dma_start3A_223 = arith.constant 0 : i32
      %dma_start3A_224 = tpu.memref_slice %arg4[%add3A_55, %dma_start3A_223] : memref<8448x128xi32, #tpu.memory_space<hbm>> -> memref<136x128xi32, #tpu.memory_space<hbm>>
      %dma_start3A_225 = arith.constant 0 : i32
      %dma_start3A_226 = arith.constant 0 : i32
      %dma_start3A_227 = tpu.memref_slice %arg11[%dma_start3A_225, %dma_start3A_226] : memref<136x128xi32, #tpu.memory_space<vmem>> -> memref<136x128xi32, #tpu.memory_space<vmem>>
      %dma_start3A_228 = arith.constant 0 : i32
      %dma_start3A_229 = tpu.memref_slice %arg4[%add3A_55, %dma_start3A_228] : memref<8448x128xi32, #tpu.memory_space<hbm>> -> memref<136x128xi32, #tpu.memory_space<hbm>>
      tpu.enqueue_dma source(%dma_start3A_229 : memref<136x128xi32, #tpu.memory_space<hbm>>) target(%dma_start3A_227 : memref<136x128xi32, #tpu.memory_space<vmem>>) target_semaphore(%run_scoped3A : memref<!tpu.dma_semaphore, #tpu.memory_space<semaphore_mem>>)
      %dma_wait3A = arith.constant 0 : i32
      %dma_wait3A_230 = arith.constant 0 : i32
      %dma_wait3A_231 = tpu.memref_slice %arg11[%dma_wait3A, %dma_wait3A_230] : memref<136x128xi32, #tpu.memory_space<vmem>> -> memref<136x128xi32, #tpu.memory_space<vmem>>
      %dma_wait3A_232 = arith.constant 0 : i32
      %dma_wait3A_233 = tpu.memref_slice %arg4[%add3A_55, %dma_wait3A_232] : memref<8448x128xi32, #tpu.memory_space<hbm>> -> memref<136x128xi32, #tpu.memory_space<hbm>>
      %dma_wait3A_234 = arith.constant 0 : i32
      %dma_wait3A_235 = arith.constant 0 : i32
      %dma_wait3A_236 = tpu.memref_slice %arg11[%dma_wait3A_234, %dma_wait3A_235] : memref<136x128xi32, #tpu.memory_space<vmem>> -> memref<136x128xi32, #tpu.memory_space<vmem>>
      %dma_wait3A_237 = arith.constant 0 : i32
      %dma_wait3A_238 = tpu.memref_slice %arg4[%add3A_55, %dma_wait3A_237] : memref<8448x128xi32, #tpu.memory_space<hbm>> -> memref<136x128xi32, #tpu.memory_space<hbm>>
      tpu.wait_dma2 semaphore(%run_scoped3A : memref<!tpu.dma_semaphore, #tpu.memory_space<semaphore_mem>>) src(%dma_wait3A_238 : memref<136x128xi32, #tpu.memory_space<hbm>>) dst(%dma_wait3A_236 : memref<136x128xi32, #tpu.memory_space<vmem>>)
      tpu.yield
    }) : () -> ()
    %dma_start3A = arith.constant 0 : i32
    %dma_start3A_56 = arith.constant 0 : i32
    %dma_start3A_57 = tpu.memref_slice %arg10[%dma_start3A, %dma_start3A_56] : memref<136x128xi32, #tpu.memory_space<vmem>> -> memref<1x128xi32, #tpu.memory_space<vmem>>
    %dma_start3A_58 = tpu.memref_squeeze %dma_start3A_57 : memref<1x128xi32, #tpu.memory_space<vmem>> -> memref<128xi32, #tpu.memory_space<vmem>>
    %dma_start3A_59 = arith.constant 0 : i32
    %dma_start3A_60 = arith.constant 0 : i32
    %dma_start3A_61 = tpu.memref_slice %arg2[%dma_start3A_59, %dma_start3A_60] : memref<16896x64xf32, #tpu.memory_space<hbm>> -> memref<16896x64xf32, #tpu.memory_space<hbm>>
    tpu.enqueue_indirect_dma source(%dma_start3A_61 : memref<16896x64xf32, #tpu.memory_space<hbm>>) target(%arg12 : memref<128x64xf32, #tpu.memory_space<vmem>>) offsets(%dma_start3A_58 : memref<128xi32, #tpu.memory_space<vmem>>) semaphore(%arg15 : memref<!tpu.dma_semaphore, #tpu.memory_space<semaphore_mem>>)
    %dma_start3A_62 = arith.constant 1 : i32
    %dma_start3A_63 = arith.constant 0 : i32
    %dma_start3A_64 = tpu.memref_slice %arg10[%dma_start3A_62, %dma_start3A_63] : memref<136x128xi32, #tpu.memory_space<vmem>> -> memref<1x128xi32, #tpu.memory_space<vmem>>
    %dma_start3A_65 = tpu.memref_squeeze %dma_start3A_64 : memref<1x128xi32, #tpu.memory_space<vmem>> -> memref<128xi32, #tpu.memory_space<vmem>>
    %dma_start3A_66 = arith.constant 0 : i32
    %dma_start3A_67 = arith.constant 0 : i32
    %dma_start3A_68 = tpu.memref_slice %arg2[%dma_start3A_66, %dma_start3A_67] : memref<16896x64xf32, #tpu.memory_space<hbm>> -> memref<16896x64xf32, #tpu.memory_space<hbm>>
    tpu.enqueue_indirect_dma source(%dma_start3A_68 : memref<16896x64xf32, #tpu.memory_space<hbm>>) target(%arg13 : memref<128x64xf32, #tpu.memory_space<vmem>>) offsets(%dma_start3A_65 : memref<128xi32, #tpu.memory_space<vmem>>) semaphore(%arg16 : memref<!tpu.dma_semaphore, #tpu.memory_space<semaphore_mem>>)
    %jit3A_69 = arith.constant 2 : i32
    %div3A_70 = arith.divsi %sub3A_53, %jit3A_69 : i32
    %sign3A_71 = arith.constant 0 : i32
    %sign3A_72 = arith.cmpi sgt, %sub3A_53, %sign3A_71 : i32
    %sign3A_73 = arith.extui %sign3A_72 : i1 to i32
    %sign3A_74 = arith.constant 0 : i32
    %sign3A_75 = arith.cmpi slt, %sub3A_53, %sign3A_74 : i32
    %sign3A_76 = arith.extui %sign3A_75 : i1 to i32
    %sign3A_77 = arith.subi %sign3A_73, %sign3A_76 : i32
    %sign3A_78 = arith.constant 0 : i32
    %sign3A_79 = arith.cmpi sgt, %jit3A_69, %sign3A_78 : i32
    %sign3A_80 = arith.extui %sign3A_79 : i1 to i32
    %sign3A_81 = arith.constant 0 : i32
    %sign3A_82 = arith.cmpi slt, %jit3A_69, %sign3A_81 : i32
    %sign3A_83 = arith.extui %sign3A_82 : i1 to i32
    %sign3A_84 = arith.subi %sign3A_80, %sign3A_83 : i32
    %ne3A_85 = arith.cmpi ne, %sign3A_77, %sign3A_84 : i32
    %rem3A_86 = arith.remsi %sub3A_53, %jit3A_69 : i32
    %ne3A_87 = arith.constant 0 : i32
    %ne3A_88 = arith.cmpi ne, %rem3A_86, %ne3A_87 : i32
    %and3A_89 = arith.andi %ne3A_85, %ne3A_88 : i1
    %sub3A_90 = arith.constant 1 : i32
    %sub3A_91 = arith.subi %div3A_70, %sub3A_90 : i32
    %select_n3A_92 = arith.select %and3A_89, %sub3A_91, %div3A_70 : i32
    %while3A = arith.constant 0 : i32
    %while3A_93 = arith.constant 0 : i32
    %while3A_94 = arith.subi %select_n3A_92, %while3A_93 : i32
    %while3A_95 = arith.addi %while3A_93, %while3A_94 : i32
    %while3A_96 = arith.constant 1 : i32
    %while3A_97 = arith.divsi %while3A_94, %while3A_96 : i32
    %while3A_98 = arith.muli %while3A_97, %while3A_96 : i32
    %while3A_99 = arith.addi %while3A_93, %while3A_98 : i32
    %while3A_100 = arith.constant 1 : i32
    scf.for %while3A_220 = %while3A_93 to %while3A_99 step %while3A_100  : i32 {
      %mul3A_221 = arith.constant 2 : i32
      %mul3A_222 = arith.muli %mul3A_221, %while3A_220 : i32
      %add3A_223 = arith.constant 0 : i32
      %add3A_224 = arith.addi %mul3A_222, %add3A_223 : i32
      %dma_wait3A = arith.constant 0 : i32
      %dma_wait3A_225 = tpu.memref_slice %arg10[%add3A_224, %dma_wait3A] : memref<136x128xi32, #tpu.memory_space<vmem>> -> memref<1x128xi32, #tpu.memory_space<vmem>>
      %dma_wait3A_226 = tpu.memref_squeeze %dma_wait3A_225 : memref<1x128xi32, #tpu.memory_space<vmem>> -> memref<128xi32, #tpu.memory_space<vmem>>
      %dma_wait3A_227 = arith.constant 0 : i32
      %dma_wait3A_228 = arith.constant 0 : i32
      %dma_wait3A_229 = tpu.memref_slice %arg2[%dma_wait3A_227, %dma_wait3A_228] : memref<16896x64xf32, #tpu.memory_space<hbm>> -> memref<16896x64xf32, #tpu.memory_space<hbm>>
      tpu.wait_indirect_dma semaphore(%arg15 : memref<!tpu.dma_semaphore, #tpu.memory_space<semaphore_mem>>) src(%dma_wait3A_229 : memref<16896x64xf32, #tpu.memory_space<hbm>>) dst(%arg12 : memref<128x64xf32, #tpu.memory_space<vmem>>)
      "tpu.region"() ({
        %run_scoped3A = tpu.sem_alloc : memref<!tpu.dma_semaphore, #tpu.memory_space<semaphore_mem>>
        %dma_start3A_249 = arith.constant 0 : i32
        %dma_start3A_250 = tpu.memref_slice %arg11[%add3A_224, %dma_start3A_249] : memref<136x128xi32, #tpu.memory_space<vmem>> -> memref<1x128xi32, #tpu.memory_space<vmem>>
        %dma_start3A_251 = tpu.memref_squeeze %dma_start3A_250 : memref<1x128xi32, #tpu.memory_space<vmem>> -> memref<128xi32, #tpu.memory_space<vmem>>
        %dma_start3A_252 = arith.constant 0 : i32
        %dma_start3A_253 = arith.constant 0 : i32
        %dma_start3A_254 = tpu.memref_slice %arg14[%dma_start3A_252, %dma_start3A_253] : memref<16896x64xf32, #tpu.memory_space<vmem_shared>> -> memref<16896x64xf32, #tpu.memory_space<vmem_shared>>
        tpu.enqueue_indirect_dma source(%arg12 : memref<128x64xf32, #tpu.memory_space<vmem>>) target(%dma_start3A_254 : memref<16896x64xf32, #tpu.memory_space<vmem_shared>>) offsets(%dma_start3A_251 : memref<128xi32, #tpu.memory_space<vmem>>) semaphore(%run_scoped3A : memref<!tpu.dma_semaphore, #tpu.memory_space<semaphore_mem>>) {add = true}
        %dma_wait3A_255 = arith.constant 0 : i32
        %dma_wait3A_256 = tpu.memref_slice %arg11[%add3A_224, %dma_wait3A_255] : memref<136x128xi32, #tpu.memory_space<vmem>> -> memref<1x128xi32, #tpu.memory_space<vmem>>
        %dma_wait3A_257 = tpu.memref_squeeze %dma_wait3A_256 : memref<1x128xi32, #tpu.memory_space<vmem>> -> memref<128xi32, #tpu.memory_space<vmem>>
        %dma_wait3A_258 = arith.constant 0 : i32
        %dma_wait3A_259 = arith.constant 0 : i32
        %dma_wait3A_260 = tpu.memref_slice %arg14[%dma_wait3A_258, %dma_wait3A_259] : memref<16896x64xf32, #tpu.memory_space<vmem_shared>> -> memref<16896x64xf32, #tpu.memory_space<vmem_shared>>
        tpu.wait_indirect_dma semaphore(%run_scoped3A : memref<!tpu.dma_semaphore, #tpu.memory_space<semaphore_mem>>) src(%arg12 : memref<128x64xf32, #tpu.memory_space<vmem>>) dst(%dma_wait3A_260 : memref<16896x64xf32, #tpu.memory_space<vmem_shared>>)
        tpu.yield
      }) : () -> ()
      %sub3A_230 = arith.constant 1 : i32
      %sub3A_231 = arith.subi %select_n3A_92, %sub3A_230 : i32
      %lt3A = arith.cmpi slt, %while3A_220, %sub3A_231 : i32
      %convert_element_type3A = arith.extui %lt3A : i1 to i32
      %cond3A = arith.constant 0 : i32
      %cond3A_232 = arith.cmpi ne, %convert_element_type3A, %cond3A : i32
      scf.if %cond3A_232 {
        %add3A_249 = arith.constant 2 : i32
        %add3A_250 = arith.addi %add3A_224, %add3A_249 : i32
        %dma_start3A_251 = arith.constant 0 : i32
        %dma_start3A_252 = tpu.memref_slice %arg10[%add3A_250, %dma_start3A_251] : memref<136x128xi32, #tpu.memory_space<vmem>> -> memref<1x128xi32, #tpu.memory_space<vmem>>
        %dma_start3A_253 = tpu.memref_squeeze %dma_start3A_252 : memref<1x128xi32, #tpu.memory_space<vmem>> -> memref<128xi32, #tpu.memory_space<vmem>>
        %dma_start3A_254 = arith.constant 0 : i32
        %dma_start3A_255 = arith.constant 0 : i32
        %dma_start3A_256 = tpu.memref_slice %arg2[%dma_start3A_254, %dma_start3A_255] : memref<16896x64xf32, #tpu.memory_space<hbm>> -> memref<16896x64xf32, #tpu.memory_space<hbm>>
        tpu.enqueue_indirect_dma source(%dma_start3A_256 : memref<16896x64xf32, #tpu.memory_space<hbm>>) target(%arg12 : memref<128x64xf32, #tpu.memory_space<vmem>>) offsets(%dma_start3A_253 : memref<128xi32, #tpu.memory_space<vmem>>) semaphore(%arg15 : memref<!tpu.dma_semaphore, #tpu.memory_space<semaphore_mem>>)
      } else {
      }
      %mul3A_233 = arith.constant 2 : i32
      %mul3A_234 = arith.muli %mul3A_233, %while3A_220 : i32
      %add3A_235 = arith.constant 1 : i32
      %add3A_236 = arith.addi %mul3A_234, %add3A_235 : i32
      %dma_wait3A_237 = arith.constant 0 : i32
      %dma_wait3A_238 = tpu.memref_slice %arg10[%add3A_236, %dma_wait3A_237] : memref<136x128xi32, #tpu.memory_space<vmem>> -> memref<1x128xi32, #tpu.memory_space<vmem>>
      %dma_wait3A_239 = tpu.memref_squeeze %dma_wait3A_238 : memref<1x128xi32, #tpu.memory_space<vmem>> -> memref<128xi32, #tpu.memory_space<vmem>>
      %dma_wait3A_240 = arith.constant 0 : i32
      %dma_wait3A_241 = arith.constant 0 : i32
      %dma_wait3A_242 = tpu.memref_slice %arg2[%dma_wait3A_240, %dma_wait3A_241] : memref<16896x64xf32, #tpu.memory_space<hbm>> -> memref<16896x64xf32, #tpu.memory_space<hbm>>
      tpu.wait_indirect_dma semaphore(%arg16 : memref<!tpu.dma_semaphore, #tpu.memory_space<semaphore_mem>>) src(%dma_wait3A_242 : memref<16896x64xf32, #tpu.memory_space<hbm>>) dst(%arg13 : memref<128x64xf32, #tpu.memory_space<vmem>>)
      "tpu.region"() ({
        %run_scoped3A = tpu.sem_alloc : memref<!tpu.dma_semaphore, #tpu.memory_space<semaphore_mem>>
        %dma_start3A_249 = arith.constant 0 : i32
        %dma_start3A_250 = tpu.memref_slice %arg11[%add3A_236, %dma_start3A_249] : memref<136x128xi32, #tpu.memory_space<vmem>> -> memref<1x128xi32, #tpu.memory_space<vmem>>
        %dma_start3A_251 = tpu.memref_squeeze %dma_start3A_250 : memref<1x128xi32, #tpu.memory_space<vmem>> -> memref<128xi32, #tpu.memory_space<vmem>>
        %dma_start3A_252 = arith.constant 0 : i32
        %dma_start3A_253 = arith.constant 0 : i32
        %dma_start3A_254 = tpu.memref_slice %arg14[%dma_start3A_252, %dma_start3A_253] : memref<16896x64xf32, #tpu.memory_space<vmem_shared>> -> memref<16896x64xf32, #tpu.memory_space<vmem_shared>>
        tpu.enqueue_indirect_dma source(%arg13 : memref<128x64xf32, #tpu.memory_space<vmem>>) target(%dma_start3A_254 : memref<16896x64xf32, #tpu.memory_space<vmem_shared>>) offsets(%dma_start3A_251 : memref<128xi32, #tpu.memory_space<vmem>>) semaphore(%run_scoped3A : memref<!tpu.dma_semaphore, #tpu.memory_space<semaphore_mem>>) {add = true}
        %dma_wait3A_255 = arith.constant 0 : i32
        %dma_wait3A_256 = tpu.memref_slice %arg11[%add3A_236, %dma_wait3A_255] : memref<136x128xi32, #tpu.memory_space<vmem>> -> memref<1x128xi32, #tpu.memory_space<vmem>>
        %dma_wait3A_257 = tpu.memref_squeeze %dma_wait3A_256 : memref<1x128xi32, #tpu.memory_space<vmem>> -> memref<128xi32, #tpu.memory_space<vmem>>
        %dma_wait3A_258 = arith.constant 0 : i32
        %dma_wait3A_259 = arith.constant 0 : i32
        %dma_wait3A_260 = tpu.memref_slice %arg14[%dma_wait3A_258, %dma_wait3A_259] : memref<16896x64xf32, #tpu.memory_space<vmem_shared>> -> memref<16896x64xf32, #tpu.memory_space<vmem_shared>>
        tpu.wait_indirect_dma semaphore(%run_scoped3A : memref<!tpu.dma_semaphore, #tpu.memory_space<semaphore_mem>>) src(%arg13 : memref<128x64xf32, #tpu.memory_space<vmem>>) dst(%dma_wait3A_260 : memref<16896x64xf32, #tpu.memory_space<vmem_shared>>)
        tpu.yield
      }) : () -> ()
      %sub3A_243 = arith.constant 1 : i32
      %sub3A_244 = arith.subi %select_n3A_92, %sub3A_243 : i32
      %lt3A_245 = arith.cmpi slt, %while3A_220, %sub3A_244 : i32
      %convert_element_type3A_246 = arith.extui %lt3A_245 : i1 to i32
      %cond3A_247 = arith.constant 0 : i32
      %cond3A_248 = arith.cmpi ne, %convert_element_type3A_246, %cond3A_247 : i32
      scf.if %cond3A_248 {
        %add3A_249 = arith.constant 2 : i32
        %add3A_250 = arith.addi %add3A_236, %add3A_249 : i32
        %dma_start3A_251 = arith.constant 0 : i32
        %dma_start3A_252 = tpu.memref_slice %arg10[%add3A_250, %dma_start3A_251] : memref<136x128xi32, #tpu.memory_space<vmem>> -> memref<1x128xi32, #tpu.memory_space<vmem>>
        %dma_start3A_253 = tpu.memref_squeeze %dma_start3A_252 : memref<1x128xi32, #tpu.memory_space<vmem>> -> memref<128xi32, #tpu.memory_space<vmem>>
        %dma_start3A_254 = arith.constant 0 : i32
        %dma_start3A_255 = arith.constant 0 : i32
        %dma_start3A_256 = tpu.memref_slice %arg2[%dma_start3A_254, %dma_start3A_255] : memref<16896x64xf32, #tpu.memory_space<hbm>> -> memref<16896x64xf32, #tpu.memory_space<hbm>>
        tpu.enqueue_indirect_dma source(%dma_start3A_256 : memref<16896x64xf32, #tpu.memory_space<hbm>>) target(%arg13 : memref<128x64xf32, #tpu.memory_space<vmem>>) offsets(%dma_start3A_253 : memref<128xi32, #tpu.memory_space<vmem>>) semaphore(%arg16 : memref<!tpu.dma_semaphore, #tpu.memory_space<semaphore_mem>>)
      } else {
      }
    }
    %while3A_101 = arith.constant 1 : i32
    scf.for %while3A_220 = %while3A_99 to %while3A_95 step %while3A_101  : i32 {
      %mul3A_221 = arith.constant 2 : i32
      %mul3A_222 = arith.muli %mul3A_221, %while3A_220 : i32
      %add3A_223 = arith.constant 0 : i32
      %add3A_224 = arith.addi %mul3A_222, %add3A_223 : i32
      %dma_wait3A = arith.constant 0 : i32
      %dma_wait3A_225 = tpu.memref_slice %arg10[%add3A_224, %dma_wait3A] : memref<136x128xi32, #tpu.memory_space<vmem>> -> memref<1x128xi32, #tpu.memory_space<vmem>>
      %dma_wait3A_226 = tpu.memref_squeeze %dma_wait3A_225 : memref<1x128xi32, #tpu.memory_space<vmem>> -> memref<128xi32, #tpu.memory_space<vmem>>
      %dma_wait3A_227 = arith.constant 0 : i32
      %dma_wait3A_228 = arith.constant 0 : i32
      %dma_wait3A_229 = tpu.memref_slice %arg2[%dma_wait3A_227, %dma_wait3A_228] : memref<16896x64xf32, #tpu.memory_space<hbm>> -> memref<16896x64xf32, #tpu.memory_space<hbm>>
      tpu.wait_indirect_dma semaphore(%arg15 : memref<!tpu.dma_semaphore, #tpu.memory_space<semaphore_mem>>) src(%dma_wait3A_229 : memref<16896x64xf32, #tpu.memory_space<hbm>>) dst(%arg12 : memref<128x64xf32, #tpu.memory_space<vmem>>)
      "tpu.region"() ({
        %run_scoped3A = tpu.sem_alloc : memref<!tpu.dma_semaphore, #tpu.memory_space<semaphore_mem>>
        %dma_start3A_249 = arith.constant 0 : i32
        %dma_start3A_250 = tpu.memref_slice %arg11[%add3A_224, %dma_start3A_249] : memref<136x128xi32, #tpu.memory_space<vmem>> -> memref<1x128xi32, #tpu.memory_space<vmem>>
        %dma_start3A_251 = tpu.memref_squeeze %dma_start3A_250 : memref<1x128xi32, #tpu.memory_space<vmem>> -> memref<128xi32, #tpu.memory_space<vmem>>
        %dma_start3A_252 = arith.constant 0 : i32
        %dma_start3A_253 = arith.constant 0 : i32
        %dma_start3A_254 = tpu.memref_slice %arg14[%dma_start3A_252, %dma_start3A_253] : memref<16896x64xf32, #tpu.memory_space<vmem_shared>> -> memref<16896x64xf32, #tpu.memory_space<vmem_shared>>
        tpu.enqueue_indirect_dma source(%arg12 : memref<128x64xf32, #tpu.memory_space<vmem>>) target(%dma_start3A_254 : memref<16896x64xf32, #tpu.memory_space<vmem_shared>>) offsets(%dma_start3A_251 : memref<128xi32, #tpu.memory_space<vmem>>) semaphore(%run_scoped3A : memref<!tpu.dma_semaphore, #tpu.memory_space<semaphore_mem>>) {add = true}
        %dma_wait3A_255 = arith.constant 0 : i32
        %dma_wait3A_256 = tpu.memref_slice %arg11[%add3A_224, %dma_wait3A_255] : memref<136x128xi32, #tpu.memory_space<vmem>> -> memref<1x128xi32, #tpu.memory_space<vmem>>
        %dma_wait3A_257 = tpu.memref_squeeze %dma_wait3A_256 : memref<1x128xi32, #tpu.memory_space<vmem>> -> memref<128xi32, #tpu.memory_space<vmem>>
        %dma_wait3A_258 = arith.constant 0 : i32
        %dma_wait3A_259 = arith.constant 0 : i32
        %dma_wait3A_260 = tpu.memref_slice %arg14[%dma_wait3A_258, %dma_wait3A_259] : memref<16896x64xf32, #tpu.memory_space<vmem_shared>> -> memref<16896x64xf32, #tpu.memory_space<vmem_shared>>
        tpu.wait_indirect_dma semaphore(%run_scoped3A : memref<!tpu.dma_semaphore, #tpu.memory_space<semaphore_mem>>) src(%arg12 : memref<128x64xf32, #tpu.memory_space<vmem>>) dst(%dma_wait3A_260 : memref<16896x64xf32, #tpu.memory_space<vmem_shared>>)
        tpu.yield
      }) : () -> ()
      %sub3A_230 = arith.constant 1 : i32
      %sub3A_231 = arith.subi %select_n3A_92, %sub3A_230 : i32
      %lt3A = arith.cmpi slt, %while3A_220, %sub3A_231 : i32
      %convert_element_type3A = arith.extui %lt3A : i1 to i32
      %cond3A = arith.constant 0 : i32
      %cond3A_232 = arith.cmpi ne, %convert_element_type3A, %cond3A : i32
      scf.if %cond3A_232 {
        %add3A_249 = arith.constant 2 : i32
        %add3A_250 = arith.addi %add3A_224, %add3A_249 : i32
        %dma_start3A_251 = arith.constant 0 : i32
        %dma_start3A_252 = tpu.memref_slice %arg10[%add3A_250, %dma_start3A_251] : memref<136x128xi32, #tpu.memory_space<vmem>> -> memref<1x128xi32, #tpu.memory_space<vmem>>
        %dma_start3A_253 = tpu.memref_squeeze %dma_start3A_252 : memref<1x128xi32, #tpu.memory_space<vmem>> -> memref<128xi32, #tpu.memory_space<vmem>>
        %dma_start3A_254 = arith.constant 0 : i32
        %dma_start3A_255 = arith.constant 0 : i32
        %dma_start3A_256 = tpu.memref_slice %arg2[%dma_start3A_254, %dma_start3A_255] : memref<16896x64xf32, #tpu.memory_space<hbm>> -> memref<16896x64xf32, #tpu.memory_space<hbm>>
        tpu.enqueue_indirect_dma source(%dma_start3A_256 : memref<16896x64xf32, #tpu.memory_space<hbm>>) target(%arg12 : memref<128x64xf32, #tpu.memory_space<vmem>>) offsets(%dma_start3A_253 : memref<128xi32, #tpu.memory_space<vmem>>) semaphore(%arg15 : memref<!tpu.dma_semaphore, #tpu.memory_space<semaphore_mem>>)
      } else {
      }
      %mul3A_233 = arith.constant 2 : i32
      %mul3A_234 = arith.muli %mul3A_233, %while3A_220 : i32
      %add3A_235 = arith.constant 1 : i32
      %add3A_236 = arith.addi %mul3A_234, %add3A_235 : i32
      %dma_wait3A_237 = arith.constant 0 : i32
      %dma_wait3A_238 = tpu.memref_slice %arg10[%add3A_236, %dma_wait3A_237] : memref<136x128xi32, #tpu.memory_space<vmem>> -> memref<1x128xi32, #tpu.memory_space<vmem>>
      %dma_wait3A_239 = tpu.memref_squeeze %dma_wait3A_238 : memref<1x128xi32, #tpu.memory_space<vmem>> -> memref<128xi32, #tpu.memory_space<vmem>>
      %dma_wait3A_240 = arith.constant 0 : i32
      %dma_wait3A_241 = arith.constant 0 : i32
      %dma_wait3A_242 = tpu.memref_slice %arg2[%dma_wait3A_240, %dma_wait3A_241] : memref<16896x64xf32, #tpu.memory_space<hbm>> -> memref<16896x64xf32, #tpu.memory_space<hbm>>
      tpu.wait_indirect_dma semaphore(%arg16 : memref<!tpu.dma_semaphore, #tpu.memory_space<semaphore_mem>>) src(%dma_wait3A_242 : memref<16896x64xf32, #tpu.memory_space<hbm>>) dst(%arg13 : memref<128x64xf32, #tpu.memory_space<vmem>>)
      "tpu.region"() ({
        %run_scoped3A = tpu.sem_alloc : memref<!tpu.dma_semaphore, #tpu.memory_space<semaphore_mem>>
        %dma_start3A_249 = arith.constant 0 : i32
        %dma_start3A_250 = tpu.memref_slice %arg11[%add3A_236, %dma_start3A_249] : memref<136x128xi32, #tpu.memory_space<vmem>> -> memref<1x128xi32, #tpu.memory_space<vmem>>
        %dma_start3A_251 = tpu.memref_squeeze %dma_start3A_250 : memref<1x128xi32, #tpu.memory_space<vmem>> -> memref<128xi32, #tpu.memory_space<vmem>>
        %dma_start3A_252 = arith.constant 0 : i32
        %dma_start3A_253 = arith.constant 0 : i32
        %dma_start3A_254 = tpu.memref_slice %arg14[%dma_start3A_252, %dma_start3A_253] : memref<16896x64xf32, #tpu.memory_space<vmem_shared>> -> memref<16896x64xf32, #tpu.memory_space<vmem_shared>>
        tpu.enqueue_indirect_dma source(%arg13 : memref<128x64xf32, #tpu.memory_space<vmem>>) target(%dma_start3A_254 : memref<16896x64xf32, #tpu.memory_space<vmem_shared>>) offsets(%dma_start3A_251 : memref<128xi32, #tpu.memory_space<vmem>>) semaphore(%run_scoped3A : memref<!tpu.dma_semaphore, #tpu.memory_space<semaphore_mem>>) {add = true}
        %dma_wait3A_255 = arith.constant 0 : i32
        %dma_wait3A_256 = tpu.memref_slice %arg11[%add3A_236, %dma_wait3A_255] : memref<136x128xi32, #tpu.memory_space<vmem>> -> memref<1x128xi32, #tpu.memory_space<vmem>>
        %dma_wait3A_257 = tpu.memref_squeeze %dma_wait3A_256 : memref<1x128xi32, #tpu.memory_space<vmem>> -> memref<128xi32, #tpu.memory_space<vmem>>
        %dma_wait3A_258 = arith.constant 0 : i32
        %dma_wait3A_259 = arith.constant 0 : i32
        %dma_wait3A_260 = tpu.memref_slice %arg14[%dma_wait3A_258, %dma_wait3A_259] : memref<16896x64xf32, #tpu.memory_space<vmem_shared>> -> memref<16896x64xf32, #tpu.memory_space<vmem_shared>>
        tpu.wait_indirect_dma semaphore(%run_scoped3A : memref<!tpu.dma_semaphore, #tpu.memory_space<semaphore_mem>>) src(%arg13 : memref<128x64xf32, #tpu.memory_space<vmem>>) dst(%dma_wait3A_260 : memref<16896x64xf32, #tpu.memory_space<vmem_shared>>)
        tpu.yield
      }) : () -> ()
      %sub3A_243 = arith.constant 1 : i32
      %sub3A_244 = arith.subi %select_n3A_92, %sub3A_243 : i32
      %lt3A_245 = arith.cmpi slt, %while3A_220, %sub3A_244 : i32
      %convert_element_type3A_246 = arith.extui %lt3A_245 : i1 to i32
      %cond3A_247 = arith.constant 0 : i32
      %cond3A_248 = arith.cmpi ne, %convert_element_type3A_246, %cond3A_247 : i32
      scf.if %cond3A_248 {
        %add3A_249 = arith.constant 2 : i32
        %add3A_250 = arith.addi %add3A_236, %add3A_249 : i32
        %dma_start3A_251 = arith.constant 0 : i32
        %dma_start3A_252 = tpu.memref_slice %arg10[%add3A_250, %dma_start3A_251] : memref<136x128xi32, #tpu.memory_space<vmem>> -> memref<1x128xi32, #tpu.memory_space<vmem>>
        %dma_start3A_253 = tpu.memref_squeeze %dma_start3A_252 : memref<1x128xi32, #tpu.memory_space<vmem>> -> memref<128xi32, #tpu.memory_space<vmem>>
        %dma_start3A_254 = arith.constant 0 : i32
        %dma_start3A_255 = arith.constant 0 : i32
        %dma_start3A_256 = tpu.memref_slice %arg2[%dma_start3A_254, %dma_start3A_255] : memref<16896x64xf32, #tpu.memory_space<hbm>> -> memref<16896x64xf32, #tpu.memory_space<hbm>>
        tpu.enqueue_indirect_dma source(%dma_start3A_256 : memref<16896x64xf32, #tpu.memory_space<hbm>>) target(%arg13 : memref<128x64xf32, #tpu.memory_space<vmem>>) offsets(%dma_start3A_253 : memref<128xi32, #tpu.memory_space<vmem>>) semaphore(%arg16 : memref<!tpu.dma_semaphore, #tpu.memory_space<semaphore_mem>>)
      } else {
      }
    }
    %barrier3A_102 = arith.constant 0 : index
    tpu.barrier barrier_id(%barrier3A_102)
    %mul3A_103 = arith.constant 16896 : i32
    %mul3A_104 = arith.muli %arg0, %mul3A_103 : i32
    %add3A_105 = arith.addi %mul3A_104, %mul3A_2 : i32
    "tpu.region"() ({
      %run_scoped3A = tpu.sem_alloc : memref<!tpu.dma_semaphore, #tpu.memory_space<semaphore_mem>>
      %dma_start3A_220 = arith.constant 0 : i32
      %dma_start3A_221 = tpu.memref_slice %arg9[%add3A_105, %dma_start3A_220] : memref<33792x128xf32, #tpu.memory_space<hbm>> -> memref<1056x64xf32, #tpu.memory_space<hbm>>
      %dma_start3A_222 = arith.constant 0 : i32
      %dma_start3A_223 = tpu.memref_slice %arg14[%mul3A_2, %dma_start3A_222] : memref<16896x64xf32, #tpu.memory_space<vmem_shared>> -> memref<1056x64xf32, #tpu.memory_space<vmem_shared>>
      tpu.enqueue_dma source(%dma_start3A_223 : memref<1056x64xf32, #tpu.memory_space<vmem_shared>>) target(%dma_start3A_221 : memref<1056x64xf32, #tpu.memory_space<hbm>>) target_semaphore(%run_scoped3A : memref<!tpu.dma_semaphore, #tpu.memory_space<semaphore_mem>>)
      %dma_wait3A = arith.constant 0 : i32
      %dma_wait3A_224 = tpu.memref_slice %arg9[%add3A_105, %dma_wait3A] : memref<33792x128xf32, #tpu.memory_space<hbm>> -> memref<1056x64xf32, #tpu.memory_space<hbm>>
      %dma_wait3A_225 = arith.constant 0 : i32
      %dma_wait3A_226 = tpu.memref_slice %arg14[%mul3A_2, %dma_wait3A_225] : memref<16896x64xf32, #tpu.memory_space<vmem_shared>> -> memref<1056x64xf32, #tpu.memory_space<vmem_shared>>
      tpu.wait_dma2 semaphore(%run_scoped3A : memref<!tpu.dma_semaphore, #tpu.memory_space<semaphore_mem>>) src(%dma_wait3A_226 : memref<1056x64xf32, #tpu.memory_space<vmem_shared>>) dst(%dma_wait3A_224 : memref<1056x64xf32, #tpu.memory_space<hbm>>)
      tpu.yield
    }) : () -> ()
    "tpu.region"() ({
      %run_scoped3A = tpu.sem_alloc : memref<!tpu.dma_semaphore, #tpu.memory_space<semaphore_mem>>
      %dma_start3A_220 = arith.constant 0 : i32
      %dma_start3A_221 = tpu.memref_slice %arg14[%mul3A_2, %dma_start3A_220] : memref<16896x64xf32, #tpu.memory_space<vmem_shared>> -> memref<1056x64xf32, #tpu.memory_space<vmem_shared>>
      tpu.enqueue_dma source(%arg6 : memref<1056x64xf32, #tpu.memory_space<hbm>>) target(%dma_start3A_221 : memref<1056x64xf32, #tpu.memory_space<vmem_shared>>) target_semaphore(%run_scoped3A : memref<!tpu.dma_semaphore, #tpu.memory_space<semaphore_mem>>)
      %dma_wait3A = arith.constant 0 : i32
      %dma_wait3A_222 = tpu.memref_slice %arg14[%mul3A_2, %dma_wait3A] : memref<16896x64xf32, #tpu.memory_space<vmem_shared>> -> memref<1056x64xf32, #tpu.memory_space<vmem_shared>>
      tpu.wait_dma2 semaphore(%run_scoped3A : memref<!tpu.dma_semaphore, #tpu.memory_space<semaphore_mem>>) src(%arg6 : memref<1056x64xf32, #tpu.memory_space<hbm>>) dst(%dma_wait3A_222 : memref<1056x64xf32, #tpu.memory_space<vmem_shared>>)
      tpu.yield
    }) : () -> ()
    %barrier3A_106 = arith.constant 0 : index
    tpu.barrier barrier_id(%barrier3A_106)
    %mul3A_107 = arith.constant 66 : i32
    %mul3A_108 = arith.muli %mul3A_107, %add3A : i32
    %jit3A_109 = arith.constant 8 : i32
    %div3A_110 = arith.divsi %mul3A_108, %jit3A_109 : i32
    %sign3A_111 = arith.constant 0 : i32
    %sign3A_112 = arith.cmpi sgt, %mul3A_108, %sign3A_111 : i32
    %sign3A_113 = arith.extui %sign3A_112 : i1 to i32
    %sign3A_114 = arith.constant 0 : i32
    %sign3A_115 = arith.cmpi slt, %mul3A_108, %sign3A_114 : i32
    %sign3A_116 = arith.extui %sign3A_115 : i1 to i32
    %sign3A_117 = arith.subi %sign3A_113, %sign3A_116 : i32
    %sign3A_118 = arith.constant 0 : i32
    %sign3A_119 = arith.cmpi sgt, %jit3A_109, %sign3A_118 : i32
    %sign3A_120 = arith.extui %sign3A_119 : i1 to i32
    %sign3A_121 = arith.constant 0 : i32
    %sign3A_122 = arith.cmpi slt, %jit3A_109, %sign3A_121 : i32
    %sign3A_123 = arith.extui %sign3A_122 : i1 to i32
    %sign3A_124 = arith.subi %sign3A_120, %sign3A_123 : i32
    %ne3A_125 = arith.cmpi ne, %sign3A_117, %sign3A_124 : i32
    %rem3A_126 = arith.remsi %mul3A_108, %jit3A_109 : i32
    %ne3A_127 = arith.constant 0 : i32
    %ne3A_128 = arith.cmpi ne, %rem3A_126, %ne3A_127 : i32
    %and3A_129 = arith.andi %ne3A_125, %ne3A_128 : i1
    %sub3A_130 = arith.constant 1 : i32
    %sub3A_131 = arith.subi %div3A_110, %sub3A_130 : i32
    %select_n3A_132 = arith.select %and3A_129, %sub3A_131, %div3A_110 : i32
    %mul3A_133 = arith.constant 8 : i32
    %mul3A_134 = arith.muli %select_n3A_132, %mul3A_133 : i32
    %mul3A_135 = arith.constant 66 : i32
    %mul3A_136 = arith.muli %mul3A_135, %add3A : i32
    %add3A_137 = arith.constant 66 : i32
    %add3A_138 = arith.addi %mul3A_136, %add3A_137 : i32
    %jit3A_139 = arith.constant 8 : i32
    %div3A_140 = arith.divsi %add3A_138, %jit3A_139 : i32
    %sign3A_141 = arith.constant 0 : i32
    %sign3A_142 = arith.cmpi sgt, %add3A_138, %sign3A_141 : i32
    %sign3A_143 = arith.extui %sign3A_142 : i1 to i32
    %sign3A_144 = arith.constant 0 : i32
    %sign3A_145 = arith.cmpi slt, %add3A_138, %sign3A_144 : i32
    %sign3A_146 = arith.extui %sign3A_145 : i1 to i32
    %sign3A_147 = arith.subi %sign3A_143, %sign3A_146 : i32
    %sign3A_148 = arith.constant 0 : i32
    %sign3A_149 = arith.cmpi sgt, %jit3A_139, %sign3A_148 : i32
    %sign3A_150 = arith.extui %sign3A_149 : i1 to i32
    %sign3A_151 = arith.constant 0 : i32
    %sign3A_152 = arith.cmpi slt, %jit3A_139, %sign3A_151 : i32
    %sign3A_153 = arith.extui %sign3A_152 : i1 to i32
    %sign3A_154 = arith.subi %sign3A_150, %sign3A_153 : i32
    %ne3A_155 = arith.cmpi ne, %sign3A_147, %sign3A_154 : i32
    %rem3A_156 = arith.remsi %add3A_138, %jit3A_139 : i32
    %ne3A_157 = arith.constant 0 : i32
    %ne3A_158 = arith.cmpi ne, %rem3A_156, %ne3A_157 : i32
    %and3A_159 = arith.andi %ne3A_155, %ne3A_158 : i1
    %sub3A_160 = arith.constant 1 : i32
    %sub3A_161 = arith.subi %div3A_140, %sub3A_160 : i32
    %select_n3A_162 = arith.select %and3A_159, %sub3A_161, %div3A_140 : i32
    %mul3A_163 = arith.constant 8 : i32
    %mul3A_164 = arith.muli %select_n3A_162, %mul3A_163 : i32
    %sub3A_165 = arith.subi %mul3A_164, %mul3A_134 : i32
    "tpu.region"() ({
      %run_scoped3A = tpu.sem_alloc : memref<!tpu.dma_semaphore, #tpu.memory_space<semaphore_mem>>
      %dma_start3A_220 = arith.constant 0 : i32
      %dma_start3A_221 = arith.constant 0 : i32
      %dma_start3A_222 = tpu.memref_slice %arg10[%dma_start3A_220, %dma_start3A_221] : memref<136x128xi32, #tpu.memory_space<vmem>> -> memref<72x128xi32, #tpu.memory_space<vmem>>
      %dma_start3A_223 = arith.constant 0 : i32
      %dma_start3A_224 = tpu.memref_slice %arg5[%mul3A_134, %dma_start3A_223] : memref<4224x128xi32, #tpu.memory_space<hbm>> -> memref<72x128xi32, #tpu.memory_space<hbm>>
      %dma_start3A_225 = arith.constant 0 : i32
      %dma_start3A_226 = arith.constant 0 : i32
      %dma_start3A_227 = tpu.memref_slice %arg10[%dma_start3A_225, %dma_start3A_226] : memref<136x128xi32, #tpu.memory_space<vmem>> -> memref<72x128xi32, #tpu.memory_space<vmem>>
      %dma_start3A_228 = arith.constant 0 : i32
      %dma_start3A_229 = tpu.memref_slice %arg5[%mul3A_134, %dma_start3A_228] : memref<4224x128xi32, #tpu.memory_space<hbm>> -> memref<72x128xi32, #tpu.memory_space<hbm>>
      tpu.enqueue_dma source(%dma_start3A_229 : memref<72x128xi32, #tpu.memory_space<hbm>>) target(%dma_start3A_227 : memref<72x128xi32, #tpu.memory_space<vmem>>) target_semaphore(%run_scoped3A : memref<!tpu.dma_semaphore, #tpu.memory_space<semaphore_mem>>)
      %dma_wait3A = arith.constant 0 : i32
      %dma_wait3A_230 = arith.constant 0 : i32
      %dma_wait3A_231 = tpu.memref_slice %arg10[%dma_wait3A, %dma_wait3A_230] : memref<136x128xi32, #tpu.memory_space<vmem>> -> memref<72x128xi32, #tpu.memory_space<vmem>>
      %dma_wait3A_232 = arith.constant 0 : i32
      %dma_wait3A_233 = tpu.memref_slice %arg5[%mul3A_134, %dma_wait3A_232] : memref<4224x128xi32, #tpu.memory_space<hbm>> -> memref<72x128xi32, #tpu.memory_space<hbm>>
      %dma_wait3A_234 = arith.constant 0 : i32
      %dma_wait3A_235 = arith.constant 0 : i32
      %dma_wait3A_236 = tpu.memref_slice %arg10[%dma_wait3A_234, %dma_wait3A_235] : memref<136x128xi32, #tpu.memory_space<vmem>> -> memref<72x128xi32, #tpu.memory_space<vmem>>
      %dma_wait3A_237 = arith.constant 0 : i32
      %dma_wait3A_238 = tpu.memref_slice %arg5[%mul3A_134, %dma_wait3A_237] : memref<4224x128xi32, #tpu.memory_space<hbm>> -> memref<72x128xi32, #tpu.memory_space<hbm>>
      tpu.wait_dma2 semaphore(%run_scoped3A : memref<!tpu.dma_semaphore, #tpu.memory_space<semaphore_mem>>) src(%dma_wait3A_238 : memref<72x128xi32, #tpu.memory_space<hbm>>) dst(%dma_wait3A_236 : memref<72x128xi32, #tpu.memory_space<vmem>>)
      tpu.yield
    }) : () -> ()
    %add3A_166 = arith.constant 2112 : i32
    %add3A_167 = arith.addi %add3A_166, %mul3A_134 : i32
    "tpu.region"() ({
      %run_scoped3A = tpu.sem_alloc : memref<!tpu.dma_semaphore, #tpu.memory_space<semaphore_mem>>
      %dma_start3A_220 = arith.constant 0 : i32
      %dma_start3A_221 = arith.constant 0 : i32
      %dma_start3A_222 = tpu.memref_slice %arg11[%dma_start3A_220, %dma_start3A_221] : memref<136x128xi32, #tpu.memory_space<vmem>> -> memref<72x128xi32, #tpu.memory_space<vmem>>
      %dma_start3A_223 = arith.constant 0 : i32
      %dma_start3A_224 = tpu.memref_slice %arg5[%add3A_167, %dma_start3A_223] : memref<4224x128xi32, #tpu.memory_space<hbm>> -> memref<72x128xi32, #tpu.memory_space<hbm>>
      %dma_start3A_225 = arith.constant 0 : i32
      %dma_start3A_226 = arith.constant 0 : i32
      %dma_start3A_227 = tpu.memref_slice %arg11[%dma_start3A_225, %dma_start3A_226] : memref<136x128xi32, #tpu.memory_space<vmem>> -> memref<72x128xi32, #tpu.memory_space<vmem>>
      %dma_start3A_228 = arith.constant 0 : i32
      %dma_start3A_229 = tpu.memref_slice %arg5[%add3A_167, %dma_start3A_228] : memref<4224x128xi32, #tpu.memory_space<hbm>> -> memref<72x128xi32, #tpu.memory_space<hbm>>
      tpu.enqueue_dma source(%dma_start3A_229 : memref<72x128xi32, #tpu.memory_space<hbm>>) target(%dma_start3A_227 : memref<72x128xi32, #tpu.memory_space<vmem>>) target_semaphore(%run_scoped3A : memref<!tpu.dma_semaphore, #tpu.memory_space<semaphore_mem>>)
      %dma_wait3A = arith.constant 0 : i32
      %dma_wait3A_230 = arith.constant 0 : i32
      %dma_wait3A_231 = tpu.memref_slice %arg11[%dma_wait3A, %dma_wait3A_230] : memref<136x128xi32, #tpu.memory_space<vmem>> -> memref<72x128xi32, #tpu.memory_space<vmem>>
      %dma_wait3A_232 = arith.constant 0 : i32
      %dma_wait3A_233 = tpu.memref_slice %arg5[%add3A_167, %dma_wait3A_232] : memref<4224x128xi32, #tpu.memory_space<hbm>> -> memref<72x128xi32, #tpu.memory_space<hbm>>
      %dma_wait3A_234 = arith.constant 0 : i32
      %dma_wait3A_235 = arith.constant 0 : i32
      %dma_wait3A_236 = tpu.memref_slice %arg11[%dma_wait3A_234, %dma_wait3A_235] : memref<136x128xi32, #tpu.memory_space<vmem>> -> memref<72x128xi32, #tpu.memory_space<vmem>>
      %dma_wait3A_237 = arith.constant 0 : i32
      %dma_wait3A_238 = tpu.memref_slice %arg5[%add3A_167, %dma_wait3A_237] : memref<4224x128xi32, #tpu.memory_space<hbm>> -> memref<72x128xi32, #tpu.memory_space<hbm>>
      tpu.wait_dma2 semaphore(%run_scoped3A : memref<!tpu.dma_semaphore, #tpu.memory_space<semaphore_mem>>) src(%dma_wait3A_238 : memref<72x128xi32, #tpu.memory_space<hbm>>) dst(%dma_wait3A_236 : memref<72x128xi32, #tpu.memory_space<vmem>>)
      tpu.yield
    }) : () -> ()
    %dma_start3A_168 = arith.constant 0 : i32
    %dma_start3A_169 = arith.constant 0 : i32
    %dma_start3A_170 = tpu.memref_slice %arg10[%dma_start3A_168, %dma_start3A_169] : memref<136x128xi32, #tpu.memory_space<vmem>> -> memref<1x128xi32, #tpu.memory_space<vmem>>
    %dma_start3A_171 = tpu.memref_squeeze %dma_start3A_170 : memref<1x128xi32, #tpu.memory_space<vmem>> -> memref<128xi32, #tpu.memory_space<vmem>>
    %dma_start3A_172 = arith.constant 0 : i32
    %dma_start3A_173 = arith.constant 0 : i32
    %dma_start3A_174 = tpu.memref_slice %arg3[%dma_start3A_172, %dma_start3A_173] : memref<16896x64xf32, #tpu.memory_space<hbm>> -> memref<16896x64xf32, #tpu.memory_space<hbm>>
    tpu.enqueue_indirect_dma source(%dma_start3A_174 : memref<16896x64xf32, #tpu.memory_space<hbm>>) target(%arg12 : memref<128x64xf32, #tpu.memory_space<vmem>>) offsets(%dma_start3A_171 : memref<128xi32, #tpu.memory_space<vmem>>) semaphore(%arg15 : memref<!tpu.dma_semaphore, #tpu.memory_space<semaphore_mem>>)
    %dma_start3A_175 = arith.constant 1 : i32
    %dma_start3A_176 = arith.constant 0 : i32
    %dma_start3A_177 = tpu.memref_slice %arg10[%dma_start3A_175, %dma_start3A_176] : memref<136x128xi32, #tpu.memory_space<vmem>> -> memref<1x128xi32, #tpu.memory_space<vmem>>
    %dma_start3A_178 = tpu.memref_squeeze %dma_start3A_177 : memref<1x128xi32, #tpu.memory_space<vmem>> -> memref<128xi32, #tpu.memory_space<vmem>>
    %dma_start3A_179 = arith.constant 0 : i32
    %dma_start3A_180 = arith.constant 0 : i32
    %dma_start3A_181 = tpu.memref_slice %arg3[%dma_start3A_179, %dma_start3A_180] : memref<16896x64xf32, #tpu.memory_space<hbm>> -> memref<16896x64xf32, #tpu.memory_space<hbm>>
    tpu.enqueue_indirect_dma source(%dma_start3A_181 : memref<16896x64xf32, #tpu.memory_space<hbm>>) target(%arg13 : memref<128x64xf32, #tpu.memory_space<vmem>>) offsets(%dma_start3A_178 : memref<128xi32, #tpu.memory_space<vmem>>) semaphore(%arg16 : memref<!tpu.dma_semaphore, #tpu.memory_space<semaphore_mem>>)
    %jit3A_182 = arith.constant 2 : i32
    %div3A_183 = arith.divsi %sub3A_165, %jit3A_182 : i32
    %sign3A_184 = arith.constant 0 : i32
    %sign3A_185 = arith.cmpi sgt, %sub3A_165, %sign3A_184 : i32
    %sign3A_186 = arith.extui %sign3A_185 : i1 to i32
    %sign3A_187 = arith.constant 0 : i32
    %sign3A_188 = arith.cmpi slt, %sub3A_165, %sign3A_187 : i32
    %sign3A_189 = arith.extui %sign3A_188 : i1 to i32
    %sign3A_190 = arith.subi %sign3A_186, %sign3A_189 : i32
    %sign3A_191 = arith.constant 0 : i32
    %sign3A_192 = arith.cmpi sgt, %jit3A_182, %sign3A_191 : i32
    %sign3A_193 = arith.extui %sign3A_192 : i1 to i32
    %sign3A_194 = arith.constant 0 : i32
    %sign3A_195 = arith.cmpi slt, %jit3A_182, %sign3A_194 : i32
    %sign3A_196 = arith.extui %sign3A_195 : i1 to i32
    %sign3A_197 = arith.subi %sign3A_193, %sign3A_196 : i32
    %ne3A_198 = arith.cmpi ne, %sign3A_190, %sign3A_197 : i32
    %rem3A_199 = arith.remsi %sub3A_165, %jit3A_182 : i32
    %ne3A_200 = arith.constant 0 : i32
    %ne3A_201 = arith.cmpi ne, %rem3A_199, %ne3A_200 : i32
    %and3A_202 = arith.andi %ne3A_198, %ne3A_201 : i1
    %sub3A_203 = arith.constant 1 : i32
    %sub3A_204 = arith.subi %div3A_183, %sub3A_203 : i32
    %select_n3A_205 = arith.select %and3A_202, %sub3A_204, %div3A_183 : i32
    %while3A_206 = arith.constant 0 : i32
    %while3A_207 = arith.constant 0 : i32
    %while3A_208 = arith.subi %select_n3A_205, %while3A_207 : i32
    %while3A_209 = arith.addi %while3A_207, %while3A_208 : i32
    %while3A_210 = arith.constant 1 : i32
    %while3A_211 = arith.divsi %while3A_208, %while3A_210 : i32
    %while3A_212 = arith.muli %while3A_211, %while3A_210 : i32
    %while3A_213 = arith.addi %while3A_207, %while3A_212 : i32
    %while3A_214 = arith.constant 1 : i32
    scf.for %while3A_220 = %while3A_207 to %while3A_213 step %while3A_214  : i32 {
      %mul3A_221 = arith.constant 2 : i32
      %mul3A_222 = arith.muli %mul3A_221, %while3A_220 : i32
      %add3A_223 = arith.constant 0 : i32
      %add3A_224 = arith.addi %mul3A_222, %add3A_223 : i32
      %dma_wait3A = arith.constant 0 : i32
      %dma_wait3A_225 = tpu.memref_slice %arg10[%add3A_224, %dma_wait3A] : memref<136x128xi32, #tpu.memory_space<vmem>> -> memref<1x128xi32, #tpu.memory_space<vmem>>
      %dma_wait3A_226 = tpu.memref_squeeze %dma_wait3A_225 : memref<1x128xi32, #tpu.memory_space<vmem>> -> memref<128xi32, #tpu.memory_space<vmem>>
      %dma_wait3A_227 = arith.constant 0 : i32
      %dma_wait3A_228 = arith.constant 0 : i32
      %dma_wait3A_229 = tpu.memref_slice %arg3[%dma_wait3A_227, %dma_wait3A_228] : memref<16896x64xf32, #tpu.memory_space<hbm>> -> memref<16896x64xf32, #tpu.memory_space<hbm>>
      tpu.wait_indirect_dma semaphore(%arg15 : memref<!tpu.dma_semaphore, #tpu.memory_space<semaphore_mem>>) src(%dma_wait3A_229 : memref<16896x64xf32, #tpu.memory_space<hbm>>) dst(%arg12 : memref<128x64xf32, #tpu.memory_space<vmem>>)
      "tpu.region"() ({
        %run_scoped3A = tpu.sem_alloc : memref<!tpu.dma_semaphore, #tpu.memory_space<semaphore_mem>>
        %dma_start3A_249 = arith.constant 0 : i32
        %dma_start3A_250 = tpu.memref_slice %arg11[%add3A_224, %dma_start3A_249] : memref<136x128xi32, #tpu.memory_space<vmem>> -> memref<1x128xi32, #tpu.memory_space<vmem>>
        %dma_start3A_251 = tpu.memref_squeeze %dma_start3A_250 : memref<1x128xi32, #tpu.memory_space<vmem>> -> memref<128xi32, #tpu.memory_space<vmem>>
        %dma_start3A_252 = arith.constant 0 : i32
        %dma_start3A_253 = arith.constant 0 : i32
        %dma_start3A_254 = tpu.memref_slice %arg14[%dma_start3A_252, %dma_start3A_253] : memref<16896x64xf32, #tpu.memory_space<vmem_shared>> -> memref<16896x64xf32, #tpu.memory_space<vmem_shared>>
        tpu.enqueue_indirect_dma source(%arg12 : memref<128x64xf32, #tpu.memory_space<vmem>>) target(%dma_start3A_254 : memref<16896x64xf32, #tpu.memory_space<vmem_shared>>) offsets(%dma_start3A_251 : memref<128xi32, #tpu.memory_space<vmem>>) semaphore(%run_scoped3A : memref<!tpu.dma_semaphore, #tpu.memory_space<semaphore_mem>>) {add = true}
        %dma_wait3A_255 = arith.constant 0 : i32
        %dma_wait3A_256 = tpu.memref_slice %arg11[%add3A_224, %dma_wait3A_255] : memref<136x128xi32, #tpu.memory_space<vmem>> -> memref<1x128xi32, #tpu.memory_space<vmem>>
        %dma_wait3A_257 = tpu.memref_squeeze %dma_wait3A_256 : memref<1x128xi32, #tpu.memory_space<vmem>> -> memref<128xi32, #tpu.memory_space<vmem>>
        %dma_wait3A_258 = arith.constant 0 : i32
        %dma_wait3A_259 = arith.constant 0 : i32
        %dma_wait3A_260 = tpu.memref_slice %arg14[%dma_wait3A_258, %dma_wait3A_259] : memref<16896x64xf32, #tpu.memory_space<vmem_shared>> -> memref<16896x64xf32, #tpu.memory_space<vmem_shared>>
        tpu.wait_indirect_dma semaphore(%run_scoped3A : memref<!tpu.dma_semaphore, #tpu.memory_space<semaphore_mem>>) src(%arg12 : memref<128x64xf32, #tpu.memory_space<vmem>>) dst(%dma_wait3A_260 : memref<16896x64xf32, #tpu.memory_space<vmem_shared>>)
        tpu.yield
      }) : () -> ()
      %sub3A_230 = arith.constant 1 : i32
      %sub3A_231 = arith.subi %select_n3A_205, %sub3A_230 : i32
      %lt3A = arith.cmpi slt, %while3A_220, %sub3A_231 : i32
      %convert_element_type3A = arith.extui %lt3A : i1 to i32
      %cond3A = arith.constant 0 : i32
      %cond3A_232 = arith.cmpi ne, %convert_element_type3A, %cond3A : i32
      scf.if %cond3A_232 {
        %add3A_249 = arith.constant 2 : i32
        %add3A_250 = arith.addi %add3A_224, %add3A_249 : i32
        %dma_start3A_251 = arith.constant 0 : i32
        %dma_start3A_252 = tpu.memref_slice %arg10[%add3A_250, %dma_start3A_251] : memref<136x128xi32, #tpu.memory_space<vmem>> -> memref<1x128xi32, #tpu.memory_space<vmem>>
        %dma_start3A_253 = tpu.memref_squeeze %dma_start3A_252 : memref<1x128xi32, #tpu.memory_space<vmem>> -> memref<128xi32, #tpu.memory_space<vmem>>
        %dma_start3A_254 = arith.constant 0 : i32
        %dma_start3A_255 = arith.constant 0 : i32
        %dma_start3A_256 = tpu.memref_slice %arg3[%dma_start3A_254, %dma_start3A_255] : memref<16896x64xf32, #tpu.memory_space<hbm>> -> memref<16896x64xf32, #tpu.memory_space<hbm>>
        tpu.enqueue_indirect_dma source(%dma_start3A_256 : memref<16896x64xf32, #tpu.memory_space<hbm>>) target(%arg12 : memref<128x64xf32, #tpu.memory_space<vmem>>) offsets(%dma_start3A_253 : memref<128xi32, #tpu.memory_space<vmem>>) semaphore(%arg15 : memref<!tpu.dma_semaphore, #tpu.memory_space<semaphore_mem>>)
      } else {
      }
      %mul3A_233 = arith.constant 2 : i32
      %mul3A_234 = arith.muli %mul3A_233, %while3A_220 : i32
      %add3A_235 = arith.constant 1 : i32
      %add3A_236 = arith.addi %mul3A_234, %add3A_235 : i32
      %dma_wait3A_237 = arith.constant 0 : i32
      %dma_wait3A_238 = tpu.memref_slice %arg10[%add3A_236, %dma_wait3A_237] : memref<136x128xi32, #tpu.memory_space<vmem>> -> memref<1x128xi32, #tpu.memory_space<vmem>>
      %dma_wait3A_239 = tpu.memref_squeeze %dma_wait3A_238 : memref<1x128xi32, #tpu.memory_space<vmem>> -> memref<128xi32, #tpu.memory_space<vmem>>
      %dma_wait3A_240 = arith.constant 0 : i32
      %dma_wait3A_241 = arith.constant 0 : i32
      %dma_wait3A_242 = tpu.memref_slice %arg3[%dma_wait3A_240, %dma_wait3A_241] : memref<16896x64xf32, #tpu.memory_space<hbm>> -> memref<16896x64xf32, #tpu.memory_space<hbm>>
      tpu.wait_indirect_dma semaphore(%arg16 : memref<!tpu.dma_semaphore, #tpu.memory_space<semaphore_mem>>) src(%dma_wait3A_242 : memref<16896x64xf32, #tpu.memory_space<hbm>>) dst(%arg13 : memref<128x64xf32, #tpu.memory_space<vmem>>)
      "tpu.region"() ({
        %run_scoped3A = tpu.sem_alloc : memref<!tpu.dma_semaphore, #tpu.memory_space<semaphore_mem>>
        %dma_start3A_249 = arith.constant 0 : i32
        %dma_start3A_250 = tpu.memref_slice %arg11[%add3A_236, %dma_start3A_249] : memref<136x128xi32, #tpu.memory_space<vmem>> -> memref<1x128xi32, #tpu.memory_space<vmem>>
        %dma_start3A_251 = tpu.memref_squeeze %dma_start3A_250 : memref<1x128xi32, #tpu.memory_space<vmem>> -> memref<128xi32, #tpu.memory_space<vmem>>
        %dma_start3A_252 = arith.constant 0 : i32
        %dma_start3A_253 = arith.constant 0 : i32
        %dma_start3A_254 = tpu.memref_slice %arg14[%dma_start3A_252, %dma_start3A_253] : memref<16896x64xf32, #tpu.memory_space<vmem_shared>> -> memref<16896x64xf32, #tpu.memory_space<vmem_shared>>
        tpu.enqueue_indirect_dma source(%arg13 : memref<128x64xf32, #tpu.memory_space<vmem>>) target(%dma_start3A_254 : memref<16896x64xf32, #tpu.memory_space<vmem_shared>>) offsets(%dma_start3A_251 : memref<128xi32, #tpu.memory_space<vmem>>) semaphore(%run_scoped3A : memref<!tpu.dma_semaphore, #tpu.memory_space<semaphore_mem>>) {add = true}
        %dma_wait3A_255 = arith.constant 0 : i32
        %dma_wait3A_256 = tpu.memref_slice %arg11[%add3A_236, %dma_wait3A_255] : memref<136x128xi32, #tpu.memory_space<vmem>> -> memref<1x128xi32, #tpu.memory_space<vmem>>
        %dma_wait3A_257 = tpu.memref_squeeze %dma_wait3A_256 : memref<1x128xi32, #tpu.memory_space<vmem>> -> memref<128xi32, #tpu.memory_space<vmem>>
        %dma_wait3A_258 = arith.constant 0 : i32
        %dma_wait3A_259 = arith.constant 0 : i32
        %dma_wait3A_260 = tpu.memref_slice %arg14[%dma_wait3A_258, %dma_wait3A_259] : memref<16896x64xf32, #tpu.memory_space<vmem_shared>> -> memref<16896x64xf32, #tpu.memory_space<vmem_shared>>
        tpu.wait_indirect_dma semaphore(%run_scoped3A : memref<!tpu.dma_semaphore, #tpu.memory_space<semaphore_mem>>) src(%arg13 : memref<128x64xf32, #tpu.memory_space<vmem>>) dst(%dma_wait3A_260 : memref<16896x64xf32, #tpu.memory_space<vmem_shared>>)
        tpu.yield
      }) : () -> ()
      %sub3A_243 = arith.constant 1 : i32
      %sub3A_244 = arith.subi %select_n3A_205, %sub3A_243 : i32
      %lt3A_245 = arith.cmpi slt, %while3A_220, %sub3A_244 : i32
      %convert_element_type3A_246 = arith.extui %lt3A_245 : i1 to i32
      %cond3A_247 = arith.constant 0 : i32
      %cond3A_248 = arith.cmpi ne, %convert_element_type3A_246, %cond3A_247 : i32
      scf.if %cond3A_248 {
        %add3A_249 = arith.constant 2 : i32
        %add3A_250 = arith.addi %add3A_236, %add3A_249 : i32
        %dma_start3A_251 = arith.constant 0 : i32
        %dma_start3A_252 = tpu.memref_slice %arg10[%add3A_250, %dma_start3A_251] : memref<136x128xi32, #tpu.memory_space<vmem>> -> memref<1x128xi32, #tpu.memory_space<vmem>>
        %dma_start3A_253 = tpu.memref_squeeze %dma_start3A_252 : memref<1x128xi32, #tpu.memory_space<vmem>> -> memref<128xi32, #tpu.memory_space<vmem>>
        %dma_start3A_254 = arith.constant 0 : i32
        %dma_start3A_255 = arith.constant 0 : i32
        %dma_start3A_256 = tpu.memref_slice %arg3[%dma_start3A_254, %dma_start3A_255] : memref<16896x64xf32, #tpu.memory_space<hbm>> -> memref<16896x64xf32, #tpu.memory_space<hbm>>
        tpu.enqueue_indirect_dma source(%dma_start3A_256 : memref<16896x64xf32, #tpu.memory_space<hbm>>) target(%arg13 : memref<128x64xf32, #tpu.memory_space<vmem>>) offsets(%dma_start3A_253 : memref<128xi32, #tpu.memory_space<vmem>>) semaphore(%arg16 : memref<!tpu.dma_semaphore, #tpu.memory_space<semaphore_mem>>)
      } else {
      }
    }
    %while3A_215 = arith.constant 1 : i32
    scf.for %while3A_220 = %while3A_213 to %while3A_209 step %while3A_215  : i32 {
      %mul3A_221 = arith.constant 2 : i32
      %mul3A_222 = arith.muli %mul3A_221, %while3A_220 : i32
      %add3A_223 = arith.constant 0 : i32
      %add3A_224 = arith.addi %mul3A_222, %add3A_223 : i32
      %dma_wait3A = arith.constant 0 : i32
      %dma_wait3A_225 = tpu.memref_slice %arg10[%add3A_224, %dma_wait3A] : memref<136x128xi32, #tpu.memory_space<vmem>> -> memref<1x128xi32, #tpu.memory_space<vmem>>
      %dma_wait3A_226 = tpu.memref_squeeze %dma_wait3A_225 : memref<1x128xi32, #tpu.memory_space<vmem>> -> memref<128xi32, #tpu.memory_space<vmem>>
      %dma_wait3A_227 = arith.constant 0 : i32
      %dma_wait3A_228 = arith.constant 0 : i32
      %dma_wait3A_229 = tpu.memref_slice %arg3[%dma_wait3A_227, %dma_wait3A_228] : memref<16896x64xf32, #tpu.memory_space<hbm>> -> memref<16896x64xf32, #tpu.memory_space<hbm>>
      tpu.wait_indirect_dma semaphore(%arg15 : memref<!tpu.dma_semaphore, #tpu.memory_space<semaphore_mem>>) src(%dma_wait3A_229 : memref<16896x64xf32, #tpu.memory_space<hbm>>) dst(%arg12 : memref<128x64xf32, #tpu.memory_space<vmem>>)
      "tpu.region"() ({
        %run_scoped3A = tpu.sem_alloc : memref<!tpu.dma_semaphore, #tpu.memory_space<semaphore_mem>>
        %dma_start3A_249 = arith.constant 0 : i32
        %dma_start3A_250 = tpu.memref_slice %arg11[%add3A_224, %dma_start3A_249] : memref<136x128xi32, #tpu.memory_space<vmem>> -> memref<1x128xi32, #tpu.memory_space<vmem>>
        %dma_start3A_251 = tpu.memref_squeeze %dma_start3A_250 : memref<1x128xi32, #tpu.memory_space<vmem>> -> memref<128xi32, #tpu.memory_space<vmem>>
        %dma_start3A_252 = arith.constant 0 : i32
        %dma_start3A_253 = arith.constant 0 : i32
        %dma_start3A_254 = tpu.memref_slice %arg14[%dma_start3A_252, %dma_start3A_253] : memref<16896x64xf32, #tpu.memory_space<vmem_shared>> -> memref<16896x64xf32, #tpu.memory_space<vmem_shared>>
        tpu.enqueue_indirect_dma source(%arg12 : memref<128x64xf32, #tpu.memory_space<vmem>>) target(%dma_start3A_254 : memref<16896x64xf32, #tpu.memory_space<vmem_shared>>) offsets(%dma_start3A_251 : memref<128xi32, #tpu.memory_space<vmem>>) semaphore(%run_scoped3A : memref<!tpu.dma_semaphore, #tpu.memory_space<semaphore_mem>>) {add = true}
        %dma_wait3A_255 = arith.constant 0 : i32
        %dma_wait3A_256 = tpu.memref_slice %arg11[%add3A_224, %dma_wait3A_255] : memref<136x128xi32, #tpu.memory_space<vmem>> -> memref<1x128xi32, #tpu.memory_space<vmem>>
        %dma_wait3A_257 = tpu.memref_squeeze %dma_wait3A_256 : memref<1x128xi32, #tpu.memory_space<vmem>> -> memref<128xi32, #tpu.memory_space<vmem>>
        %dma_wait3A_258 = arith.constant 0 : i32
        %dma_wait3A_259 = arith.constant 0 : i32
        %dma_wait3A_260 = tpu.memref_slice %arg14[%dma_wait3A_258, %dma_wait3A_259] : memref<16896x64xf32, #tpu.memory_space<vmem_shared>> -> memref<16896x64xf32, #tpu.memory_space<vmem_shared>>
        tpu.wait_indirect_dma semaphore(%run_scoped3A : memref<!tpu.dma_semaphore, #tpu.memory_space<semaphore_mem>>) src(%arg12 : memref<128x64xf32, #tpu.memory_space<vmem>>) dst(%dma_wait3A_260 : memref<16896x64xf32, #tpu.memory_space<vmem_shared>>)
        tpu.yield
      }) : () -> ()
      %sub3A_230 = arith.constant 1 : i32
      %sub3A_231 = arith.subi %select_n3A_205, %sub3A_230 : i32
      %lt3A = arith.cmpi slt, %while3A_220, %sub3A_231 : i32
      %convert_element_type3A = arith.extui %lt3A : i1 to i32
      %cond3A = arith.constant 0 : i32
      %cond3A_232 = arith.cmpi ne, %convert_element_type3A, %cond3A : i32
      scf.if %cond3A_232 {
        %add3A_249 = arith.constant 2 : i32
        %add3A_250 = arith.addi %add3A_224, %add3A_249 : i32
        %dma_start3A_251 = arith.constant 0 : i32
        %dma_start3A_252 = tpu.memref_slice %arg10[%add3A_250, %dma_start3A_251] : memref<136x128xi32, #tpu.memory_space<vmem>> -> memref<1x128xi32, #tpu.memory_space<vmem>>
        %dma_start3A_253 = tpu.memref_squeeze %dma_start3A_252 : memref<1x128xi32, #tpu.memory_space<vmem>> -> memref<128xi32, #tpu.memory_space<vmem>>
        %dma_start3A_254 = arith.constant 0 : i32
        %dma_start3A_255 = arith.constant 0 : i32
        %dma_start3A_256 = tpu.memref_slice %arg3[%dma_start3A_254, %dma_start3A_255] : memref<16896x64xf32, #tpu.memory_space<hbm>> -> memref<16896x64xf32, #tpu.memory_space<hbm>>
        tpu.enqueue_indirect_dma source(%dma_start3A_256 : memref<16896x64xf32, #tpu.memory_space<hbm>>) target(%arg12 : memref<128x64xf32, #tpu.memory_space<vmem>>) offsets(%dma_start3A_253 : memref<128xi32, #tpu.memory_space<vmem>>) semaphore(%arg15 : memref<!tpu.dma_semaphore, #tpu.memory_space<semaphore_mem>>)
      } else {
      }
      %mul3A_233 = arith.constant 2 : i32
      %mul3A_234 = arith.muli %mul3A_233, %while3A_220 : i32
      %add3A_235 = arith.constant 1 : i32
      %add3A_236 = arith.addi %mul3A_234, %add3A_235 : i32
      %dma_wait3A_237 = arith.constant 0 : i32
      %dma_wait3A_238 = tpu.memref_slice %arg10[%add3A_236, %dma_wait3A_237] : memref<136x128xi32, #tpu.memory_space<vmem>> -> memref<1x128xi32, #tpu.memory_space<vmem>>
      %dma_wait3A_239 = tpu.memref_squeeze %dma_wait3A_238 : memref<1x128xi32, #tpu.memory_space<vmem>> -> memref<128xi32, #tpu.memory_space<vmem>>
      %dma_wait3A_240 = arith.constant 0 : i32
      %dma_wait3A_241 = arith.constant 0 : i32
      %dma_wait3A_242 = tpu.memref_slice %arg3[%dma_wait3A_240, %dma_wait3A_241] : memref<16896x64xf32, #tpu.memory_space<hbm>> -> memref<16896x64xf32, #tpu.memory_space<hbm>>
      tpu.wait_indirect_dma semaphore(%arg16 : memref<!tpu.dma_semaphore, #tpu.memory_space<semaphore_mem>>) src(%dma_wait3A_242 : memref<16896x64xf32, #tpu.memory_space<hbm>>) dst(%arg13 : memref<128x64xf32, #tpu.memory_space<vmem>>)
      "tpu.region"() ({
        %run_scoped3A = tpu.sem_alloc : memref<!tpu.dma_semaphore, #tpu.memory_space<semaphore_mem>>
        %dma_start3A_249 = arith.constant 0 : i32
        %dma_start3A_250 = tpu.memref_slice %arg11[%add3A_236, %dma_start3A_249] : memref<136x128xi32, #tpu.memory_space<vmem>> -> memref<1x128xi32, #tpu.memory_space<vmem>>
        %dma_start3A_251 = tpu.memref_squeeze %dma_start3A_250 : memref<1x128xi32, #tpu.memory_space<vmem>> -> memref<128xi32, #tpu.memory_space<vmem>>
        %dma_start3A_252 = arith.constant 0 : i32
        %dma_start3A_253 = arith.constant 0 : i32
        %dma_start3A_254 = tpu.memref_slice %arg14[%dma_start3A_252, %dma_start3A_253] : memref<16896x64xf32, #tpu.memory_space<vmem_shared>> -> memref<16896x64xf32, #tpu.memory_space<vmem_shared>>
        tpu.enqueue_indirect_dma source(%arg13 : memref<128x64xf32, #tpu.memory_space<vmem>>) target(%dma_start3A_254 : memref<16896x64xf32, #tpu.memory_space<vmem_shared>>) offsets(%dma_start3A_251 : memref<128xi32, #tpu.memory_space<vmem>>) semaphore(%run_scoped3A : memref<!tpu.dma_semaphore, #tpu.memory_space<semaphore_mem>>) {add = true}
        %dma_wait3A_255 = arith.constant 0 : i32
        %dma_wait3A_256 = tpu.memref_slice %arg11[%add3A_236, %dma_wait3A_255] : memref<136x128xi32, #tpu.memory_space<vmem>> -> memref<1x128xi32, #tpu.memory_space<vmem>>
        %dma_wait3A_257 = tpu.memref_squeeze %dma_wait3A_256 : memref<1x128xi32, #tpu.memory_space<vmem>> -> memref<128xi32, #tpu.memory_space<vmem>>
        %dma_wait3A_258 = arith.constant 0 : i32
        %dma_wait3A_259 = arith.constant 0 : i32
        %dma_wait3A_260 = tpu.memref_slice %arg14[%dma_wait3A_258, %dma_wait3A_259] : memref<16896x64xf32, #tpu.memory_space<vmem_shared>> -> memref<16896x64xf32, #tpu.memory_space<vmem_shared>>
        tpu.wait_indirect_dma semaphore(%run_scoped3A : memref<!tpu.dma_semaphore, #tpu.memory_space<semaphore_mem>>) src(%arg13 : memref<128x64xf32, #tpu.memory_space<vmem>>) dst(%dma_wait3A_260 : memref<16896x64xf32, #tpu.memory_space<vmem_shared>>)
        tpu.yield
      }) : () -> ()
      %sub3A_243 = arith.constant 1 : i32
      %sub3A_244 = arith.subi %select_n3A_205, %sub3A_243 : i32
      %lt3A_245 = arith.cmpi slt, %while3A_220, %sub3A_244 : i32
      %convert_element_type3A_246 = arith.extui %lt3A_245 : i1 to i32
      %cond3A_247 = arith.constant 0 : i32
      %cond3A_248 = arith.cmpi ne, %convert_element_type3A_246, %cond3A_247 : i32
      scf.if %cond3A_248 {
        %add3A_249 = arith.constant 2 : i32
        %add3A_250 = arith.addi %add3A_236, %add3A_249 : i32
        %dma_start3A_251 = arith.constant 0 : i32
        %dma_start3A_252 = tpu.memref_slice %arg10[%add3A_250, %dma_start3A_251] : memref<136x128xi32, #tpu.memory_space<vmem>> -> memref<1x128xi32, #tpu.memory_space<vmem>>
        %dma_start3A_253 = tpu.memref_squeeze %dma_start3A_252 : memref<1x128xi32, #tpu.memory_space<vmem>> -> memref<128xi32, #tpu.memory_space<vmem>>
        %dma_start3A_254 = arith.constant 0 : i32
        %dma_start3A_255 = arith.constant 0 : i32
        %dma_start3A_256 = tpu.memref_slice %arg3[%dma_start3A_254, %dma_start3A_255] : memref<16896x64xf32, #tpu.memory_space<hbm>> -> memref<16896x64xf32, #tpu.memory_space<hbm>>
        tpu.enqueue_indirect_dma source(%dma_start3A_256 : memref<16896x64xf32, #tpu.memory_space<hbm>>) target(%arg13 : memref<128x64xf32, #tpu.memory_space<vmem>>) offsets(%dma_start3A_253 : memref<128xi32, #tpu.memory_space<vmem>>) semaphore(%arg16 : memref<!tpu.dma_semaphore, #tpu.memory_space<semaphore_mem>>)
      } else {
      }
    }
    %barrier3A_216 = arith.constant 0 : index
    tpu.barrier barrier_id(%barrier3A_216)
    %mul3A_217 = arith.constant 16896 : i32
    %mul3A_218 = arith.muli %arg0, %mul3A_217 : i32
    %add3A_219 = arith.addi %mul3A_218, %mul3A_2 : i32
    "tpu.region"() ({
      %run_scoped3A = tpu.sem_alloc : memref<!tpu.dma_semaphore, #tpu.memory_space<semaphore_mem>>
      %dma_start3A_220 = arith.constant 64 : i32
      %dma_start3A_221 = tpu.memref_slice %arg9[%add3A_219, %dma_start3A_220] : memref<33792x128xf32, #tpu.memory_space<hbm>> -> memref<1056x64xf32, #tpu.memory_space<hbm>>
      %dma_start3A_222 = arith.constant 0 : i32
      %dma_start3A_223 = tpu.memref_slice %arg14[%mul3A_2, %dma_start3A_222] : memref<16896x64xf32, #tpu.memory_space<vmem_shared>> -> memref<1056x64xf32, #tpu.memory_space<vmem_shared>>
      tpu.enqueue_dma source(%dma_start3A_223 : memref<1056x64xf32, #tpu.memory_space<vmem_shared>>) target(%dma_start3A_221 : memref<1056x64xf32, #tpu.memory_space<hbm>>) target_semaphore(%run_scoped3A : memref<!tpu.dma_semaphore, #tpu.memory_space<semaphore_mem>>)
      %dma_wait3A = arith.constant 64 : i32
      %dma_wait3A_224 = tpu.memref_slice %arg9[%add3A_219, %dma_wait3A] : memref<33792x128xf32, #tpu.memory_space<hbm>> -> memref<1056x64xf32, #tpu.memory_space<hbm>>
      %dma_wait3A_225 = arith.constant 0 : i32
      %dma_wait3A_226 = tpu.memref_slice %arg14[%mul3A_2, %dma_wait3A_225] : memref<16896x64xf32, #tpu.memory_space<vmem_shared>> -> memref<1056x64xf32, #tpu.memory_space<vmem_shared>>
      tpu.wait_dma2 semaphore(%run_scoped3A : memref<!tpu.dma_semaphore, #tpu.memory_space<semaphore_mem>>) src(%dma_wait3A_226 : memref<1056x64xf32, #tpu.memory_space<vmem_shared>>) dst(%dma_wait3A_224 : memref<1056x64xf32, #tpu.memory_space<hbm>>)
      tpu.yield
    }) : () -> ()
    return
  }
}

#map = affine_map<(d0, d1) -> (0, 0)>
module attributes {stable_mosaic.version = 14 : i64} {
  func.func @body(%arg0: i32, %arg1: i32, %arg2: memref<16896x32xf32, #tpu.memory_space<hbm>>, %arg3: memref<16896x32xf32, #tpu.memory_space<hbm>>, %arg4: memref<8448x128xi32, #tpu.memory_space<hbm>>, %arg5: memref<4224x128xi32, #tpu.memory_space<hbm>>, %arg6: memref<1056x32xf32, #tpu.memory_space<hbm>>, %arg7: memref<1056x16xf32, #tpu.memory_space<hbm>>, %arg8: memref<128x16xf32, #tpu.memory_space<hbm>>, %arg9: memref<33792x128xf32, #tpu.memory_space<hbm>>, %arg10: memref<136x128xi32, #tpu.memory_space<vmem>>, %arg11: memref<136x128xi32, #tpu.memory_space<vmem>>, %arg12: memref<128x32xf32, #tpu.memory_space<vmem>>, %arg13: memref<128x32xf32, #tpu.memory_space<vmem>>, %arg14: memref<16896x32xf32, #tpu.memory_space<vmem_shared>>, %arg15: memref<!tpu.dma_semaphore, #tpu.memory_space<semaphore_mem>>, %arg16: memref<!tpu.dma_semaphore, #tpu.memory_space<semaphore_mem>>, %arg17: memref<128x16xf32, #tpu.memory_space<vmem>>, %arg18: memref<16896x16xf32, #tpu.memory_space<vmem_shared>>, %arg19: memref<16896x16xf32, #tpu.memory_space<vmem_shared>>, %arg20: memref<!tpu.dma_semaphore, #tpu.memory_space<semaphore_mem>>) attributes {dimension_semantics = [#tpu.dimension_semantics<core_parallel>, #tpu.dimension_semantics<subcore_parallel>], iteration_bounds = array<i64: 2, 16>, scalar_prefetch = 0 : i64, scratch_operands = 11 : i64, tpu.core_type = #tpu.core_type<sc_vector_subcore>, window_params = [{transform_indices = #map}, {transform_indices = #map}, {transform_indices = #map}, {transform_indices = #map}, {transform_indices = #map}, {transform_indices = #map}, {transform_indices = #map}, {transform_indices = #map}]} {
    %mul3A = arith.constant 2 : i32
    %mul3A_0 = arith.muli %arg1, %mul3A : i32
    %add3A = arith.addi %mul3A_0, %arg0 : i32
    %mul3A_1 = arith.constant 1056 : i32
    %mul3A_2 = arith.muli %arg1, %mul3A_1 : i32
    "tpu.region"() ({
      %run_scoped3A = tpu.sem_alloc : memref<!tpu.dma_semaphore, #tpu.memory_space<semaphore_mem>>
      %dma_start3A_241 = arith.constant 0 : i32
      %dma_start3A_242 = tpu.memref_slice %arg14[%mul3A_2, %dma_start3A_241] : memref<16896x32xf32, #tpu.memory_space<vmem_shared>> -> memref<1056x32xf32, #tpu.memory_space<vmem_shared>>
      tpu.enqueue_dma source(%arg6 : memref<1056x32xf32, #tpu.memory_space<hbm>>) target(%dma_start3A_242 : memref<1056x32xf32, #tpu.memory_space<vmem_shared>>) target_semaphore(%run_scoped3A : memref<!tpu.dma_semaphore, #tpu.memory_space<semaphore_mem>>)
      %dma_wait3A_243 = arith.constant 0 : i32
      %dma_wait3A_244 = tpu.memref_slice %arg14[%mul3A_2, %dma_wait3A_243] : memref<16896x32xf32, #tpu.memory_space<vmem_shared>> -> memref<1056x32xf32, #tpu.memory_space<vmem_shared>>
      tpu.wait_dma2 semaphore(%run_scoped3A : memref<!tpu.dma_semaphore, #tpu.memory_space<semaphore_mem>>) src(%arg6 : memref<1056x32xf32, #tpu.memory_space<hbm>>) dst(%dma_wait3A_244 : memref<1056x32xf32, #tpu.memory_space<vmem_shared>>)
      tpu.yield
    }) : () -> ()
    "tpu.region"() ({
      %run_scoped3A = tpu.sem_alloc : memref<!tpu.dma_semaphore, #tpu.memory_space<semaphore_mem>>
      %dma_start3A_241 = arith.constant 0 : i32
      %dma_start3A_242 = tpu.memref_slice %arg18[%mul3A_2, %dma_start3A_241] : memref<16896x16xf32, #tpu.memory_space<vmem_shared>> -> memref<1056x16xf32, #tpu.memory_space<vmem_shared>>
      tpu.enqueue_dma source(%arg7 : memref<1056x16xf32, #tpu.memory_space<hbm>>) target(%dma_start3A_242 : memref<1056x16xf32, #tpu.memory_space<vmem_shared>>) target_semaphore(%run_scoped3A : memref<!tpu.dma_semaphore, #tpu.memory_space<semaphore_mem>>)
      %dma_wait3A_243 = arith.constant 0 : i32
      %dma_wait3A_244 = tpu.memref_slice %arg18[%mul3A_2, %dma_wait3A_243] : memref<16896x16xf32, #tpu.memory_space<vmem_shared>> -> memref<1056x16xf32, #tpu.memory_space<vmem_shared>>
      tpu.wait_dma2 semaphore(%run_scoped3A : memref<!tpu.dma_semaphore, #tpu.memory_space<semaphore_mem>>) src(%arg7 : memref<1056x16xf32, #tpu.memory_space<hbm>>) dst(%dma_wait3A_244 : memref<1056x16xf32, #tpu.memory_space<vmem_shared>>)
      tpu.yield
    }) : () -> ()
    "tpu.region"() ({
      %run_scoped3A = tpu.sem_alloc : memref<!tpu.dma_semaphore, #tpu.memory_space<semaphore_mem>>
      %dma_start3A_241 = arith.constant 0 : i32
      %dma_start3A_242 = tpu.memref_slice %arg19[%mul3A_2, %dma_start3A_241] : memref<16896x16xf32, #tpu.memory_space<vmem_shared>> -> memref<1056x16xf32, #tpu.memory_space<vmem_shared>>
      tpu.enqueue_dma source(%arg7 : memref<1056x16xf32, #tpu.memory_space<hbm>>) target(%dma_start3A_242 : memref<1056x16xf32, #tpu.memory_space<vmem_shared>>) target_semaphore(%run_scoped3A : memref<!tpu.dma_semaphore, #tpu.memory_space<semaphore_mem>>)
      %dma_wait3A_243 = arith.constant 0 : i32
      %dma_wait3A_244 = tpu.memref_slice %arg19[%mul3A_2, %dma_wait3A_243] : memref<16896x16xf32, #tpu.memory_space<vmem_shared>> -> memref<1056x16xf32, #tpu.memory_space<vmem_shared>>
      tpu.wait_dma2 semaphore(%run_scoped3A : memref<!tpu.dma_semaphore, #tpu.memory_space<semaphore_mem>>) src(%arg7 : memref<1056x16xf32, #tpu.memory_space<hbm>>) dst(%dma_wait3A_244 : memref<1056x16xf32, #tpu.memory_space<vmem_shared>>)
      tpu.yield
    }) : () -> ()
    "tpu.region"() ({
      %run_scoped3A = tpu.sem_alloc : memref<!tpu.dma_semaphore, #tpu.memory_space<semaphore_mem>>
      tpu.enqueue_dma source(%arg8 : memref<128x16xf32, #tpu.memory_space<hbm>>) target(%arg17 : memref<128x16xf32, #tpu.memory_space<vmem>>) target_semaphore(%run_scoped3A : memref<!tpu.dma_semaphore, #tpu.memory_space<semaphore_mem>>)
      tpu.wait_dma2 semaphore(%run_scoped3A : memref<!tpu.dma_semaphore, #tpu.memory_space<semaphore_mem>>) src(%arg8 : memref<128x16xf32, #tpu.memory_space<hbm>>) dst(%arg17 : memref<128x16xf32, #tpu.memory_space<vmem>>)
      tpu.yield
    }) : () -> ()
    %barrier3A = arith.constant 0 : index
    tpu.barrier barrier_id(%barrier3A)
    %mul3A_3 = arith.constant 132 : i32
    %mul3A_4 = arith.muli %mul3A_3, %add3A : i32
    %jit3A = arith.constant 8 : i32
    %div3A = arith.divsi %mul3A_4, %jit3A : i32
    %sign3A = arith.constant 0 : i32
    %sign3A_5 = arith.cmpi sgt, %mul3A_4, %sign3A : i32
    %sign3A_6 = arith.extui %sign3A_5 : i1 to i32
    %sign3A_7 = arith.constant 0 : i32
    %sign3A_8 = arith.cmpi slt, %mul3A_4, %sign3A_7 : i32
    %sign3A_9 = arith.extui %sign3A_8 : i1 to i32
    %sign3A_10 = arith.subi %sign3A_6, %sign3A_9 : i32
    %sign3A_11 = arith.constant 0 : i32
    %sign3A_12 = arith.cmpi sgt, %jit3A, %sign3A_11 : i32
    %sign3A_13 = arith.extui %sign3A_12 : i1 to i32
    %sign3A_14 = arith.constant 0 : i32
    %sign3A_15 = arith.cmpi slt, %jit3A, %sign3A_14 : i32
    %sign3A_16 = arith.extui %sign3A_15 : i1 to i32
    %sign3A_17 = arith.subi %sign3A_13, %sign3A_16 : i32
    %ne3A = arith.cmpi ne, %sign3A_10, %sign3A_17 : i32
    %rem3A = arith.remsi %mul3A_4, %jit3A : i32
    %ne3A_18 = arith.constant 0 : i32
    %ne3A_19 = arith.cmpi ne, %rem3A, %ne3A_18 : i32
    %and3A = arith.andi %ne3A, %ne3A_19 : i1
    %sub3A = arith.constant 1 : i32
    %sub3A_20 = arith.subi %div3A, %sub3A : i32
    %select_n3A = arith.select %and3A, %sub3A_20, %div3A : i32
    %mul3A_21 = arith.constant 8 : i32
    %mul3A_22 = arith.muli %select_n3A, %mul3A_21 : i32
    %mul3A_23 = arith.constant 132 : i32
    %mul3A_24 = arith.muli %mul3A_23, %add3A : i32
    %add3A_25 = arith.constant 132 : i32
    %add3A_26 = arith.addi %mul3A_24, %add3A_25 : i32
    %jit3A_27 = arith.constant 8 : i32
    %div3A_28 = arith.divsi %add3A_26, %jit3A_27 : i32
    %sign3A_29 = arith.constant 0 : i32
    %sign3A_30 = arith.cmpi sgt, %add3A_26, %sign3A_29 : i32
    %sign3A_31 = arith.extui %sign3A_30 : i1 to i32
    %sign3A_32 = arith.constant 0 : i32
    %sign3A_33 = arith.cmpi slt, %add3A_26, %sign3A_32 : i32
    %sign3A_34 = arith.extui %sign3A_33 : i1 to i32
    %sign3A_35 = arith.subi %sign3A_31, %sign3A_34 : i32
    %sign3A_36 = arith.constant 0 : i32
    %sign3A_37 = arith.cmpi sgt, %jit3A_27, %sign3A_36 : i32
    %sign3A_38 = arith.extui %sign3A_37 : i1 to i32
    %sign3A_39 = arith.constant 0 : i32
    %sign3A_40 = arith.cmpi slt, %jit3A_27, %sign3A_39 : i32
    %sign3A_41 = arith.extui %sign3A_40 : i1 to i32
    %sign3A_42 = arith.subi %sign3A_38, %sign3A_41 : i32
    %ne3A_43 = arith.cmpi ne, %sign3A_35, %sign3A_42 : i32
    %rem3A_44 = arith.remsi %add3A_26, %jit3A_27 : i32
    %ne3A_45 = arith.constant 0 : i32
    %ne3A_46 = arith.cmpi ne, %rem3A_44, %ne3A_45 : i32
    %and3A_47 = arith.andi %ne3A_43, %ne3A_46 : i1
    %sub3A_48 = arith.constant 1 : i32
    %sub3A_49 = arith.subi %div3A_28, %sub3A_48 : i32
    %select_n3A_50 = arith.select %and3A_47, %sub3A_49, %div3A_28 : i32
    %mul3A_51 = arith.constant 8 : i32
    %mul3A_52 = arith.muli %select_n3A_50, %mul3A_51 : i32
    %sub3A_53 = arith.subi %mul3A_52, %mul3A_22 : i32
    "tpu.region"() ({
      %run_scoped3A = tpu.sem_alloc : memref<!tpu.dma_semaphore, #tpu.memory_space<semaphore_mem>>
      %dma_start3A_241 = arith.constant 0 : i32
      %dma_start3A_242 = arith.constant 0 : i32
      %dma_start3A_243 = tpu.memref_slice %arg10[%dma_start3A_241, %dma_start3A_242] : memref<136x128xi32, #tpu.memory_space<vmem>> -> memref<136x128xi32, #tpu.memory_space<vmem>>
      %dma_start3A_244 = arith.constant 0 : i32
      %dma_start3A_245 = tpu.memref_slice %arg4[%mul3A_22, %dma_start3A_244] : memref<8448x128xi32, #tpu.memory_space<hbm>> -> memref<136x128xi32, #tpu.memory_space<hbm>>
      %dma_start3A_246 = arith.constant 0 : i32
      %dma_start3A_247 = arith.constant 0 : i32
      %dma_start3A_248 = tpu.memref_slice %arg10[%dma_start3A_246, %dma_start3A_247] : memref<136x128xi32, #tpu.memory_space<vmem>> -> memref<136x128xi32, #tpu.memory_space<vmem>>
      %dma_start3A_249 = arith.constant 0 : i32
      %dma_start3A_250 = tpu.memref_slice %arg4[%mul3A_22, %dma_start3A_249] : memref<8448x128xi32, #tpu.memory_space<hbm>> -> memref<136x128xi32, #tpu.memory_space<hbm>>
      tpu.enqueue_dma source(%dma_start3A_250 : memref<136x128xi32, #tpu.memory_space<hbm>>) target(%dma_start3A_248 : memref<136x128xi32, #tpu.memory_space<vmem>>) target_semaphore(%run_scoped3A : memref<!tpu.dma_semaphore, #tpu.memory_space<semaphore_mem>>)
      %dma_wait3A_251 = arith.constant 0 : i32
      %dma_wait3A_252 = arith.constant 0 : i32
      %dma_wait3A_253 = tpu.memref_slice %arg10[%dma_wait3A_251, %dma_wait3A_252] : memref<136x128xi32, #tpu.memory_space<vmem>> -> memref<136x128xi32, #tpu.memory_space<vmem>>
      %dma_wait3A_254 = arith.constant 0 : i32
      %dma_wait3A_255 = tpu.memref_slice %arg4[%mul3A_22, %dma_wait3A_254] : memref<8448x128xi32, #tpu.memory_space<hbm>> -> memref<136x128xi32, #tpu.memory_space<hbm>>
      %dma_wait3A_256 = arith.constant 0 : i32
      %dma_wait3A_257 = arith.constant 0 : i32
      %dma_wait3A_258 = tpu.memref_slice %arg10[%dma_wait3A_256, %dma_wait3A_257] : memref<136x128xi32, #tpu.memory_space<vmem>> -> memref<136x128xi32, #tpu.memory_space<vmem>>
      %dma_wait3A_259 = arith.constant 0 : i32
      %dma_wait3A_260 = tpu.memref_slice %arg4[%mul3A_22, %dma_wait3A_259] : memref<8448x128xi32, #tpu.memory_space<hbm>> -> memref<136x128xi32, #tpu.memory_space<hbm>>
      tpu.wait_dma2 semaphore(%run_scoped3A : memref<!tpu.dma_semaphore, #tpu.memory_space<semaphore_mem>>) src(%dma_wait3A_260 : memref<136x128xi32, #tpu.memory_space<hbm>>) dst(%dma_wait3A_258 : memref<136x128xi32, #tpu.memory_space<vmem>>)
      tpu.yield
    }) : () -> ()
    %add3A_54 = arith.constant 4224 : i32
    %add3A_55 = arith.addi %add3A_54, %mul3A_22 : i32
    "tpu.region"() ({
      %run_scoped3A = tpu.sem_alloc : memref<!tpu.dma_semaphore, #tpu.memory_space<semaphore_mem>>
      %dma_start3A_241 = arith.constant 0 : i32
      %dma_start3A_242 = arith.constant 0 : i32
      %dma_start3A_243 = tpu.memref_slice %arg11[%dma_start3A_241, %dma_start3A_242] : memref<136x128xi32, #tpu.memory_space<vmem>> -> memref<136x128xi32, #tpu.memory_space<vmem>>
      %dma_start3A_244 = arith.constant 0 : i32
      %dma_start3A_245 = tpu.memref_slice %arg4[%add3A_55, %dma_start3A_244] : memref<8448x128xi32, #tpu.memory_space<hbm>> -> memref<136x128xi32, #tpu.memory_space<hbm>>
      %dma_start3A_246 = arith.constant 0 : i32
      %dma_start3A_247 = arith.constant 0 : i32
      %dma_start3A_248 = tpu.memref_slice %arg11[%dma_start3A_246, %dma_start3A_247] : memref<136x128xi32, #tpu.memory_space<vmem>> -> memref<136x128xi32, #tpu.memory_space<vmem>>
      %dma_start3A_249 = arith.constant 0 : i32
      %dma_start3A_250 = tpu.memref_slice %arg4[%add3A_55, %dma_start3A_249] : memref<8448x128xi32, #tpu.memory_space<hbm>> -> memref<136x128xi32, #tpu.memory_space<hbm>>
      tpu.enqueue_dma source(%dma_start3A_250 : memref<136x128xi32, #tpu.memory_space<hbm>>) target(%dma_start3A_248 : memref<136x128xi32, #tpu.memory_space<vmem>>) target_semaphore(%run_scoped3A : memref<!tpu.dma_semaphore, #tpu.memory_space<semaphore_mem>>)
      %dma_wait3A_251 = arith.constant 0 : i32
      %dma_wait3A_252 = arith.constant 0 : i32
      %dma_wait3A_253 = tpu.memref_slice %arg11[%dma_wait3A_251, %dma_wait3A_252] : memref<136x128xi32, #tpu.memory_space<vmem>> -> memref<136x128xi32, #tpu.memory_space<vmem>>
      %dma_wait3A_254 = arith.constant 0 : i32
      %dma_wait3A_255 = tpu.memref_slice %arg4[%add3A_55, %dma_wait3A_254] : memref<8448x128xi32, #tpu.memory_space<hbm>> -> memref<136x128xi32, #tpu.memory_space<hbm>>
      %dma_wait3A_256 = arith.constant 0 : i32
      %dma_wait3A_257 = arith.constant 0 : i32
      %dma_wait3A_258 = tpu.memref_slice %arg11[%dma_wait3A_256, %dma_wait3A_257] : memref<136x128xi32, #tpu.memory_space<vmem>> -> memref<136x128xi32, #tpu.memory_space<vmem>>
      %dma_wait3A_259 = arith.constant 0 : i32
      %dma_wait3A_260 = tpu.memref_slice %arg4[%add3A_55, %dma_wait3A_259] : memref<8448x128xi32, #tpu.memory_space<hbm>> -> memref<136x128xi32, #tpu.memory_space<hbm>>
      tpu.wait_dma2 semaphore(%run_scoped3A : memref<!tpu.dma_semaphore, #tpu.memory_space<semaphore_mem>>) src(%dma_wait3A_260 : memref<136x128xi32, #tpu.memory_space<hbm>>) dst(%dma_wait3A_258 : memref<136x128xi32, #tpu.memory_space<vmem>>)
      tpu.yield
    }) : () -> ()
    %dma_start3A = arith.constant 0 : i32
    %dma_start3A_56 = arith.constant 0 : i32
    %dma_start3A_57 = tpu.memref_slice %arg10[%dma_start3A, %dma_start3A_56] : memref<136x128xi32, #tpu.memory_space<vmem>> -> memref<1x128xi32, #tpu.memory_space<vmem>>
    %dma_start3A_58 = tpu.memref_squeeze %dma_start3A_57 : memref<1x128xi32, #tpu.memory_space<vmem>> -> memref<128xi32, #tpu.memory_space<vmem>>
    %dma_start3A_59 = arith.constant 0 : i32
    %dma_start3A_60 = arith.constant 0 : i32
    %dma_start3A_61 = tpu.memref_slice %arg2[%dma_start3A_59, %dma_start3A_60] : memref<16896x32xf32, #tpu.memory_space<hbm>> -> memref<16896x32xf32, #tpu.memory_space<hbm>>
    tpu.enqueue_indirect_dma source(%dma_start3A_61 : memref<16896x32xf32, #tpu.memory_space<hbm>>) target(%arg12 : memref<128x32xf32, #tpu.memory_space<vmem>>) offsets(%dma_start3A_58 : memref<128xi32, #tpu.memory_space<vmem>>) semaphore(%arg15 : memref<!tpu.dma_semaphore, #tpu.memory_space<semaphore_mem>>)
    %dma_start3A_62 = arith.constant 1 : i32
    %dma_start3A_63 = arith.constant 0 : i32
    %dma_start3A_64 = tpu.memref_slice %arg10[%dma_start3A_62, %dma_start3A_63] : memref<136x128xi32, #tpu.memory_space<vmem>> -> memref<1x128xi32, #tpu.memory_space<vmem>>
    %dma_start3A_65 = tpu.memref_squeeze %dma_start3A_64 : memref<1x128xi32, #tpu.memory_space<vmem>> -> memref<128xi32, #tpu.memory_space<vmem>>
    %dma_start3A_66 = arith.constant 0 : i32
    %dma_start3A_67 = arith.constant 0 : i32
    %dma_start3A_68 = tpu.memref_slice %arg2[%dma_start3A_66, %dma_start3A_67] : memref<16896x32xf32, #tpu.memory_space<hbm>> -> memref<16896x32xf32, #tpu.memory_space<hbm>>
    tpu.enqueue_indirect_dma source(%dma_start3A_68 : memref<16896x32xf32, #tpu.memory_space<hbm>>) target(%arg13 : memref<128x32xf32, #tpu.memory_space<vmem>>) offsets(%dma_start3A_65 : memref<128xi32, #tpu.memory_space<vmem>>) semaphore(%arg16 : memref<!tpu.dma_semaphore, #tpu.memory_space<semaphore_mem>>)
    %jit3A_69 = arith.constant 2 : i32
    %div3A_70 = arith.divsi %sub3A_53, %jit3A_69 : i32
    %sign3A_71 = arith.constant 0 : i32
    %sign3A_72 = arith.cmpi sgt, %sub3A_53, %sign3A_71 : i32
    %sign3A_73 = arith.extui %sign3A_72 : i1 to i32
    %sign3A_74 = arith.constant 0 : i32
    %sign3A_75 = arith.cmpi slt, %sub3A_53, %sign3A_74 : i32
    %sign3A_76 = arith.extui %sign3A_75 : i1 to i32
    %sign3A_77 = arith.subi %sign3A_73, %sign3A_76 : i32
    %sign3A_78 = arith.constant 0 : i32
    %sign3A_79 = arith.cmpi sgt, %jit3A_69, %sign3A_78 : i32
    %sign3A_80 = arith.extui %sign3A_79 : i1 to i32
    %sign3A_81 = arith.constant 0 : i32
    %sign3A_82 = arith.cmpi slt, %jit3A_69, %sign3A_81 : i32
    %sign3A_83 = arith.extui %sign3A_82 : i1 to i32
    %sign3A_84 = arith.subi %sign3A_80, %sign3A_83 : i32
    %ne3A_85 = arith.cmpi ne, %sign3A_77, %sign3A_84 : i32
    %rem3A_86 = arith.remsi %sub3A_53, %jit3A_69 : i32
    %ne3A_87 = arith.constant 0 : i32
    %ne3A_88 = arith.cmpi ne, %rem3A_86, %ne3A_87 : i32
    %and3A_89 = arith.andi %ne3A_85, %ne3A_88 : i1
    %sub3A_90 = arith.constant 1 : i32
    %sub3A_91 = arith.subi %div3A_70, %sub3A_90 : i32
    %select_n3A_92 = arith.select %and3A_89, %sub3A_91, %div3A_70 : i32
    %while3A = arith.constant 0 : i32
    %while3A_93 = arith.constant 0 : i32
    %while3A_94 = arith.subi %select_n3A_92, %while3A_93 : i32
    %while3A_95 = arith.addi %while3A_93, %while3A_94 : i32
    %while3A_96 = arith.constant 1 : i32
    %while3A_97 = arith.divsi %while3A_94, %while3A_96 : i32
    %while3A_98 = arith.muli %while3A_97, %while3A_96 : i32
    %while3A_99 = arith.addi %while3A_93, %while3A_98 : i32
    %while3A_100 = arith.constant 1 : i32
    scf.for %while3A_241 = %while3A_93 to %while3A_99 step %while3A_100  : i32 {
      %mul3A_242 = arith.constant 2 : i32
      %mul3A_243 = arith.muli %mul3A_242, %while3A_241 : i32
      %add3A_244 = arith.constant 0 : i32
      %add3A_245 = arith.addi %mul3A_243, %add3A_244 : i32
      %dma_wait3A_246 = arith.constant 0 : i32
      %dma_wait3A_247 = tpu.memref_slice %arg10[%add3A_245, %dma_wait3A_246] : memref<136x128xi32, #tpu.memory_space<vmem>> -> memref<1x128xi32, #tpu.memory_space<vmem>>
      %dma_wait3A_248 = tpu.memref_squeeze %dma_wait3A_247 : memref<1x128xi32, #tpu.memory_space<vmem>> -> memref<128xi32, #tpu.memory_space<vmem>>
      %dma_wait3A_249 = arith.constant 0 : i32
      %dma_wait3A_250 = arith.constant 0 : i32
      %dma_wait3A_251 = tpu.memref_slice %arg2[%dma_wait3A_249, %dma_wait3A_250] : memref<16896x32xf32, #tpu.memory_space<hbm>> -> memref<16896x32xf32, #tpu.memory_space<hbm>>
      tpu.wait_indirect_dma semaphore(%arg15 : memref<!tpu.dma_semaphore, #tpu.memory_space<semaphore_mem>>) src(%dma_wait3A_251 : memref<16896x32xf32, #tpu.memory_space<hbm>>) dst(%arg12 : memref<128x32xf32, #tpu.memory_space<vmem>>)
      "tpu.region"() ({
        %run_scoped3A = tpu.sem_alloc : memref<!tpu.dma_semaphore, #tpu.memory_space<semaphore_mem>>
        %dma_start3A_295 = arith.constant 0 : i32
        %dma_start3A_296 = tpu.memref_slice %arg11[%add3A_245, %dma_start3A_295] : memref<136x128xi32, #tpu.memory_space<vmem>> -> memref<1x128xi32, #tpu.memory_space<vmem>>
        %dma_start3A_297 = tpu.memref_squeeze %dma_start3A_296 : memref<1x128xi32, #tpu.memory_space<vmem>> -> memref<128xi32, #tpu.memory_space<vmem>>
        %dma_start3A_298 = arith.constant 0 : i32
        %dma_start3A_299 = arith.constant 0 : i32
        %dma_start3A_300 = tpu.memref_slice %arg14[%dma_start3A_298, %dma_start3A_299] : memref<16896x32xf32, #tpu.memory_space<vmem_shared>> -> memref<16896x32xf32, #tpu.memory_space<vmem_shared>>
        tpu.enqueue_indirect_dma source(%arg12 : memref<128x32xf32, #tpu.memory_space<vmem>>) target(%dma_start3A_300 : memref<16896x32xf32, #tpu.memory_space<vmem_shared>>) offsets(%dma_start3A_297 : memref<128xi32, #tpu.memory_space<vmem>>) semaphore(%run_scoped3A : memref<!tpu.dma_semaphore, #tpu.memory_space<semaphore_mem>>) {add = true}
        %dma_wait3A_301 = arith.constant 0 : i32
        %dma_wait3A_302 = tpu.memref_slice %arg11[%add3A_245, %dma_wait3A_301] : memref<136x128xi32, #tpu.memory_space<vmem>> -> memref<1x128xi32, #tpu.memory_space<vmem>>
        %dma_wait3A_303 = tpu.memref_squeeze %dma_wait3A_302 : memref<1x128xi32, #tpu.memory_space<vmem>> -> memref<128xi32, #tpu.memory_space<vmem>>
        %dma_wait3A_304 = arith.constant 0 : i32
        %dma_wait3A_305 = arith.constant 0 : i32
        %dma_wait3A_306 = tpu.memref_slice %arg14[%dma_wait3A_304, %dma_wait3A_305] : memref<16896x32xf32, #tpu.memory_space<vmem_shared>> -> memref<16896x32xf32, #tpu.memory_space<vmem_shared>>
        tpu.wait_indirect_dma semaphore(%run_scoped3A : memref<!tpu.dma_semaphore, #tpu.memory_space<semaphore_mem>>) src(%arg12 : memref<128x32xf32, #tpu.memory_space<vmem>>) dst(%dma_wait3A_306 : memref<16896x32xf32, #tpu.memory_space<vmem_shared>>)
        tpu.yield
      }) : () -> ()
      %gt3A = arith.constant 0 : i32
      %gt3A_252 = arith.cmpi sgt, %while3A_241, %gt3A : i32
      %convert_element_type3A = arith.extui %gt3A_252 : i1 to i32
      %cond3A = arith.constant 0 : i32
      %cond3A_253 = arith.cmpi ne, %convert_element_type3A, %cond3A : i32
      scf.if %cond3A_253 {
        %sub3A_295 = arith.constant 1 : i32
        %sub3A_296 = arith.subi %add3A_245, %sub3A_295 : i32
        %dma_wait3A_297 = arith.constant 0 : i32
        %dma_wait3A_298 = tpu.memref_slice %arg11[%sub3A_296, %dma_wait3A_297] : memref<136x128xi32, #tpu.memory_space<vmem>> -> memref<1x128xi32, #tpu.memory_space<vmem>>
        %dma_wait3A_299 = tpu.memref_squeeze %dma_wait3A_298 : memref<1x128xi32, #tpu.memory_space<vmem>> -> memref<128xi32, #tpu.memory_space<vmem>>
        %dma_wait3A_300 = arith.constant 0 : i32
        %dma_wait3A_301 = arith.constant 0 : i32
        %dma_wait3A_302 = tpu.memref_slice %arg18[%dma_wait3A_300, %dma_wait3A_301] : memref<16896x16xf32, #tpu.memory_space<vmem_shared>> -> memref<16896x16xf32, #tpu.memory_space<vmem_shared>>
        tpu.wait_indirect_dma semaphore(%arg20 : memref<!tpu.dma_semaphore, #tpu.memory_space<semaphore_mem>>) src(%arg17 : memref<128x16xf32, #tpu.memory_space<vmem>>) dst(%dma_wait3A_302 : memref<16896x16xf32, #tpu.memory_space<vmem_shared>>)
      } else {
      }
      %dma_start3A_254 = arith.constant 0 : i32
      %dma_start3A_255 = tpu.memref_slice %arg11[%add3A_245, %dma_start3A_254] : memref<136x128xi32, #tpu.memory_space<vmem>> -> memref<1x128xi32, #tpu.memory_space<vmem>>
      %dma_start3A_256 = tpu.memref_squeeze %dma_start3A_255 : memref<1x128xi32, #tpu.memory_space<vmem>> -> memref<128xi32, #tpu.memory_space<vmem>>
      %dma_start3A_257 = arith.constant 0 : i32
      %dma_start3A_258 = arith.constant 0 : i32
      %dma_start3A_259 = tpu.memref_slice %arg18[%dma_start3A_257, %dma_start3A_258] : memref<16896x16xf32, #tpu.memory_space<vmem_shared>> -> memref<16896x16xf32, #tpu.memory_space<vmem_shared>>
      tpu.enqueue_indirect_dma source(%arg17 : memref<128x16xf32, #tpu.memory_space<vmem>>) target(%dma_start3A_259 : memref<16896x16xf32, #tpu.memory_space<vmem_shared>>) offsets(%dma_start3A_256 : memref<128xi32, #tpu.memory_space<vmem>>) semaphore(%arg20 : memref<!tpu.dma_semaphore, #tpu.memory_space<semaphore_mem>>) {add = true}
      %sub3A_260 = arith.constant 1 : i32
      %sub3A_261 = arith.subi %select_n3A_92, %sub3A_260 : i32
      %lt3A = arith.cmpi slt, %while3A_241, %sub3A_261 : i32
      %convert_element_type3A_262 = arith.extui %lt3A : i1 to i32
      %cond3A_263 = arith.constant 0 : i32
      %cond3A_264 = arith.cmpi ne, %convert_element_type3A_262, %cond3A_263 : i32
      scf.if %cond3A_264 {
        %add3A_295 = arith.constant 2 : i32
        %add3A_296 = arith.addi %add3A_245, %add3A_295 : i32
        %dma_start3A_297 = arith.constant 0 : i32
        %dma_start3A_298 = tpu.memref_slice %arg10[%add3A_296, %dma_start3A_297] : memref<136x128xi32, #tpu.memory_space<vmem>> -> memref<1x128xi32, #tpu.memory_space<vmem>>
        %dma_start3A_299 = tpu.memref_squeeze %dma_start3A_298 : memref<1x128xi32, #tpu.memory_space<vmem>> -> memref<128xi32, #tpu.memory_space<vmem>>
        %dma_start3A_300 = arith.constant 0 : i32
        %dma_start3A_301 = arith.constant 0 : i32
        %dma_start3A_302 = tpu.memref_slice %arg2[%dma_start3A_300, %dma_start3A_301] : memref<16896x32xf32, #tpu.memory_space<hbm>> -> memref<16896x32xf32, #tpu.memory_space<hbm>>
        tpu.enqueue_indirect_dma source(%dma_start3A_302 : memref<16896x32xf32, #tpu.memory_space<hbm>>) target(%arg12 : memref<128x32xf32, #tpu.memory_space<vmem>>) offsets(%dma_start3A_299 : memref<128xi32, #tpu.memory_space<vmem>>) semaphore(%arg15 : memref<!tpu.dma_semaphore, #tpu.memory_space<semaphore_mem>>)
      } else {
      }
      %mul3A_265 = arith.constant 2 : i32
      %mul3A_266 = arith.muli %mul3A_265, %while3A_241 : i32
      %add3A_267 = arith.constant 1 : i32
      %add3A_268 = arith.addi %mul3A_266, %add3A_267 : i32
      %dma_wait3A_269 = arith.constant 0 : i32
      %dma_wait3A_270 = tpu.memref_slice %arg10[%add3A_268, %dma_wait3A_269] : memref<136x128xi32, #tpu.memory_space<vmem>> -> memref<1x128xi32, #tpu.memory_space<vmem>>
      %dma_wait3A_271 = tpu.memref_squeeze %dma_wait3A_270 : memref<1x128xi32, #tpu.memory_space<vmem>> -> memref<128xi32, #tpu.memory_space<vmem>>
      %dma_wait3A_272 = arith.constant 0 : i32
      %dma_wait3A_273 = arith.constant 0 : i32
      %dma_wait3A_274 = tpu.memref_slice %arg2[%dma_wait3A_272, %dma_wait3A_273] : memref<16896x32xf32, #tpu.memory_space<hbm>> -> memref<16896x32xf32, #tpu.memory_space<hbm>>
      tpu.wait_indirect_dma semaphore(%arg16 : memref<!tpu.dma_semaphore, #tpu.memory_space<semaphore_mem>>) src(%dma_wait3A_274 : memref<16896x32xf32, #tpu.memory_space<hbm>>) dst(%arg13 : memref<128x32xf32, #tpu.memory_space<vmem>>)
      "tpu.region"() ({
        %run_scoped3A = tpu.sem_alloc : memref<!tpu.dma_semaphore, #tpu.memory_space<semaphore_mem>>
        %dma_start3A_295 = arith.constant 0 : i32
        %dma_start3A_296 = tpu.memref_slice %arg11[%add3A_268, %dma_start3A_295] : memref<136x128xi32, #tpu.memory_space<vmem>> -> memref<1x128xi32, #tpu.memory_space<vmem>>
        %dma_start3A_297 = tpu.memref_squeeze %dma_start3A_296 : memref<1x128xi32, #tpu.memory_space<vmem>> -> memref<128xi32, #tpu.memory_space<vmem>>
        %dma_start3A_298 = arith.constant 0 : i32
        %dma_start3A_299 = arith.constant 0 : i32
        %dma_start3A_300 = tpu.memref_slice %arg14[%dma_start3A_298, %dma_start3A_299] : memref<16896x32xf32, #tpu.memory_space<vmem_shared>> -> memref<16896x32xf32, #tpu.memory_space<vmem_shared>>
        tpu.enqueue_indirect_dma source(%arg13 : memref<128x32xf32, #tpu.memory_space<vmem>>) target(%dma_start3A_300 : memref<16896x32xf32, #tpu.memory_space<vmem_shared>>) offsets(%dma_start3A_297 : memref<128xi32, #tpu.memory_space<vmem>>) semaphore(%run_scoped3A : memref<!tpu.dma_semaphore, #tpu.memory_space<semaphore_mem>>) {add = true}
        %dma_wait3A_301 = arith.constant 0 : i32
        %dma_wait3A_302 = tpu.memref_slice %arg11[%add3A_268, %dma_wait3A_301] : memref<136x128xi32, #tpu.memory_space<vmem>> -> memref<1x128xi32, #tpu.memory_space<vmem>>
        %dma_wait3A_303 = tpu.memref_squeeze %dma_wait3A_302 : memref<1x128xi32, #tpu.memory_space<vmem>> -> memref<128xi32, #tpu.memory_space<vmem>>
        %dma_wait3A_304 = arith.constant 0 : i32
        %dma_wait3A_305 = arith.constant 0 : i32
        %dma_wait3A_306 = tpu.memref_slice %arg14[%dma_wait3A_304, %dma_wait3A_305] : memref<16896x32xf32, #tpu.memory_space<vmem_shared>> -> memref<16896x32xf32, #tpu.memory_space<vmem_shared>>
        tpu.wait_indirect_dma semaphore(%run_scoped3A : memref<!tpu.dma_semaphore, #tpu.memory_space<semaphore_mem>>) src(%arg13 : memref<128x32xf32, #tpu.memory_space<vmem>>) dst(%dma_wait3A_306 : memref<16896x32xf32, #tpu.memory_space<vmem_shared>>)
        tpu.yield
      }) : () -> ()
      %sub3A_275 = arith.constant 1 : i32
      %sub3A_276 = arith.subi %add3A_268, %sub3A_275 : i32
      %dma_wait3A_277 = arith.constant 0 : i32
      %dma_wait3A_278 = tpu.memref_slice %arg11[%sub3A_276, %dma_wait3A_277] : memref<136x128xi32, #tpu.memory_space<vmem>> -> memref<1x128xi32, #tpu.memory_space<vmem>>
      %dma_wait3A_279 = tpu.memref_squeeze %dma_wait3A_278 : memref<1x128xi32, #tpu.memory_space<vmem>> -> memref<128xi32, #tpu.memory_space<vmem>>
      %dma_wait3A_280 = arith.constant 0 : i32
      %dma_wait3A_281 = arith.constant 0 : i32
      %dma_wait3A_282 = tpu.memref_slice %arg18[%dma_wait3A_280, %dma_wait3A_281] : memref<16896x16xf32, #tpu.memory_space<vmem_shared>> -> memref<16896x16xf32, #tpu.memory_space<vmem_shared>>
      tpu.wait_indirect_dma semaphore(%arg20 : memref<!tpu.dma_semaphore, #tpu.memory_space<semaphore_mem>>) src(%arg17 : memref<128x16xf32, #tpu.memory_space<vmem>>) dst(%dma_wait3A_282 : memref<16896x16xf32, #tpu.memory_space<vmem_shared>>)
      %dma_start3A_283 = arith.constant 0 : i32
      %dma_start3A_284 = tpu.memref_slice %arg11[%add3A_268, %dma_start3A_283] : memref<136x128xi32, #tpu.memory_space<vmem>> -> memref<1x128xi32, #tpu.memory_space<vmem>>
      %dma_start3A_285 = tpu.memref_squeeze %dma_start3A_284 : memref<1x128xi32, #tpu.memory_space<vmem>> -> memref<128xi32, #tpu.memory_space<vmem>>
      %dma_start3A_286 = arith.constant 0 : i32
      %dma_start3A_287 = arith.constant 0 : i32
      %dma_start3A_288 = tpu.memref_slice %arg18[%dma_start3A_286, %dma_start3A_287] : memref<16896x16xf32, #tpu.memory_space<vmem_shared>> -> memref<16896x16xf32, #tpu.memory_space<vmem_shared>>
      tpu.enqueue_indirect_dma source(%arg17 : memref<128x16xf32, #tpu.memory_space<vmem>>) target(%dma_start3A_288 : memref<16896x16xf32, #tpu.memory_space<vmem_shared>>) offsets(%dma_start3A_285 : memref<128xi32, #tpu.memory_space<vmem>>) semaphore(%arg20 : memref<!tpu.dma_semaphore, #tpu.memory_space<semaphore_mem>>) {add = true}
      %sub3A_289 = arith.constant 1 : i32
      %sub3A_290 = arith.subi %select_n3A_92, %sub3A_289 : i32
      %lt3A_291 = arith.cmpi slt, %while3A_241, %sub3A_290 : i32
      %convert_element_type3A_292 = arith.extui %lt3A_291 : i1 to i32
      %cond3A_293 = arith.constant 0 : i32
      %cond3A_294 = arith.cmpi ne, %convert_element_type3A_292, %cond3A_293 : i32
      scf.if %cond3A_294 {
        %add3A_295 = arith.constant 2 : i32
        %add3A_296 = arith.addi %add3A_268, %add3A_295 : i32
        %dma_start3A_297 = arith.constant 0 : i32
        %dma_start3A_298 = tpu.memref_slice %arg10[%add3A_296, %dma_start3A_297] : memref<136x128xi32, #tpu.memory_space<vmem>> -> memref<1x128xi32, #tpu.memory_space<vmem>>
        %dma_start3A_299 = tpu.memref_squeeze %dma_start3A_298 : memref<1x128xi32, #tpu.memory_space<vmem>> -> memref<128xi32, #tpu.memory_space<vmem>>
        %dma_start3A_300 = arith.constant 0 : i32
        %dma_start3A_301 = arith.constant 0 : i32
        %dma_start3A_302 = tpu.memref_slice %arg2[%dma_start3A_300, %dma_start3A_301] : memref<16896x32xf32, #tpu.memory_space<hbm>> -> memref<16896x32xf32, #tpu.memory_space<hbm>>
        tpu.enqueue_indirect_dma source(%dma_start3A_302 : memref<16896x32xf32, #tpu.memory_space<hbm>>) target(%arg13 : memref<128x32xf32, #tpu.memory_space<vmem>>) offsets(%dma_start3A_299 : memref<128xi32, #tpu.memory_space<vmem>>) semaphore(%arg16 : memref<!tpu.dma_semaphore, #tpu.memory_space<semaphore_mem>>)
      } else {
      }
    }
    %while3A_101 = arith.constant 1 : i32
    scf.for %while3A_241 = %while3A_99 to %while3A_95 step %while3A_101  : i32 {
      %mul3A_242 = arith.constant 2 : i32
      %mul3A_243 = arith.muli %mul3A_242, %while3A_241 : i32
      %add3A_244 = arith.constant 0 : i32
      %add3A_245 = arith.addi %mul3A_243, %add3A_244 : i32
      %dma_wait3A_246 = arith.constant 0 : i32
      %dma_wait3A_247 = tpu.memref_slice %arg10[%add3A_245, %dma_wait3A_246] : memref<136x128xi32, #tpu.memory_space<vmem>> -> memref<1x128xi32, #tpu.memory_space<vmem>>
      %dma_wait3A_248 = tpu.memref_squeeze %dma_wait3A_247 : memref<1x128xi32, #tpu.memory_space<vmem>> -> memref<128xi32, #tpu.memory_space<vmem>>
      %dma_wait3A_249 = arith.constant 0 : i32
      %dma_wait3A_250 = arith.constant 0 : i32
      %dma_wait3A_251 = tpu.memref_slice %arg2[%dma_wait3A_249, %dma_wait3A_250] : memref<16896x32xf32, #tpu.memory_space<hbm>> -> memref<16896x32xf32, #tpu.memory_space<hbm>>
      tpu.wait_indirect_dma semaphore(%arg15 : memref<!tpu.dma_semaphore, #tpu.memory_space<semaphore_mem>>) src(%dma_wait3A_251 : memref<16896x32xf32, #tpu.memory_space<hbm>>) dst(%arg12 : memref<128x32xf32, #tpu.memory_space<vmem>>)
      "tpu.region"() ({
        %run_scoped3A = tpu.sem_alloc : memref<!tpu.dma_semaphore, #tpu.memory_space<semaphore_mem>>
        %dma_start3A_295 = arith.constant 0 : i32
        %dma_start3A_296 = tpu.memref_slice %arg11[%add3A_245, %dma_start3A_295] : memref<136x128xi32, #tpu.memory_space<vmem>> -> memref<1x128xi32, #tpu.memory_space<vmem>>
        %dma_start3A_297 = tpu.memref_squeeze %dma_start3A_296 : memref<1x128xi32, #tpu.memory_space<vmem>> -> memref<128xi32, #tpu.memory_space<vmem>>
        %dma_start3A_298 = arith.constant 0 : i32
        %dma_start3A_299 = arith.constant 0 : i32
        %dma_start3A_300 = tpu.memref_slice %arg14[%dma_start3A_298, %dma_start3A_299] : memref<16896x32xf32, #tpu.memory_space<vmem_shared>> -> memref<16896x32xf32, #tpu.memory_space<vmem_shared>>
        tpu.enqueue_indirect_dma source(%arg12 : memref<128x32xf32, #tpu.memory_space<vmem>>) target(%dma_start3A_300 : memref<16896x32xf32, #tpu.memory_space<vmem_shared>>) offsets(%dma_start3A_297 : memref<128xi32, #tpu.memory_space<vmem>>) semaphore(%run_scoped3A : memref<!tpu.dma_semaphore, #tpu.memory_space<semaphore_mem>>) {add = true}
        %dma_wait3A_301 = arith.constant 0 : i32
        %dma_wait3A_302 = tpu.memref_slice %arg11[%add3A_245, %dma_wait3A_301] : memref<136x128xi32, #tpu.memory_space<vmem>> -> memref<1x128xi32, #tpu.memory_space<vmem>>
        %dma_wait3A_303 = tpu.memref_squeeze %dma_wait3A_302 : memref<1x128xi32, #tpu.memory_space<vmem>> -> memref<128xi32, #tpu.memory_space<vmem>>
        %dma_wait3A_304 = arith.constant 0 : i32
        %dma_wait3A_305 = arith.constant 0 : i32
        %dma_wait3A_306 = tpu.memref_slice %arg14[%dma_wait3A_304, %dma_wait3A_305] : memref<16896x32xf32, #tpu.memory_space<vmem_shared>> -> memref<16896x32xf32, #tpu.memory_space<vmem_shared>>
        tpu.wait_indirect_dma semaphore(%run_scoped3A : memref<!tpu.dma_semaphore, #tpu.memory_space<semaphore_mem>>) src(%arg12 : memref<128x32xf32, #tpu.memory_space<vmem>>) dst(%dma_wait3A_306 : memref<16896x32xf32, #tpu.memory_space<vmem_shared>>)
        tpu.yield
      }) : () -> ()
      %gt3A = arith.constant 0 : i32
      %gt3A_252 = arith.cmpi sgt, %while3A_241, %gt3A : i32
      %convert_element_type3A = arith.extui %gt3A_252 : i1 to i32
      %cond3A = arith.constant 0 : i32
      %cond3A_253 = arith.cmpi ne, %convert_element_type3A, %cond3A : i32
      scf.if %cond3A_253 {
        %sub3A_295 = arith.constant 1 : i32
        %sub3A_296 = arith.subi %add3A_245, %sub3A_295 : i32
        %dma_wait3A_297 = arith.constant 0 : i32
        %dma_wait3A_298 = tpu.memref_slice %arg11[%sub3A_296, %dma_wait3A_297] : memref<136x128xi32, #tpu.memory_space<vmem>> -> memref<1x128xi32, #tpu.memory_space<vmem>>
        %dma_wait3A_299 = tpu.memref_squeeze %dma_wait3A_298 : memref<1x128xi32, #tpu.memory_space<vmem>> -> memref<128xi32, #tpu.memory_space<vmem>>
        %dma_wait3A_300 = arith.constant 0 : i32
        %dma_wait3A_301 = arith.constant 0 : i32
        %dma_wait3A_302 = tpu.memref_slice %arg18[%dma_wait3A_300, %dma_wait3A_301] : memref<16896x16xf32, #tpu.memory_space<vmem_shared>> -> memref<16896x16xf32, #tpu.memory_space<vmem_shared>>
        tpu.wait_indirect_dma semaphore(%arg20 : memref<!tpu.dma_semaphore, #tpu.memory_space<semaphore_mem>>) src(%arg17 : memref<128x16xf32, #tpu.memory_space<vmem>>) dst(%dma_wait3A_302 : memref<16896x16xf32, #tpu.memory_space<vmem_shared>>)
      } else {
      }
      %dma_start3A_254 = arith.constant 0 : i32
      %dma_start3A_255 = tpu.memref_slice %arg11[%add3A_245, %dma_start3A_254] : memref<136x128xi32, #tpu.memory_space<vmem>> -> memref<1x128xi32, #tpu.memory_space<vmem>>
      %dma_start3A_256 = tpu.memref_squeeze %dma_start3A_255 : memref<1x128xi32, #tpu.memory_space<vmem>> -> memref<128xi32, #tpu.memory_space<vmem>>
      %dma_start3A_257 = arith.constant 0 : i32
      %dma_start3A_258 = arith.constant 0 : i32
      %dma_start3A_259 = tpu.memref_slice %arg18[%dma_start3A_257, %dma_start3A_258] : memref<16896x16xf32, #tpu.memory_space<vmem_shared>> -> memref<16896x16xf32, #tpu.memory_space<vmem_shared>>
      tpu.enqueue_indirect_dma source(%arg17 : memref<128x16xf32, #tpu.memory_space<vmem>>) target(%dma_start3A_259 : memref<16896x16xf32, #tpu.memory_space<vmem_shared>>) offsets(%dma_start3A_256 : memref<128xi32, #tpu.memory_space<vmem>>) semaphore(%arg20 : memref<!tpu.dma_semaphore, #tpu.memory_space<semaphore_mem>>) {add = true}
      %sub3A_260 = arith.constant 1 : i32
      %sub3A_261 = arith.subi %select_n3A_92, %sub3A_260 : i32
      %lt3A = arith.cmpi slt, %while3A_241, %sub3A_261 : i32
      %convert_element_type3A_262 = arith.extui %lt3A : i1 to i32
      %cond3A_263 = arith.constant 0 : i32
      %cond3A_264 = arith.cmpi ne, %convert_element_type3A_262, %cond3A_263 : i32
      scf.if %cond3A_264 {
        %add3A_295 = arith.constant 2 : i32
        %add3A_296 = arith.addi %add3A_245, %add3A_295 : i32
        %dma_start3A_297 = arith.constant 0 : i32
        %dma_start3A_298 = tpu.memref_slice %arg10[%add3A_296, %dma_start3A_297] : memref<136x128xi32, #tpu.memory_space<vmem>> -> memref<1x128xi32, #tpu.memory_space<vmem>>
        %dma_start3A_299 = tpu.memref_squeeze %dma_start3A_298 : memref<1x128xi32, #tpu.memory_space<vmem>> -> memref<128xi32, #tpu.memory_space<vmem>>
        %dma_start3A_300 = arith.constant 0 : i32
        %dma_start3A_301 = arith.constant 0 : i32
        %dma_start3A_302 = tpu.memref_slice %arg2[%dma_start3A_300, %dma_start3A_301] : memref<16896x32xf32, #tpu.memory_space<hbm>> -> memref<16896x32xf32, #tpu.memory_space<hbm>>
        tpu.enqueue_indirect_dma source(%dma_start3A_302 : memref<16896x32xf32, #tpu.memory_space<hbm>>) target(%arg12 : memref<128x32xf32, #tpu.memory_space<vmem>>) offsets(%dma_start3A_299 : memref<128xi32, #tpu.memory_space<vmem>>) semaphore(%arg15 : memref<!tpu.dma_semaphore, #tpu.memory_space<semaphore_mem>>)
      } else {
      }
      %mul3A_265 = arith.constant 2 : i32
      %mul3A_266 = arith.muli %mul3A_265, %while3A_241 : i32
      %add3A_267 = arith.constant 1 : i32
      %add3A_268 = arith.addi %mul3A_266, %add3A_267 : i32
      %dma_wait3A_269 = arith.constant 0 : i32
      %dma_wait3A_270 = tpu.memref_slice %arg10[%add3A_268, %dma_wait3A_269] : memref<136x128xi32, #tpu.memory_space<vmem>> -> memref<1x128xi32, #tpu.memory_space<vmem>>
      %dma_wait3A_271 = tpu.memref_squeeze %dma_wait3A_270 : memref<1x128xi32, #tpu.memory_space<vmem>> -> memref<128xi32, #tpu.memory_space<vmem>>
      %dma_wait3A_272 = arith.constant 0 : i32
      %dma_wait3A_273 = arith.constant 0 : i32
      %dma_wait3A_274 = tpu.memref_slice %arg2[%dma_wait3A_272, %dma_wait3A_273] : memref<16896x32xf32, #tpu.memory_space<hbm>> -> memref<16896x32xf32, #tpu.memory_space<hbm>>
      tpu.wait_indirect_dma semaphore(%arg16 : memref<!tpu.dma_semaphore, #tpu.memory_space<semaphore_mem>>) src(%dma_wait3A_274 : memref<16896x32xf32, #tpu.memory_space<hbm>>) dst(%arg13 : memref<128x32xf32, #tpu.memory_space<vmem>>)
      "tpu.region"() ({
        %run_scoped3A = tpu.sem_alloc : memref<!tpu.dma_semaphore, #tpu.memory_space<semaphore_mem>>
        %dma_start3A_295 = arith.constant 0 : i32
        %dma_start3A_296 = tpu.memref_slice %arg11[%add3A_268, %dma_start3A_295] : memref<136x128xi32, #tpu.memory_space<vmem>> -> memref<1x128xi32, #tpu.memory_space<vmem>>
        %dma_start3A_297 = tpu.memref_squeeze %dma_start3A_296 : memref<1x128xi32, #tpu.memory_space<vmem>> -> memref<128xi32, #tpu.memory_space<vmem>>
        %dma_start3A_298 = arith.constant 0 : i32
        %dma_start3A_299 = arith.constant 0 : i32
        %dma_start3A_300 = tpu.memref_slice %arg14[%dma_start3A_298, %dma_start3A_299] : memref<16896x32xf32, #tpu.memory_space<vmem_shared>> -> memref<16896x32xf32, #tpu.memory_space<vmem_shared>>
        tpu.enqueue_indirect_dma source(%arg13 : memref<128x32xf32, #tpu.memory_space<vmem>>) target(%dma_start3A_300 : memref<16896x32xf32, #tpu.memory_space<vmem_shared>>) offsets(%dma_start3A_297 : memref<128xi32, #tpu.memory_space<vmem>>) semaphore(%run_scoped3A : memref<!tpu.dma_semaphore, #tpu.memory_space<semaphore_mem>>) {add = true}
        %dma_wait3A_301 = arith.constant 0 : i32
        %dma_wait3A_302 = tpu.memref_slice %arg11[%add3A_268, %dma_wait3A_301] : memref<136x128xi32, #tpu.memory_space<vmem>> -> memref<1x128xi32, #tpu.memory_space<vmem>>
        %dma_wait3A_303 = tpu.memref_squeeze %dma_wait3A_302 : memref<1x128xi32, #tpu.memory_space<vmem>> -> memref<128xi32, #tpu.memory_space<vmem>>
        %dma_wait3A_304 = arith.constant 0 : i32
        %dma_wait3A_305 = arith.constant 0 : i32
        %dma_wait3A_306 = tpu.memref_slice %arg14[%dma_wait3A_304, %dma_wait3A_305] : memref<16896x32xf32, #tpu.memory_space<vmem_shared>> -> memref<16896x32xf32, #tpu.memory_space<vmem_shared>>
        tpu.wait_indirect_dma semaphore(%run_scoped3A : memref<!tpu.dma_semaphore, #tpu.memory_space<semaphore_mem>>) src(%arg13 : memref<128x32xf32, #tpu.memory_space<vmem>>) dst(%dma_wait3A_306 : memref<16896x32xf32, #tpu.memory_space<vmem_shared>>)
        tpu.yield
      }) : () -> ()
      %sub3A_275 = arith.constant 1 : i32
      %sub3A_276 = arith.subi %add3A_268, %sub3A_275 : i32
      %dma_wait3A_277 = arith.constant 0 : i32
      %dma_wait3A_278 = tpu.memref_slice %arg11[%sub3A_276, %dma_wait3A_277] : memref<136x128xi32, #tpu.memory_space<vmem>> -> memref<1x128xi32, #tpu.memory_space<vmem>>
      %dma_wait3A_279 = tpu.memref_squeeze %dma_wait3A_278 : memref<1x128xi32, #tpu.memory_space<vmem>> -> memref<128xi32, #tpu.memory_space<vmem>>
      %dma_wait3A_280 = arith.constant 0 : i32
      %dma_wait3A_281 = arith.constant 0 : i32
      %dma_wait3A_282 = tpu.memref_slice %arg18[%dma_wait3A_280, %dma_wait3A_281] : memref<16896x16xf32, #tpu.memory_space<vmem_shared>> -> memref<16896x16xf32, #tpu.memory_space<vmem_shared>>
      tpu.wait_indirect_dma semaphore(%arg20 : memref<!tpu.dma_semaphore, #tpu.memory_space<semaphore_mem>>) src(%arg17 : memref<128x16xf32, #tpu.memory_space<vmem>>) dst(%dma_wait3A_282 : memref<16896x16xf32, #tpu.memory_space<vmem_shared>>)
      %dma_start3A_283 = arith.constant 0 : i32
      %dma_start3A_284 = tpu.memref_slice %arg11[%add3A_268, %dma_start3A_283] : memref<136x128xi32, #tpu.memory_space<vmem>> -> memref<1x128xi32, #tpu.memory_space<vmem>>
      %dma_start3A_285 = tpu.memref_squeeze %dma_start3A_284 : memref<1x128xi32, #tpu.memory_space<vmem>> -> memref<128xi32, #tpu.memory_space<vmem>>
      %dma_start3A_286 = arith.constant 0 : i32
      %dma_start3A_287 = arith.constant 0 : i32
      %dma_start3A_288 = tpu.memref_slice %arg18[%dma_start3A_286, %dma_start3A_287] : memref<16896x16xf32, #tpu.memory_space<vmem_shared>> -> memref<16896x16xf32, #tpu.memory_space<vmem_shared>>
      tpu.enqueue_indirect_dma source(%arg17 : memref<128x16xf32, #tpu.memory_space<vmem>>) target(%dma_start3A_288 : memref<16896x16xf32, #tpu.memory_space<vmem_shared>>) offsets(%dma_start3A_285 : memref<128xi32, #tpu.memory_space<vmem>>) semaphore(%arg20 : memref<!tpu.dma_semaphore, #tpu.memory_space<semaphore_mem>>) {add = true}
      %sub3A_289 = arith.constant 1 : i32
      %sub3A_290 = arith.subi %select_n3A_92, %sub3A_289 : i32
      %lt3A_291 = arith.cmpi slt, %while3A_241, %sub3A_290 : i32
      %convert_element_type3A_292 = arith.extui %lt3A_291 : i1 to i32
      %cond3A_293 = arith.constant 0 : i32
      %cond3A_294 = arith.cmpi ne, %convert_element_type3A_292, %cond3A_293 : i32
      scf.if %cond3A_294 {
        %add3A_295 = arith.constant 2 : i32
        %add3A_296 = arith.addi %add3A_268, %add3A_295 : i32
        %dma_start3A_297 = arith.constant 0 : i32
        %dma_start3A_298 = tpu.memref_slice %arg10[%add3A_296, %dma_start3A_297] : memref<136x128xi32, #tpu.memory_space<vmem>> -> memref<1x128xi32, #tpu.memory_space<vmem>>
        %dma_start3A_299 = tpu.memref_squeeze %dma_start3A_298 : memref<1x128xi32, #tpu.memory_space<vmem>> -> memref<128xi32, #tpu.memory_space<vmem>>
        %dma_start3A_300 = arith.constant 0 : i32
        %dma_start3A_301 = arith.constant 0 : i32
        %dma_start3A_302 = tpu.memref_slice %arg2[%dma_start3A_300, %dma_start3A_301] : memref<16896x32xf32, #tpu.memory_space<hbm>> -> memref<16896x32xf32, #tpu.memory_space<hbm>>
        tpu.enqueue_indirect_dma source(%dma_start3A_302 : memref<16896x32xf32, #tpu.memory_space<hbm>>) target(%arg13 : memref<128x32xf32, #tpu.memory_space<vmem>>) offsets(%dma_start3A_299 : memref<128xi32, #tpu.memory_space<vmem>>) semaphore(%arg16 : memref<!tpu.dma_semaphore, #tpu.memory_space<semaphore_mem>>)
      } else {
      }
    }
    %sub3A_102 = arith.constant 1 : i32
    %sub3A_103 = arith.subi %sub3A_53, %sub3A_102 : i32
    %dma_wait3A = arith.constant 0 : i32
    %dma_wait3A_104 = tpu.memref_slice %arg11[%sub3A_103, %dma_wait3A] : memref<136x128xi32, #tpu.memory_space<vmem>> -> memref<1x128xi32, #tpu.memory_space<vmem>>
    %dma_wait3A_105 = tpu.memref_squeeze %dma_wait3A_104 : memref<1x128xi32, #tpu.memory_space<vmem>> -> memref<128xi32, #tpu.memory_space<vmem>>
    %dma_wait3A_106 = arith.constant 0 : i32
    %dma_wait3A_107 = arith.constant 0 : i32
    %dma_wait3A_108 = tpu.memref_slice %arg18[%dma_wait3A_106, %dma_wait3A_107] : memref<16896x16xf32, #tpu.memory_space<vmem_shared>> -> memref<16896x16xf32, #tpu.memory_space<vmem_shared>>
    tpu.wait_indirect_dma semaphore(%arg20 : memref<!tpu.dma_semaphore, #tpu.memory_space<semaphore_mem>>) src(%arg17 : memref<128x16xf32, #tpu.memory_space<vmem>>) dst(%dma_wait3A_108 : memref<16896x16xf32, #tpu.memory_space<vmem_shared>>)
    %barrier3A_109 = arith.constant 0 : index
    tpu.barrier barrier_id(%barrier3A_109)
    %mul3A_110 = arith.constant 16896 : i32
    %mul3A_111 = arith.muli %arg0, %mul3A_110 : i32
    %add3A_112 = arith.addi %mul3A_111, %mul3A_2 : i32
    "tpu.region"() ({
      %run_scoped3A = tpu.sem_alloc : memref<!tpu.dma_semaphore, #tpu.memory_space<semaphore_mem>>
      %dma_start3A_241 = arith.constant 0 : i32
      %dma_start3A_242 = tpu.memref_slice %arg9[%add3A_112, %dma_start3A_241] : memref<33792x128xf32, #tpu.memory_space<hbm>> -> memref<1056x32xf32, #tpu.memory_space<hbm>>
      %dma_start3A_243 = arith.constant 0 : i32
      %dma_start3A_244 = tpu.memref_slice %arg14[%mul3A_2, %dma_start3A_243] : memref<16896x32xf32, #tpu.memory_space<vmem_shared>> -> memref<1056x32xf32, #tpu.memory_space<vmem_shared>>
      tpu.enqueue_dma source(%dma_start3A_244 : memref<1056x32xf32, #tpu.memory_space<vmem_shared>>) target(%dma_start3A_242 : memref<1056x32xf32, #tpu.memory_space<hbm>>) target_semaphore(%run_scoped3A : memref<!tpu.dma_semaphore, #tpu.memory_space<semaphore_mem>>)
      %dma_wait3A_245 = arith.constant 0 : i32
      %dma_wait3A_246 = tpu.memref_slice %arg9[%add3A_112, %dma_wait3A_245] : memref<33792x128xf32, #tpu.memory_space<hbm>> -> memref<1056x32xf32, #tpu.memory_space<hbm>>
      %dma_wait3A_247 = arith.constant 0 : i32
      %dma_wait3A_248 = tpu.memref_slice %arg14[%mul3A_2, %dma_wait3A_247] : memref<16896x32xf32, #tpu.memory_space<vmem_shared>> -> memref<1056x32xf32, #tpu.memory_space<vmem_shared>>
      tpu.wait_dma2 semaphore(%run_scoped3A : memref<!tpu.dma_semaphore, #tpu.memory_space<semaphore_mem>>) src(%dma_wait3A_248 : memref<1056x32xf32, #tpu.memory_space<vmem_shared>>) dst(%dma_wait3A_246 : memref<1056x32xf32, #tpu.memory_space<hbm>>)
      tpu.yield
    }) : () -> ()
    %mul3A_113 = arith.constant 16896 : i32
    %mul3A_114 = arith.muli %arg0, %mul3A_113 : i32
    %add3A_115 = arith.addi %mul3A_114, %mul3A_2 : i32
    "tpu.region"() ({
      %run_scoped3A = tpu.sem_alloc : memref<!tpu.dma_semaphore, #tpu.memory_space<semaphore_mem>>
      %dma_start3A_241 = arith.constant 64 : i32
      %dma_start3A_242 = tpu.memref_slice %arg9[%add3A_115, %dma_start3A_241] : memref<33792x128xf32, #tpu.memory_space<hbm>> -> memref<1056x16xf32, #tpu.memory_space<hbm>>
      %dma_start3A_243 = arith.constant 0 : i32
      %dma_start3A_244 = tpu.memref_slice %arg18[%mul3A_2, %dma_start3A_243] : memref<16896x16xf32, #tpu.memory_space<vmem_shared>> -> memref<1056x16xf32, #tpu.memory_space<vmem_shared>>
      tpu.enqueue_dma source(%dma_start3A_244 : memref<1056x16xf32, #tpu.memory_space<vmem_shared>>) target(%dma_start3A_242 : memref<1056x16xf32, #tpu.memory_space<hbm>>) target_semaphore(%run_scoped3A : memref<!tpu.dma_semaphore, #tpu.memory_space<semaphore_mem>>)
      %dma_wait3A_245 = arith.constant 64 : i32
      %dma_wait3A_246 = tpu.memref_slice %arg9[%add3A_115, %dma_wait3A_245] : memref<33792x128xf32, #tpu.memory_space<hbm>> -> memref<1056x16xf32, #tpu.memory_space<hbm>>
      %dma_wait3A_247 = arith.constant 0 : i32
      %dma_wait3A_248 = tpu.memref_slice %arg18[%mul3A_2, %dma_wait3A_247] : memref<16896x16xf32, #tpu.memory_space<vmem_shared>> -> memref<1056x16xf32, #tpu.memory_space<vmem_shared>>
      tpu.wait_dma2 semaphore(%run_scoped3A : memref<!tpu.dma_semaphore, #tpu.memory_space<semaphore_mem>>) src(%dma_wait3A_248 : memref<1056x16xf32, #tpu.memory_space<vmem_shared>>) dst(%dma_wait3A_246 : memref<1056x16xf32, #tpu.memory_space<hbm>>)
      tpu.yield
    }) : () -> ()
    "tpu.region"() ({
      %run_scoped3A = tpu.sem_alloc : memref<!tpu.dma_semaphore, #tpu.memory_space<semaphore_mem>>
      %dma_start3A_241 = arith.constant 0 : i32
      %dma_start3A_242 = tpu.memref_slice %arg14[%mul3A_2, %dma_start3A_241] : memref<16896x32xf32, #tpu.memory_space<vmem_shared>> -> memref<1056x32xf32, #tpu.memory_space<vmem_shared>>
      tpu.enqueue_dma source(%arg6 : memref<1056x32xf32, #tpu.memory_space<hbm>>) target(%dma_start3A_242 : memref<1056x32xf32, #tpu.memory_space<vmem_shared>>) target_semaphore(%run_scoped3A : memref<!tpu.dma_semaphore, #tpu.memory_space<semaphore_mem>>)
      %dma_wait3A_243 = arith.constant 0 : i32
      %dma_wait3A_244 = tpu.memref_slice %arg14[%mul3A_2, %dma_wait3A_243] : memref<16896x32xf32, #tpu.memory_space<vmem_shared>> -> memref<1056x32xf32, #tpu.memory_space<vmem_shared>>
      tpu.wait_dma2 semaphore(%run_scoped3A : memref<!tpu.dma_semaphore, #tpu.memory_space<semaphore_mem>>) src(%arg6 : memref<1056x32xf32, #tpu.memory_space<hbm>>) dst(%dma_wait3A_244 : memref<1056x32xf32, #tpu.memory_space<vmem_shared>>)
      tpu.yield
    }) : () -> ()
    %barrier3A_116 = arith.constant 0 : index
    tpu.barrier barrier_id(%barrier3A_116)
    %mul3A_117 = arith.constant 66 : i32
    %mul3A_118 = arith.muli %mul3A_117, %add3A : i32
    %jit3A_119 = arith.constant 8 : i32
    %div3A_120 = arith.divsi %mul3A_118, %jit3A_119 : i32
    %sign3A_121 = arith.constant 0 : i32
    %sign3A_122 = arith.cmpi sgt, %mul3A_118, %sign3A_121 : i32
    %sign3A_123 = arith.extui %sign3A_122 : i1 to i32
    %sign3A_124 = arith.constant 0 : i32
    %sign3A_125 = arith.cmpi slt, %mul3A_118, %sign3A_124 : i32
    %sign3A_126 = arith.extui %sign3A_125 : i1 to i32
    %sign3A_127 = arith.subi %sign3A_123, %sign3A_126 : i32
    %sign3A_128 = arith.constant 0 : i32
    %sign3A_129 = arith.cmpi sgt, %jit3A_119, %sign3A_128 : i32
    %sign3A_130 = arith.extui %sign3A_129 : i1 to i32
    %sign3A_131 = arith.constant 0 : i32
    %sign3A_132 = arith.cmpi slt, %jit3A_119, %sign3A_131 : i32
    %sign3A_133 = arith.extui %sign3A_132 : i1 to i32
    %sign3A_134 = arith.subi %sign3A_130, %sign3A_133 : i32
    %ne3A_135 = arith.cmpi ne, %sign3A_127, %sign3A_134 : i32
    %rem3A_136 = arith.remsi %mul3A_118, %jit3A_119 : i32
    %ne3A_137 = arith.constant 0 : i32
    %ne3A_138 = arith.cmpi ne, %rem3A_136, %ne3A_137 : i32
    %and3A_139 = arith.andi %ne3A_135, %ne3A_138 : i1
    %sub3A_140 = arith.constant 1 : i32
    %sub3A_141 = arith.subi %div3A_120, %sub3A_140 : i32
    %select_n3A_142 = arith.select %and3A_139, %sub3A_141, %div3A_120 : i32
    %mul3A_143 = arith.constant 8 : i32
    %mul3A_144 = arith.muli %select_n3A_142, %mul3A_143 : i32
    %mul3A_145 = arith.constant 66 : i32
    %mul3A_146 = arith.muli %mul3A_145, %add3A : i32
    %add3A_147 = arith.constant 66 : i32
    %add3A_148 = arith.addi %mul3A_146, %add3A_147 : i32
    %jit3A_149 = arith.constant 8 : i32
    %div3A_150 = arith.divsi %add3A_148, %jit3A_149 : i32
    %sign3A_151 = arith.constant 0 : i32
    %sign3A_152 = arith.cmpi sgt, %add3A_148, %sign3A_151 : i32
    %sign3A_153 = arith.extui %sign3A_152 : i1 to i32
    %sign3A_154 = arith.constant 0 : i32
    %sign3A_155 = arith.cmpi slt, %add3A_148, %sign3A_154 : i32
    %sign3A_156 = arith.extui %sign3A_155 : i1 to i32
    %sign3A_157 = arith.subi %sign3A_153, %sign3A_156 : i32
    %sign3A_158 = arith.constant 0 : i32
    %sign3A_159 = arith.cmpi sgt, %jit3A_149, %sign3A_158 : i32
    %sign3A_160 = arith.extui %sign3A_159 : i1 to i32
    %sign3A_161 = arith.constant 0 : i32
    %sign3A_162 = arith.cmpi slt, %jit3A_149, %sign3A_161 : i32
    %sign3A_163 = arith.extui %sign3A_162 : i1 to i32
    %sign3A_164 = arith.subi %sign3A_160, %sign3A_163 : i32
    %ne3A_165 = arith.cmpi ne, %sign3A_157, %sign3A_164 : i32
    %rem3A_166 = arith.remsi %add3A_148, %jit3A_149 : i32
    %ne3A_167 = arith.constant 0 : i32
    %ne3A_168 = arith.cmpi ne, %rem3A_166, %ne3A_167 : i32
    %and3A_169 = arith.andi %ne3A_165, %ne3A_168 : i1
    %sub3A_170 = arith.constant 1 : i32
    %sub3A_171 = arith.subi %div3A_150, %sub3A_170 : i32
    %select_n3A_172 = arith.select %and3A_169, %sub3A_171, %div3A_150 : i32
    %mul3A_173 = arith.constant 8 : i32
    %mul3A_174 = arith.muli %select_n3A_172, %mul3A_173 : i32
    %sub3A_175 = arith.subi %mul3A_174, %mul3A_144 : i32
    "tpu.region"() ({
      %run_scoped3A = tpu.sem_alloc : memref<!tpu.dma_semaphore, #tpu.memory_space<semaphore_mem>>
      %dma_start3A_241 = arith.constant 0 : i32
      %dma_start3A_242 = arith.constant 0 : i32
      %dma_start3A_243 = tpu.memref_slice %arg10[%dma_start3A_241, %dma_start3A_242] : memref<136x128xi32, #tpu.memory_space<vmem>> -> memref<72x128xi32, #tpu.memory_space<vmem>>
      %dma_start3A_244 = arith.constant 0 : i32
      %dma_start3A_245 = tpu.memref_slice %arg5[%mul3A_144, %dma_start3A_244] : memref<4224x128xi32, #tpu.memory_space<hbm>> -> memref<72x128xi32, #tpu.memory_space<hbm>>
      %dma_start3A_246 = arith.constant 0 : i32
      %dma_start3A_247 = arith.constant 0 : i32
      %dma_start3A_248 = tpu.memref_slice %arg10[%dma_start3A_246, %dma_start3A_247] : memref<136x128xi32, #tpu.memory_space<vmem>> -> memref<72x128xi32, #tpu.memory_space<vmem>>
      %dma_start3A_249 = arith.constant 0 : i32
      %dma_start3A_250 = tpu.memref_slice %arg5[%mul3A_144, %dma_start3A_249] : memref<4224x128xi32, #tpu.memory_space<hbm>> -> memref<72x128xi32, #tpu.memory_space<hbm>>
      tpu.enqueue_dma source(%dma_start3A_250 : memref<72x128xi32, #tpu.memory_space<hbm>>) target(%dma_start3A_248 : memref<72x128xi32, #tpu.memory_space<vmem>>) target_semaphore(%run_scoped3A : memref<!tpu.dma_semaphore, #tpu.memory_space<semaphore_mem>>)
      %dma_wait3A_251 = arith.constant 0 : i32
      %dma_wait3A_252 = arith.constant 0 : i32
      %dma_wait3A_253 = tpu.memref_slice %arg10[%dma_wait3A_251, %dma_wait3A_252] : memref<136x128xi32, #tpu.memory_space<vmem>> -> memref<72x128xi32, #tpu.memory_space<vmem>>
      %dma_wait3A_254 = arith.constant 0 : i32
      %dma_wait3A_255 = tpu.memref_slice %arg5[%mul3A_144, %dma_wait3A_254] : memref<4224x128xi32, #tpu.memory_space<hbm>> -> memref<72x128xi32, #tpu.memory_space<hbm>>
      %dma_wait3A_256 = arith.constant 0 : i32
      %dma_wait3A_257 = arith.constant 0 : i32
      %dma_wait3A_258 = tpu.memref_slice %arg10[%dma_wait3A_256, %dma_wait3A_257] : memref<136x128xi32, #tpu.memory_space<vmem>> -> memref<72x128xi32, #tpu.memory_space<vmem>>
      %dma_wait3A_259 = arith.constant 0 : i32
      %dma_wait3A_260 = tpu.memref_slice %arg5[%mul3A_144, %dma_wait3A_259] : memref<4224x128xi32, #tpu.memory_space<hbm>> -> memref<72x128xi32, #tpu.memory_space<hbm>>
      tpu.wait_dma2 semaphore(%run_scoped3A : memref<!tpu.dma_semaphore, #tpu.memory_space<semaphore_mem>>) src(%dma_wait3A_260 : memref<72x128xi32, #tpu.memory_space<hbm>>) dst(%dma_wait3A_258 : memref<72x128xi32, #tpu.memory_space<vmem>>)
      tpu.yield
    }) : () -> ()
    %add3A_176 = arith.constant 2112 : i32
    %add3A_177 = arith.addi %add3A_176, %mul3A_144 : i32
    "tpu.region"() ({
      %run_scoped3A = tpu.sem_alloc : memref<!tpu.dma_semaphore, #tpu.memory_space<semaphore_mem>>
      %dma_start3A_241 = arith.constant 0 : i32
      %dma_start3A_242 = arith.constant 0 : i32
      %dma_start3A_243 = tpu.memref_slice %arg11[%dma_start3A_241, %dma_start3A_242] : memref<136x128xi32, #tpu.memory_space<vmem>> -> memref<72x128xi32, #tpu.memory_space<vmem>>
      %dma_start3A_244 = arith.constant 0 : i32
      %dma_start3A_245 = tpu.memref_slice %arg5[%add3A_177, %dma_start3A_244] : memref<4224x128xi32, #tpu.memory_space<hbm>> -> memref<72x128xi32, #tpu.memory_space<hbm>>
      %dma_start3A_246 = arith.constant 0 : i32
      %dma_start3A_247 = arith.constant 0 : i32
      %dma_start3A_248 = tpu.memref_slice %arg11[%dma_start3A_246, %dma_start3A_247] : memref<136x128xi32, #tpu.memory_space<vmem>> -> memref<72x128xi32, #tpu.memory_space<vmem>>
      %dma_start3A_249 = arith.constant 0 : i32
      %dma_start3A_250 = tpu.memref_slice %arg5[%add3A_177, %dma_start3A_249] : memref<4224x128xi32, #tpu.memory_space<hbm>> -> memref<72x128xi32, #tpu.memory_space<hbm>>
      tpu.enqueue_dma source(%dma_start3A_250 : memref<72x128xi32, #tpu.memory_space<hbm>>) target(%dma_start3A_248 : memref<72x128xi32, #tpu.memory_space<vmem>>) target_semaphore(%run_scoped3A : memref<!tpu.dma_semaphore, #tpu.memory_space<semaphore_mem>>)
      %dma_wait3A_251 = arith.constant 0 : i32
      %dma_wait3A_252 = arith.constant 0 : i32
      %dma_wait3A_253 = tpu.memref_slice %arg11[%dma_wait3A_251, %dma_wait3A_252] : memref<136x128xi32, #tpu.memory_space<vmem>> -> memref<72x128xi32, #tpu.memory_space<vmem>>
      %dma_wait3A_254 = arith.constant 0 : i32
      %dma_wait3A_255 = tpu.memref_slice %arg5[%add3A_177, %dma_wait3A_254] : memref<4224x128xi32, #tpu.memory_space<hbm>> -> memref<72x128xi32, #tpu.memory_space<hbm>>
      %dma_wait3A_256 = arith.constant 0 : i32
      %dma_wait3A_257 = arith.constant 0 : i32
      %dma_wait3A_258 = tpu.memref_slice %arg11[%dma_wait3A_256, %dma_wait3A_257] : memref<136x128xi32, #tpu.memory_space<vmem>> -> memref<72x128xi32, #tpu.memory_space<vmem>>
      %dma_wait3A_259 = arith.constant 0 : i32
      %dma_wait3A_260 = tpu.memref_slice %arg5[%add3A_177, %dma_wait3A_259] : memref<4224x128xi32, #tpu.memory_space<hbm>> -> memref<72x128xi32, #tpu.memory_space<hbm>>
      tpu.wait_dma2 semaphore(%run_scoped3A : memref<!tpu.dma_semaphore, #tpu.memory_space<semaphore_mem>>) src(%dma_wait3A_260 : memref<72x128xi32, #tpu.memory_space<hbm>>) dst(%dma_wait3A_258 : memref<72x128xi32, #tpu.memory_space<vmem>>)
      tpu.yield
    }) : () -> ()
    %dma_start3A_178 = arith.constant 0 : i32
    %dma_start3A_179 = arith.constant 0 : i32
    %dma_start3A_180 = tpu.memref_slice %arg10[%dma_start3A_178, %dma_start3A_179] : memref<136x128xi32, #tpu.memory_space<vmem>> -> memref<1x128xi32, #tpu.memory_space<vmem>>
    %dma_start3A_181 = tpu.memref_squeeze %dma_start3A_180 : memref<1x128xi32, #tpu.memory_space<vmem>> -> memref<128xi32, #tpu.memory_space<vmem>>
    %dma_start3A_182 = arith.constant 0 : i32
    %dma_start3A_183 = arith.constant 0 : i32
    %dma_start3A_184 = tpu.memref_slice %arg3[%dma_start3A_182, %dma_start3A_183] : memref<16896x32xf32, #tpu.memory_space<hbm>> -> memref<16896x32xf32, #tpu.memory_space<hbm>>
    tpu.enqueue_indirect_dma source(%dma_start3A_184 : memref<16896x32xf32, #tpu.memory_space<hbm>>) target(%arg12 : memref<128x32xf32, #tpu.memory_space<vmem>>) offsets(%dma_start3A_181 : memref<128xi32, #tpu.memory_space<vmem>>) semaphore(%arg15 : memref<!tpu.dma_semaphore, #tpu.memory_space<semaphore_mem>>)
    %dma_start3A_185 = arith.constant 1 : i32
    %dma_start3A_186 = arith.constant 0 : i32
    %dma_start3A_187 = tpu.memref_slice %arg10[%dma_start3A_185, %dma_start3A_186] : memref<136x128xi32, #tpu.memory_space<vmem>> -> memref<1x128xi32, #tpu.memory_space<vmem>>
    %dma_start3A_188 = tpu.memref_squeeze %dma_start3A_187 : memref<1x128xi32, #tpu.memory_space<vmem>> -> memref<128xi32, #tpu.memory_space<vmem>>
    %dma_start3A_189 = arith.constant 0 : i32
    %dma_start3A_190 = arith.constant 0 : i32
    %dma_start3A_191 = tpu.memref_slice %arg3[%dma_start3A_189, %dma_start3A_190] : memref<16896x32xf32, #tpu.memory_space<hbm>> -> memref<16896x32xf32, #tpu.memory_space<hbm>>
    tpu.enqueue_indirect_dma source(%dma_start3A_191 : memref<16896x32xf32, #tpu.memory_space<hbm>>) target(%arg13 : memref<128x32xf32, #tpu.memory_space<vmem>>) offsets(%dma_start3A_188 : memref<128xi32, #tpu.memory_space<vmem>>) semaphore(%arg16 : memref<!tpu.dma_semaphore, #tpu.memory_space<semaphore_mem>>)
    %jit3A_192 = arith.constant 2 : i32
    %div3A_193 = arith.divsi %sub3A_175, %jit3A_192 : i32
    %sign3A_194 = arith.constant 0 : i32
    %sign3A_195 = arith.cmpi sgt, %sub3A_175, %sign3A_194 : i32
    %sign3A_196 = arith.extui %sign3A_195 : i1 to i32
    %sign3A_197 = arith.constant 0 : i32
    %sign3A_198 = arith.cmpi slt, %sub3A_175, %sign3A_197 : i32
    %sign3A_199 = arith.extui %sign3A_198 : i1 to i32
    %sign3A_200 = arith.subi %sign3A_196, %sign3A_199 : i32
    %sign3A_201 = arith.constant 0 : i32
    %sign3A_202 = arith.cmpi sgt, %jit3A_192, %sign3A_201 : i32
    %sign3A_203 = arith.extui %sign3A_202 : i1 to i32
    %sign3A_204 = arith.constant 0 : i32
    %sign3A_205 = arith.cmpi slt, %jit3A_192, %sign3A_204 : i32
    %sign3A_206 = arith.extui %sign3A_205 : i1 to i32
    %sign3A_207 = arith.subi %sign3A_203, %sign3A_206 : i32
    %ne3A_208 = arith.cmpi ne, %sign3A_200, %sign3A_207 : i32
    %rem3A_209 = arith.remsi %sub3A_175, %jit3A_192 : i32
    %ne3A_210 = arith.constant 0 : i32
    %ne3A_211 = arith.cmpi ne, %rem3A_209, %ne3A_210 : i32
    %and3A_212 = arith.andi %ne3A_208, %ne3A_211 : i1
    %sub3A_213 = arith.constant 1 : i32
    %sub3A_214 = arith.subi %div3A_193, %sub3A_213 : i32
    %select_n3A_215 = arith.select %and3A_212, %sub3A_214, %div3A_193 : i32
    %while3A_216 = arith.constant 0 : i32
    %while3A_217 = arith.constant 0 : i32
    %while3A_218 = arith.subi %select_n3A_215, %while3A_217 : i32
    %while3A_219 = arith.addi %while3A_217, %while3A_218 : i32
    %while3A_220 = arith.constant 1 : i32
    %while3A_221 = arith.divsi %while3A_218, %while3A_220 : i32
    %while3A_222 = arith.muli %while3A_221, %while3A_220 : i32
    %while3A_223 = arith.addi %while3A_217, %while3A_222 : i32
    %while3A_224 = arith.constant 1 : i32
    scf.for %while3A_241 = %while3A_217 to %while3A_223 step %while3A_224  : i32 {
      %mul3A_242 = arith.constant 2 : i32
      %mul3A_243 = arith.muli %mul3A_242, %while3A_241 : i32
      %add3A_244 = arith.constant 0 : i32
      %add3A_245 = arith.addi %mul3A_243, %add3A_244 : i32
      %dma_wait3A_246 = arith.constant 0 : i32
      %dma_wait3A_247 = tpu.memref_slice %arg10[%add3A_245, %dma_wait3A_246] : memref<136x128xi32, #tpu.memory_space<vmem>> -> memref<1x128xi32, #tpu.memory_space<vmem>>
      %dma_wait3A_248 = tpu.memref_squeeze %dma_wait3A_247 : memref<1x128xi32, #tpu.memory_space<vmem>> -> memref<128xi32, #tpu.memory_space<vmem>>
      %dma_wait3A_249 = arith.constant 0 : i32
      %dma_wait3A_250 = arith.constant 0 : i32
      %dma_wait3A_251 = tpu.memref_slice %arg3[%dma_wait3A_249, %dma_wait3A_250] : memref<16896x32xf32, #tpu.memory_space<hbm>> -> memref<16896x32xf32, #tpu.memory_space<hbm>>
      tpu.wait_indirect_dma semaphore(%arg15 : memref<!tpu.dma_semaphore, #tpu.memory_space<semaphore_mem>>) src(%dma_wait3A_251 : memref<16896x32xf32, #tpu.memory_space<hbm>>) dst(%arg12 : memref<128x32xf32, #tpu.memory_space<vmem>>)
      "tpu.region"() ({
        %run_scoped3A = tpu.sem_alloc : memref<!tpu.dma_semaphore, #tpu.memory_space<semaphore_mem>>
        %dma_start3A_295 = arith.constant 0 : i32
        %dma_start3A_296 = tpu.memref_slice %arg11[%add3A_245, %dma_start3A_295] : memref<136x128xi32, #tpu.memory_space<vmem>> -> memref<1x128xi32, #tpu.memory_space<vmem>>
        %dma_start3A_297 = tpu.memref_squeeze %dma_start3A_296 : memref<1x128xi32, #tpu.memory_space<vmem>> -> memref<128xi32, #tpu.memory_space<vmem>>
        %dma_start3A_298 = arith.constant 0 : i32
        %dma_start3A_299 = arith.constant 0 : i32
        %dma_start3A_300 = tpu.memref_slice %arg14[%dma_start3A_298, %dma_start3A_299] : memref<16896x32xf32, #tpu.memory_space<vmem_shared>> -> memref<16896x32xf32, #tpu.memory_space<vmem_shared>>
        tpu.enqueue_indirect_dma source(%arg12 : memref<128x32xf32, #tpu.memory_space<vmem>>) target(%dma_start3A_300 : memref<16896x32xf32, #tpu.memory_space<vmem_shared>>) offsets(%dma_start3A_297 : memref<128xi32, #tpu.memory_space<vmem>>) semaphore(%run_scoped3A : memref<!tpu.dma_semaphore, #tpu.memory_space<semaphore_mem>>) {add = true}
        %dma_wait3A_301 = arith.constant 0 : i32
        %dma_wait3A_302 = tpu.memref_slice %arg11[%add3A_245, %dma_wait3A_301] : memref<136x128xi32, #tpu.memory_space<vmem>> -> memref<1x128xi32, #tpu.memory_space<vmem>>
        %dma_wait3A_303 = tpu.memref_squeeze %dma_wait3A_302 : memref<1x128xi32, #tpu.memory_space<vmem>> -> memref<128xi32, #tpu.memory_space<vmem>>
        %dma_wait3A_304 = arith.constant 0 : i32
        %dma_wait3A_305 = arith.constant 0 : i32
        %dma_wait3A_306 = tpu.memref_slice %arg14[%dma_wait3A_304, %dma_wait3A_305] : memref<16896x32xf32, #tpu.memory_space<vmem_shared>> -> memref<16896x32xf32, #tpu.memory_space<vmem_shared>>
        tpu.wait_indirect_dma semaphore(%run_scoped3A : memref<!tpu.dma_semaphore, #tpu.memory_space<semaphore_mem>>) src(%arg12 : memref<128x32xf32, #tpu.memory_space<vmem>>) dst(%dma_wait3A_306 : memref<16896x32xf32, #tpu.memory_space<vmem_shared>>)
        tpu.yield
      }) : () -> ()
      %gt3A = arith.constant 0 : i32
      %gt3A_252 = arith.cmpi sgt, %while3A_241, %gt3A : i32
      %convert_element_type3A = arith.extui %gt3A_252 : i1 to i32
      %cond3A = arith.constant 0 : i32
      %cond3A_253 = arith.cmpi ne, %convert_element_type3A, %cond3A : i32
      scf.if %cond3A_253 {
        %sub3A_295 = arith.constant 1 : i32
        %sub3A_296 = arith.subi %add3A_245, %sub3A_295 : i32
        %dma_wait3A_297 = arith.constant 0 : i32
        %dma_wait3A_298 = tpu.memref_slice %arg11[%sub3A_296, %dma_wait3A_297] : memref<136x128xi32, #tpu.memory_space<vmem>> -> memref<1x128xi32, #tpu.memory_space<vmem>>
        %dma_wait3A_299 = tpu.memref_squeeze %dma_wait3A_298 : memref<1x128xi32, #tpu.memory_space<vmem>> -> memref<128xi32, #tpu.memory_space<vmem>>
        %dma_wait3A_300 = arith.constant 0 : i32
        %dma_wait3A_301 = arith.constant 0 : i32
        %dma_wait3A_302 = tpu.memref_slice %arg19[%dma_wait3A_300, %dma_wait3A_301] : memref<16896x16xf32, #tpu.memory_space<vmem_shared>> -> memref<16896x16xf32, #tpu.memory_space<vmem_shared>>
        tpu.wait_indirect_dma semaphore(%arg20 : memref<!tpu.dma_semaphore, #tpu.memory_space<semaphore_mem>>) src(%arg17 : memref<128x16xf32, #tpu.memory_space<vmem>>) dst(%dma_wait3A_302 : memref<16896x16xf32, #tpu.memory_space<vmem_shared>>)
      } else {
      }
      %dma_start3A_254 = arith.constant 0 : i32
      %dma_start3A_255 = tpu.memref_slice %arg11[%add3A_245, %dma_start3A_254] : memref<136x128xi32, #tpu.memory_space<vmem>> -> memref<1x128xi32, #tpu.memory_space<vmem>>
      %dma_start3A_256 = tpu.memref_squeeze %dma_start3A_255 : memref<1x128xi32, #tpu.memory_space<vmem>> -> memref<128xi32, #tpu.memory_space<vmem>>
      %dma_start3A_257 = arith.constant 0 : i32
      %dma_start3A_258 = arith.constant 0 : i32
      %dma_start3A_259 = tpu.memref_slice %arg19[%dma_start3A_257, %dma_start3A_258] : memref<16896x16xf32, #tpu.memory_space<vmem_shared>> -> memref<16896x16xf32, #tpu.memory_space<vmem_shared>>
      tpu.enqueue_indirect_dma source(%arg17 : memref<128x16xf32, #tpu.memory_space<vmem>>) target(%dma_start3A_259 : memref<16896x16xf32, #tpu.memory_space<vmem_shared>>) offsets(%dma_start3A_256 : memref<128xi32, #tpu.memory_space<vmem>>) semaphore(%arg20 : memref<!tpu.dma_semaphore, #tpu.memory_space<semaphore_mem>>) {add = true}
      %sub3A_260 = arith.constant 1 : i32
      %sub3A_261 = arith.subi %select_n3A_215, %sub3A_260 : i32
      %lt3A = arith.cmpi slt, %while3A_241, %sub3A_261 : i32
      %convert_element_type3A_262 = arith.extui %lt3A : i1 to i32
      %cond3A_263 = arith.constant 0 : i32
      %cond3A_264 = arith.cmpi ne, %convert_element_type3A_262, %cond3A_263 : i32
      scf.if %cond3A_264 {
        %add3A_295 = arith.constant 2 : i32
        %add3A_296 = arith.addi %add3A_245, %add3A_295 : i32
        %dma_start3A_297 = arith.constant 0 : i32
        %dma_start3A_298 = tpu.memref_slice %arg10[%add3A_296, %dma_start3A_297] : memref<136x128xi32, #tpu.memory_space<vmem>> -> memref<1x128xi32, #tpu.memory_space<vmem>>
        %dma_start3A_299 = tpu.memref_squeeze %dma_start3A_298 : memref<1x128xi32, #tpu.memory_space<vmem>> -> memref<128xi32, #tpu.memory_space<vmem>>
        %dma_start3A_300 = arith.constant 0 : i32
        %dma_start3A_301 = arith.constant 0 : i32
        %dma_start3A_302 = tpu.memref_slice %arg3[%dma_start3A_300, %dma_start3A_301] : memref<16896x32xf32, #tpu.memory_space<hbm>> -> memref<16896x32xf32, #tpu.memory_space<hbm>>
        tpu.enqueue_indirect_dma source(%dma_start3A_302 : memref<16896x32xf32, #tpu.memory_space<hbm>>) target(%arg12 : memref<128x32xf32, #tpu.memory_space<vmem>>) offsets(%dma_start3A_299 : memref<128xi32, #tpu.memory_space<vmem>>) semaphore(%arg15 : memref<!tpu.dma_semaphore, #tpu.memory_space<semaphore_mem>>)
      } else {
      }
      %mul3A_265 = arith.constant 2 : i32
      %mul3A_266 = arith.muli %mul3A_265, %while3A_241 : i32
      %add3A_267 = arith.constant 1 : i32
      %add3A_268 = arith.addi %mul3A_266, %add3A_267 : i32
      %dma_wait3A_269 = arith.constant 0 : i32
      %dma_wait3A_270 = tpu.memref_slice %arg10[%add3A_268, %dma_wait3A_269] : memref<136x128xi32, #tpu.memory_space<vmem>> -> memref<1x128xi32, #tpu.memory_space<vmem>>
      %dma_wait3A_271 = tpu.memref_squeeze %dma_wait3A_270 : memref<1x128xi32, #tpu.memory_space<vmem>> -> memref<128xi32, #tpu.memory_space<vmem>>
      %dma_wait3A_272 = arith.constant 0 : i32
      %dma_wait3A_273 = arith.constant 0 : i32
      %dma_wait3A_274 = tpu.memref_slice %arg3[%dma_wait3A_272, %dma_wait3A_273] : memref<16896x32xf32, #tpu.memory_space<hbm>> -> memref<16896x32xf32, #tpu.memory_space<hbm>>
      tpu.wait_indirect_dma semaphore(%arg16 : memref<!tpu.dma_semaphore, #tpu.memory_space<semaphore_mem>>) src(%dma_wait3A_274 : memref<16896x32xf32, #tpu.memory_space<hbm>>) dst(%arg13 : memref<128x32xf32, #tpu.memory_space<vmem>>)
      "tpu.region"() ({
        %run_scoped3A = tpu.sem_alloc : memref<!tpu.dma_semaphore, #tpu.memory_space<semaphore_mem>>
        %dma_start3A_295 = arith.constant 0 : i32
        %dma_start3A_296 = tpu.memref_slice %arg11[%add3A_268, %dma_start3A_295] : memref<136x128xi32, #tpu.memory_space<vmem>> -> memref<1x128xi32, #tpu.memory_space<vmem>>
        %dma_start3A_297 = tpu.memref_squeeze %dma_start3A_296 : memref<1x128xi32, #tpu.memory_space<vmem>> -> memref<128xi32, #tpu.memory_space<vmem>>
        %dma_start3A_298 = arith.constant 0 : i32
        %dma_start3A_299 = arith.constant 0 : i32
        %dma_start3A_300 = tpu.memref_slice %arg14[%dma_start3A_298, %dma_start3A_299] : memref<16896x32xf32, #tpu.memory_space<vmem_shared>> -> memref<16896x32xf32, #tpu.memory_space<vmem_shared>>
        tpu.enqueue_indirect_dma source(%arg13 : memref<128x32xf32, #tpu.memory_space<vmem>>) target(%dma_start3A_300 : memref<16896x32xf32, #tpu.memory_space<vmem_shared>>) offsets(%dma_start3A_297 : memref<128xi32, #tpu.memory_space<vmem>>) semaphore(%run_scoped3A : memref<!tpu.dma_semaphore, #tpu.memory_space<semaphore_mem>>) {add = true}
        %dma_wait3A_301 = arith.constant 0 : i32
        %dma_wait3A_302 = tpu.memref_slice %arg11[%add3A_268, %dma_wait3A_301] : memref<136x128xi32, #tpu.memory_space<vmem>> -> memref<1x128xi32, #tpu.memory_space<vmem>>
        %dma_wait3A_303 = tpu.memref_squeeze %dma_wait3A_302 : memref<1x128xi32, #tpu.memory_space<vmem>> -> memref<128xi32, #tpu.memory_space<vmem>>
        %dma_wait3A_304 = arith.constant 0 : i32
        %dma_wait3A_305 = arith.constant 0 : i32
        %dma_wait3A_306 = tpu.memref_slice %arg14[%dma_wait3A_304, %dma_wait3A_305] : memref<16896x32xf32, #tpu.memory_space<vmem_shared>> -> memref<16896x32xf32, #tpu.memory_space<vmem_shared>>
        tpu.wait_indirect_dma semaphore(%run_scoped3A : memref<!tpu.dma_semaphore, #tpu.memory_space<semaphore_mem>>) src(%arg13 : memref<128x32xf32, #tpu.memory_space<vmem>>) dst(%dma_wait3A_306 : memref<16896x32xf32, #tpu.memory_space<vmem_shared>>)
        tpu.yield
      }) : () -> ()
      %sub3A_275 = arith.constant 1 : i32
      %sub3A_276 = arith.subi %add3A_268, %sub3A_275 : i32
      %dma_wait3A_277 = arith.constant 0 : i32
      %dma_wait3A_278 = tpu.memref_slice %arg11[%sub3A_276, %dma_wait3A_277] : memref<136x128xi32, #tpu.memory_space<vmem>> -> memref<1x128xi32, #tpu.memory_space<vmem>>
      %dma_wait3A_279 = tpu.memref_squeeze %dma_wait3A_278 : memref<1x128xi32, #tpu.memory_space<vmem>> -> memref<128xi32, #tpu.memory_space<vmem>>
      %dma_wait3A_280 = arith.constant 0 : i32
      %dma_wait3A_281 = arith.constant 0 : i32
      %dma_wait3A_282 = tpu.memref_slice %arg19[%dma_wait3A_280, %dma_wait3A_281] : memref<16896x16xf32, #tpu.memory_space<vmem_shared>> -> memref<16896x16xf32, #tpu.memory_space<vmem_shared>>
      tpu.wait_indirect_dma semaphore(%arg20 : memref<!tpu.dma_semaphore, #tpu.memory_space<semaphore_mem>>) src(%arg17 : memref<128x16xf32, #tpu.memory_space<vmem>>) dst(%dma_wait3A_282 : memref<16896x16xf32, #tpu.memory_space<vmem_shared>>)
      %dma_start3A_283 = arith.constant 0 : i32
      %dma_start3A_284 = tpu.memref_slice %arg11[%add3A_268, %dma_start3A_283] : memref<136x128xi32, #tpu.memory_space<vmem>> -> memref<1x128xi32, #tpu.memory_space<vmem>>
      %dma_start3A_285 = tpu.memref_squeeze %dma_start3A_284 : memref<1x128xi32, #tpu.memory_space<vmem>> -> memref<128xi32, #tpu.memory_space<vmem>>
      %dma_start3A_286 = arith.constant 0 : i32
      %dma_start3A_287 = arith.constant 0 : i32
      %dma_start3A_288 = tpu.memref_slice %arg19[%dma_start3A_286, %dma_start3A_287] : memref<16896x16xf32, #tpu.memory_space<vmem_shared>> -> memref<16896x16xf32, #tpu.memory_space<vmem_shared>>
      tpu.enqueue_indirect_dma source(%arg17 : memref<128x16xf32, #tpu.memory_space<vmem>>) target(%dma_start3A_288 : memref<16896x16xf32, #tpu.memory_space<vmem_shared>>) offsets(%dma_start3A_285 : memref<128xi32, #tpu.memory_space<vmem>>) semaphore(%arg20 : memref<!tpu.dma_semaphore, #tpu.memory_space<semaphore_mem>>) {add = true}
      %sub3A_289 = arith.constant 1 : i32
      %sub3A_290 = arith.subi %select_n3A_215, %sub3A_289 : i32
      %lt3A_291 = arith.cmpi slt, %while3A_241, %sub3A_290 : i32
      %convert_element_type3A_292 = arith.extui %lt3A_291 : i1 to i32
      %cond3A_293 = arith.constant 0 : i32
      %cond3A_294 = arith.cmpi ne, %convert_element_type3A_292, %cond3A_293 : i32
      scf.if %cond3A_294 {
        %add3A_295 = arith.constant 2 : i32
        %add3A_296 = arith.addi %add3A_268, %add3A_295 : i32
        %dma_start3A_297 = arith.constant 0 : i32
        %dma_start3A_298 = tpu.memref_slice %arg10[%add3A_296, %dma_start3A_297] : memref<136x128xi32, #tpu.memory_space<vmem>> -> memref<1x128xi32, #tpu.memory_space<vmem>>
        %dma_start3A_299 = tpu.memref_squeeze %dma_start3A_298 : memref<1x128xi32, #tpu.memory_space<vmem>> -> memref<128xi32, #tpu.memory_space<vmem>>
        %dma_start3A_300 = arith.constant 0 : i32
        %dma_start3A_301 = arith.constant 0 : i32
        %dma_start3A_302 = tpu.memref_slice %arg3[%dma_start3A_300, %dma_start3A_301] : memref<16896x32xf32, #tpu.memory_space<hbm>> -> memref<16896x32xf32, #tpu.memory_space<hbm>>
        tpu.enqueue_indirect_dma source(%dma_start3A_302 : memref<16896x32xf32, #tpu.memory_space<hbm>>) target(%arg13 : memref<128x32xf32, #tpu.memory_space<vmem>>) offsets(%dma_start3A_299 : memref<128xi32, #tpu.memory_space<vmem>>) semaphore(%arg16 : memref<!tpu.dma_semaphore, #tpu.memory_space<semaphore_mem>>)
      } else {
      }
    }
    %while3A_225 = arith.constant 1 : i32
    scf.for %while3A_241 = %while3A_223 to %while3A_219 step %while3A_225  : i32 {
      %mul3A_242 = arith.constant 2 : i32
      %mul3A_243 = arith.muli %mul3A_242, %while3A_241 : i32
      %add3A_244 = arith.constant 0 : i32
      %add3A_245 = arith.addi %mul3A_243, %add3A_244 : i32
      %dma_wait3A_246 = arith.constant 0 : i32
      %dma_wait3A_247 = tpu.memref_slice %arg10[%add3A_245, %dma_wait3A_246] : memref<136x128xi32, #tpu.memory_space<vmem>> -> memref<1x128xi32, #tpu.memory_space<vmem>>
      %dma_wait3A_248 = tpu.memref_squeeze %dma_wait3A_247 : memref<1x128xi32, #tpu.memory_space<vmem>> -> memref<128xi32, #tpu.memory_space<vmem>>
      %dma_wait3A_249 = arith.constant 0 : i32
      %dma_wait3A_250 = arith.constant 0 : i32
      %dma_wait3A_251 = tpu.memref_slice %arg3[%dma_wait3A_249, %dma_wait3A_250] : memref<16896x32xf32, #tpu.memory_space<hbm>> -> memref<16896x32xf32, #tpu.memory_space<hbm>>
      tpu.wait_indirect_dma semaphore(%arg15 : memref<!tpu.dma_semaphore, #tpu.memory_space<semaphore_mem>>) src(%dma_wait3A_251 : memref<16896x32xf32, #tpu.memory_space<hbm>>) dst(%arg12 : memref<128x32xf32, #tpu.memory_space<vmem>>)
      "tpu.region"() ({
        %run_scoped3A = tpu.sem_alloc : memref<!tpu.dma_semaphore, #tpu.memory_space<semaphore_mem>>
        %dma_start3A_295 = arith.constant 0 : i32
        %dma_start3A_296 = tpu.memref_slice %arg11[%add3A_245, %dma_start3A_295] : memref<136x128xi32, #tpu.memory_space<vmem>> -> memref<1x128xi32, #tpu.memory_space<vmem>>
        %dma_start3A_297 = tpu.memref_squeeze %dma_start3A_296 : memref<1x128xi32, #tpu.memory_space<vmem>> -> memref<128xi32, #tpu.memory_space<vmem>>
        %dma_start3A_298 = arith.constant 0 : i32
        %dma_start3A_299 = arith.constant 0 : i32
        %dma_start3A_300 = tpu.memref_slice %arg14[%dma_start3A_298, %dma_start3A_299] : memref<16896x32xf32, #tpu.memory_space<vmem_shared>> -> memref<16896x32xf32, #tpu.memory_space<vmem_shared>>
        tpu.enqueue_indirect_dma source(%arg12 : memref<128x32xf32, #tpu.memory_space<vmem>>) target(%dma_start3A_300 : memref<16896x32xf32, #tpu.memory_space<vmem_shared>>) offsets(%dma_start3A_297 : memref<128xi32, #tpu.memory_space<vmem>>) semaphore(%run_scoped3A : memref<!tpu.dma_semaphore, #tpu.memory_space<semaphore_mem>>) {add = true}
        %dma_wait3A_301 = arith.constant 0 : i32
        %dma_wait3A_302 = tpu.memref_slice %arg11[%add3A_245, %dma_wait3A_301] : memref<136x128xi32, #tpu.memory_space<vmem>> -> memref<1x128xi32, #tpu.memory_space<vmem>>
        %dma_wait3A_303 = tpu.memref_squeeze %dma_wait3A_302 : memref<1x128xi32, #tpu.memory_space<vmem>> -> memref<128xi32, #tpu.memory_space<vmem>>
        %dma_wait3A_304 = arith.constant 0 : i32
        %dma_wait3A_305 = arith.constant 0 : i32
        %dma_wait3A_306 = tpu.memref_slice %arg14[%dma_wait3A_304, %dma_wait3A_305] : memref<16896x32xf32, #tpu.memory_space<vmem_shared>> -> memref<16896x32xf32, #tpu.memory_space<vmem_shared>>
        tpu.wait_indirect_dma semaphore(%run_scoped3A : memref<!tpu.dma_semaphore, #tpu.memory_space<semaphore_mem>>) src(%arg12 : memref<128x32xf32, #tpu.memory_space<vmem>>) dst(%dma_wait3A_306 : memref<16896x32xf32, #tpu.memory_space<vmem_shared>>)
        tpu.yield
      }) : () -> ()
      %gt3A = arith.constant 0 : i32
      %gt3A_252 = arith.cmpi sgt, %while3A_241, %gt3A : i32
      %convert_element_type3A = arith.extui %gt3A_252 : i1 to i32
      %cond3A = arith.constant 0 : i32
      %cond3A_253 = arith.cmpi ne, %convert_element_type3A, %cond3A : i32
      scf.if %cond3A_253 {
        %sub3A_295 = arith.constant 1 : i32
        %sub3A_296 = arith.subi %add3A_245, %sub3A_295 : i32
        %dma_wait3A_297 = arith.constant 0 : i32
        %dma_wait3A_298 = tpu.memref_slice %arg11[%sub3A_296, %dma_wait3A_297] : memref<136x128xi32, #tpu.memory_space<vmem>> -> memref<1x128xi32, #tpu.memory_space<vmem>>
        %dma_wait3A_299 = tpu.memref_squeeze %dma_wait3A_298 : memref<1x128xi32, #tpu.memory_space<vmem>> -> memref<128xi32, #tpu.memory_space<vmem>>
        %dma_wait3A_300 = arith.constant 0 : i32
        %dma_wait3A_301 = arith.constant 0 : i32
        %dma_wait3A_302 = tpu.memref_slice %arg19[%dma_wait3A_300, %dma_wait3A_301] : memref<16896x16xf32, #tpu.memory_space<vmem_shared>> -> memref<16896x16xf32, #tpu.memory_space<vmem_shared>>
        tpu.wait_indirect_dma semaphore(%arg20 : memref<!tpu.dma_semaphore, #tpu.memory_space<semaphore_mem>>) src(%arg17 : memref<128x16xf32, #tpu.memory_space<vmem>>) dst(%dma_wait3A_302 : memref<16896x16xf32, #tpu.memory_space<vmem_shared>>)
      } else {
      }
      %dma_start3A_254 = arith.constant 0 : i32
      %dma_start3A_255 = tpu.memref_slice %arg11[%add3A_245, %dma_start3A_254] : memref<136x128xi32, #tpu.memory_space<vmem>> -> memref<1x128xi32, #tpu.memory_space<vmem>>
      %dma_start3A_256 = tpu.memref_squeeze %dma_start3A_255 : memref<1x128xi32, #tpu.memory_space<vmem>> -> memref<128xi32, #tpu.memory_space<vmem>>
      %dma_start3A_257 = arith.constant 0 : i32
      %dma_start3A_258 = arith.constant 0 : i32
      %dma_start3A_259 = tpu.memref_slice %arg19[%dma_start3A_257, %dma_start3A_258] : memref<16896x16xf32, #tpu.memory_space<vmem_shared>> -> memref<16896x16xf32, #tpu.memory_space<vmem_shared>>
      tpu.enqueue_indirect_dma source(%arg17 : memref<128x16xf32, #tpu.memory_space<vmem>>) target(%dma_start3A_259 : memref<16896x16xf32, #tpu.memory_space<vmem_shared>>) offsets(%dma_start3A_256 : memref<128xi32, #tpu.memory_space<vmem>>) semaphore(%arg20 : memref<!tpu.dma_semaphore, #tpu.memory_space<semaphore_mem>>) {add = true}
      %sub3A_260 = arith.constant 1 : i32
      %sub3A_261 = arith.subi %select_n3A_215, %sub3A_260 : i32
      %lt3A = arith.cmpi slt, %while3A_241, %sub3A_261 : i32
      %convert_element_type3A_262 = arith.extui %lt3A : i1 to i32
      %cond3A_263 = arith.constant 0 : i32
      %cond3A_264 = arith.cmpi ne, %convert_element_type3A_262, %cond3A_263 : i32
      scf.if %cond3A_264 {
        %add3A_295 = arith.constant 2 : i32
        %add3A_296 = arith.addi %add3A_245, %add3A_295 : i32
        %dma_start3A_297 = arith.constant 0 : i32
        %dma_start3A_298 = tpu.memref_slice %arg10[%add3A_296, %dma_start3A_297] : memref<136x128xi32, #tpu.memory_space<vmem>> -> memref<1x128xi32, #tpu.memory_space<vmem>>
        %dma_start3A_299 = tpu.memref_squeeze %dma_start3A_298 : memref<1x128xi32, #tpu.memory_space<vmem>> -> memref<128xi32, #tpu.memory_space<vmem>>
        %dma_start3A_300 = arith.constant 0 : i32
        %dma_start3A_301 = arith.constant 0 : i32
        %dma_start3A_302 = tpu.memref_slice %arg3[%dma_start3A_300, %dma_start3A_301] : memref<16896x32xf32, #tpu.memory_space<hbm>> -> memref<16896x32xf32, #tpu.memory_space<hbm>>
        tpu.enqueue_indirect_dma source(%dma_start3A_302 : memref<16896x32xf32, #tpu.memory_space<hbm>>) target(%arg12 : memref<128x32xf32, #tpu.memory_space<vmem>>) offsets(%dma_start3A_299 : memref<128xi32, #tpu.memory_space<vmem>>) semaphore(%arg15 : memref<!tpu.dma_semaphore, #tpu.memory_space<semaphore_mem>>)
      } else {
      }
      %mul3A_265 = arith.constant 2 : i32
      %mul3A_266 = arith.muli %mul3A_265, %while3A_241 : i32
      %add3A_267 = arith.constant 1 : i32
      %add3A_268 = arith.addi %mul3A_266, %add3A_267 : i32
      %dma_wait3A_269 = arith.constant 0 : i32
      %dma_wait3A_270 = tpu.memref_slice %arg10[%add3A_268, %dma_wait3A_269] : memref<136x128xi32, #tpu.memory_space<vmem>> -> memref<1x128xi32, #tpu.memory_space<vmem>>
      %dma_wait3A_271 = tpu.memref_squeeze %dma_wait3A_270 : memref<1x128xi32, #tpu.memory_space<vmem>> -> memref<128xi32, #tpu.memory_space<vmem>>
      %dma_wait3A_272 = arith.constant 0 : i32
      %dma_wait3A_273 = arith.constant 0 : i32
      %dma_wait3A_274 = tpu.memref_slice %arg3[%dma_wait3A_272, %dma_wait3A_273] : memref<16896x32xf32, #tpu.memory_space<hbm>> -> memref<16896x32xf32, #tpu.memory_space<hbm>>
      tpu.wait_indirect_dma semaphore(%arg16 : memref<!tpu.dma_semaphore, #tpu.memory_space<semaphore_mem>>) src(%dma_wait3A_274 : memref<16896x32xf32, #tpu.memory_space<hbm>>) dst(%arg13 : memref<128x32xf32, #tpu.memory_space<vmem>>)
      "tpu.region"() ({
        %run_scoped3A = tpu.sem_alloc : memref<!tpu.dma_semaphore, #tpu.memory_space<semaphore_mem>>
        %dma_start3A_295 = arith.constant 0 : i32
        %dma_start3A_296 = tpu.memref_slice %arg11[%add3A_268, %dma_start3A_295] : memref<136x128xi32, #tpu.memory_space<vmem>> -> memref<1x128xi32, #tpu.memory_space<vmem>>
        %dma_start3A_297 = tpu.memref_squeeze %dma_start3A_296 : memref<1x128xi32, #tpu.memory_space<vmem>> -> memref<128xi32, #tpu.memory_space<vmem>>
        %dma_start3A_298 = arith.constant 0 : i32
        %dma_start3A_299 = arith.constant 0 : i32
        %dma_start3A_300 = tpu.memref_slice %arg14[%dma_start3A_298, %dma_start3A_299] : memref<16896x32xf32, #tpu.memory_space<vmem_shared>> -> memref<16896x32xf32, #tpu.memory_space<vmem_shared>>
        tpu.enqueue_indirect_dma source(%arg13 : memref<128x32xf32, #tpu.memory_space<vmem>>) target(%dma_start3A_300 : memref<16896x32xf32, #tpu.memory_space<vmem_shared>>) offsets(%dma_start3A_297 : memref<128xi32, #tpu.memory_space<vmem>>) semaphore(%run_scoped3A : memref<!tpu.dma_semaphore, #tpu.memory_space<semaphore_mem>>) {add = true}
        %dma_wait3A_301 = arith.constant 0 : i32
        %dma_wait3A_302 = tpu.memref_slice %arg11[%add3A_268, %dma_wait3A_301] : memref<136x128xi32, #tpu.memory_space<vmem>> -> memref<1x128xi32, #tpu.memory_space<vmem>>
        %dma_wait3A_303 = tpu.memref_squeeze %dma_wait3A_302 : memref<1x128xi32, #tpu.memory_space<vmem>> -> memref<128xi32, #tpu.memory_space<vmem>>
        %dma_wait3A_304 = arith.constant 0 : i32
        %dma_wait3A_305 = arith.constant 0 : i32
        %dma_wait3A_306 = tpu.memref_slice %arg14[%dma_wait3A_304, %dma_wait3A_305] : memref<16896x32xf32, #tpu.memory_space<vmem_shared>> -> memref<16896x32xf32, #tpu.memory_space<vmem_shared>>
        tpu.wait_indirect_dma semaphore(%run_scoped3A : memref<!tpu.dma_semaphore, #tpu.memory_space<semaphore_mem>>) src(%arg13 : memref<128x32xf32, #tpu.memory_space<vmem>>) dst(%dma_wait3A_306 : memref<16896x32xf32, #tpu.memory_space<vmem_shared>>)
        tpu.yield
      }) : () -> ()
      %sub3A_275 = arith.constant 1 : i32
      %sub3A_276 = arith.subi %add3A_268, %sub3A_275 : i32
      %dma_wait3A_277 = arith.constant 0 : i32
      %dma_wait3A_278 = tpu.memref_slice %arg11[%sub3A_276, %dma_wait3A_277] : memref<136x128xi32, #tpu.memory_space<vmem>> -> memref<1x128xi32, #tpu.memory_space<vmem>>
      %dma_wait3A_279 = tpu.memref_squeeze %dma_wait3A_278 : memref<1x128xi32, #tpu.memory_space<vmem>> -> memref<128xi32, #tpu.memory_space<vmem>>
      %dma_wait3A_280 = arith.constant 0 : i32
      %dma_wait3A_281 = arith.constant 0 : i32
      %dma_wait3A_282 = tpu.memref_slice %arg19[%dma_wait3A_280, %dma_wait3A_281] : memref<16896x16xf32, #tpu.memory_space<vmem_shared>> -> memref<16896x16xf32, #tpu.memory_space<vmem_shared>>
      tpu.wait_indirect_dma semaphore(%arg20 : memref<!tpu.dma_semaphore, #tpu.memory_space<semaphore_mem>>) src(%arg17 : memref<128x16xf32, #tpu.memory_space<vmem>>) dst(%dma_wait3A_282 : memref<16896x16xf32, #tpu.memory_space<vmem_shared>>)
      %dma_start3A_283 = arith.constant 0 : i32
      %dma_start3A_284 = tpu.memref_slice %arg11[%add3A_268, %dma_start3A_283] : memref<136x128xi32, #tpu.memory_space<vmem>> -> memref<1x128xi32, #tpu.memory_space<vmem>>
      %dma_start3A_285 = tpu.memref_squeeze %dma_start3A_284 : memref<1x128xi32, #tpu.memory_space<vmem>> -> memref<128xi32, #tpu.memory_space<vmem>>
      %dma_start3A_286 = arith.constant 0 : i32
      %dma_start3A_287 = arith.constant 0 : i32
      %dma_start3A_288 = tpu.memref_slice %arg19[%dma_start3A_286, %dma_start3A_287] : memref<16896x16xf32, #tpu.memory_space<vmem_shared>> -> memref<16896x16xf32, #tpu.memory_space<vmem_shared>>
      tpu.enqueue_indirect_dma source(%arg17 : memref<128x16xf32, #tpu.memory_space<vmem>>) target(%dma_start3A_288 : memref<16896x16xf32, #tpu.memory_space<vmem_shared>>) offsets(%dma_start3A_285 : memref<128xi32, #tpu.memory_space<vmem>>) semaphore(%arg20 : memref<!tpu.dma_semaphore, #tpu.memory_space<semaphore_mem>>) {add = true}
      %sub3A_289 = arith.constant 1 : i32
      %sub3A_290 = arith.subi %select_n3A_215, %sub3A_289 : i32
      %lt3A_291 = arith.cmpi slt, %while3A_241, %sub3A_290 : i32
      %convert_element_type3A_292 = arith.extui %lt3A_291 : i1 to i32
      %cond3A_293 = arith.constant 0 : i32
      %cond3A_294 = arith.cmpi ne, %convert_element_type3A_292, %cond3A_293 : i32
      scf.if %cond3A_294 {
        %add3A_295 = arith.constant 2 : i32
        %add3A_296 = arith.addi %add3A_268, %add3A_295 : i32
        %dma_start3A_297 = arith.constant 0 : i32
        %dma_start3A_298 = tpu.memref_slice %arg10[%add3A_296, %dma_start3A_297] : memref<136x128xi32, #tpu.memory_space<vmem>> -> memref<1x128xi32, #tpu.memory_space<vmem>>
        %dma_start3A_299 = tpu.memref_squeeze %dma_start3A_298 : memref<1x128xi32, #tpu.memory_space<vmem>> -> memref<128xi32, #tpu.memory_space<vmem>>
        %dma_start3A_300 = arith.constant 0 : i32
        %dma_start3A_301 = arith.constant 0 : i32
        %dma_start3A_302 = tpu.memref_slice %arg3[%dma_start3A_300, %dma_start3A_301] : memref<16896x32xf32, #tpu.memory_space<hbm>> -> memref<16896x32xf32, #tpu.memory_space<hbm>>
        tpu.enqueue_indirect_dma source(%dma_start3A_302 : memref<16896x32xf32, #tpu.memory_space<hbm>>) target(%arg13 : memref<128x32xf32, #tpu.memory_space<vmem>>) offsets(%dma_start3A_299 : memref<128xi32, #tpu.memory_space<vmem>>) semaphore(%arg16 : memref<!tpu.dma_semaphore, #tpu.memory_space<semaphore_mem>>)
      } else {
      }
    }
    %sub3A_226 = arith.constant 1 : i32
    %sub3A_227 = arith.subi %sub3A_175, %sub3A_226 : i32
    %dma_wait3A_228 = arith.constant 0 : i32
    %dma_wait3A_229 = tpu.memref_slice %arg11[%sub3A_227, %dma_wait3A_228] : memref<136x128xi32, #tpu.memory_space<vmem>> -> memref<1x128xi32, #tpu.memory_space<vmem>>
    %dma_wait3A_230 = tpu.memref_squeeze %dma_wait3A_229 : memref<1x128xi32, #tpu.memory_space<vmem>> -> memref<128xi32, #tpu.memory_space<vmem>>
    %dma_wait3A_231 = arith.constant 0 : i32
    %dma_wait3A_232 = arith.constant 0 : i32
    %dma_wait3A_233 = tpu.memref_slice %arg19[%dma_wait3A_231, %dma_wait3A_232] : memref<16896x16xf32, #tpu.memory_space<vmem_shared>> -> memref<16896x16xf32, #tpu.memory_space<vmem_shared>>
    tpu.wait_indirect_dma semaphore(%arg20 : memref<!tpu.dma_semaphore, #tpu.memory_space<semaphore_mem>>) src(%arg17 : memref<128x16xf32, #tpu.memory_space<vmem>>) dst(%dma_wait3A_233 : memref<16896x16xf32, #tpu.memory_space<vmem_shared>>)
    %barrier3A_234 = arith.constant 0 : index
    tpu.barrier barrier_id(%barrier3A_234)
    %mul3A_235 = arith.constant 16896 : i32
    %mul3A_236 = arith.muli %arg0, %mul3A_235 : i32
    %add3A_237 = arith.addi %mul3A_236, %mul3A_2 : i32
    "tpu.region"() ({
      %run_scoped3A = tpu.sem_alloc : memref<!tpu.dma_semaphore, #tpu.memory_space<semaphore_mem>>
      %dma_start3A_241 = arith.constant 32 : i32
      %dma_start3A_242 = tpu.memref_slice %arg9[%add3A_237, %dma_start3A_241] : memref<33792x128xf32, #tpu.memory_space<hbm>> -> memref<1056x32xf32, #tpu.memory_space<hbm>>
      %dma_start3A_243 = arith.constant 0 : i32
      %dma_start3A_244 = tpu.memref_slice %arg14[%mul3A_2, %dma_start3A_243] : memref<16896x32xf32, #tpu.memory_space<vmem_shared>> -> memref<1056x32xf32, #tpu.memory_space<vmem_shared>>
      tpu.enqueue_dma source(%dma_start3A_244 : memref<1056x32xf32, #tpu.memory_space<vmem_shared>>) target(%dma_start3A_242 : memref<1056x32xf32, #tpu.memory_space<hbm>>) target_semaphore(%run_scoped3A : memref<!tpu.dma_semaphore, #tpu.memory_space<semaphore_mem>>)
      %dma_wait3A_245 = arith.constant 32 : i32
      %dma_wait3A_246 = tpu.memref_slice %arg9[%add3A_237, %dma_wait3A_245] : memref<33792x128xf32, #tpu.memory_space<hbm>> -> memref<1056x32xf32, #tpu.memory_space<hbm>>
      %dma_wait3A_247 = arith.constant 0 : i32
      %dma_wait3A_248 = tpu.memref_slice %arg14[%mul3A_2, %dma_wait3A_247] : memref<16896x32xf32, #tpu.memory_space<vmem_shared>> -> memref<1056x32xf32, #tpu.memory_space<vmem_shared>>
      tpu.wait_dma2 semaphore(%run_scoped3A : memref<!tpu.dma_semaphore, #tpu.memory_space<semaphore_mem>>) src(%dma_wait3A_248 : memref<1056x32xf32, #tpu.memory_space<vmem_shared>>) dst(%dma_wait3A_246 : memref<1056x32xf32, #tpu.memory_space<hbm>>)
      tpu.yield
    }) : () -> ()
    %mul3A_238 = arith.constant 16896 : i32
    %mul3A_239 = arith.muli %arg0, %mul3A_238 : i32
    %add3A_240 = arith.addi %mul3A_239, %mul3A_2 : i32
    "tpu.region"() ({
      %run_scoped3A = tpu.sem_alloc : memref<!tpu.dma_semaphore, #tpu.memory_space<semaphore_mem>>
      %dma_start3A_241 = arith.constant 80 : i32
      %dma_start3A_242 = tpu.memref_slice %arg9[%add3A_240, %dma_start3A_241] : memref<33792x128xf32, #tpu.memory_space<hbm>> -> memref<1056x16xf32, #tpu.memory_space<hbm>>
      %dma_start3A_243 = arith.constant 0 : i32
      %dma_start3A_244 = tpu.memref_slice %arg19[%mul3A_2, %dma_start3A_243] : memref<16896x16xf32, #tpu.memory_space<vmem_shared>> -> memref<1056x16xf32, #tpu.memory_space<vmem_shared>>
      tpu.enqueue_dma source(%dma_start3A_244 : memref<1056x16xf32, #tpu.memory_space<vmem_shared>>) target(%dma_start3A_242 : memref<1056x16xf32, #tpu.memory_space<hbm>>) target_semaphore(%run_scoped3A : memref<!tpu.dma_semaphore, #tpu.memory_space<semaphore_mem>>)
      %dma_wait3A_245 = arith.constant 80 : i32
      %dma_wait3A_246 = tpu.memref_slice %arg9[%add3A_240, %dma_wait3A_245] : memref<33792x128xf32, #tpu.memory_space<hbm>> -> memref<1056x16xf32, #tpu.memory_space<hbm>>
      %dma_wait3A_247 = arith.constant 0 : i32
      %dma_wait3A_248 = tpu.memref_slice %arg19[%mul3A_2, %dma_wait3A_247] : memref<16896x16xf32, #tpu.memory_space<vmem_shared>> -> memref<1056x16xf32, #tpu.memory_space<vmem_shared>>
      tpu.wait_dma2 semaphore(%run_scoped3A : memref<!tpu.dma_semaphore, #tpu.memory_space<semaphore_mem>>) src(%dma_wait3A_248 : memref<1056x16xf32, #tpu.memory_space<vmem_shared>>) dst(%dma_wait3A_246 : memref<1056x16xf32, #tpu.memory_space<hbm>>)
      tpu.yield
    }) : () -> ()
    return
  }
}

module attributes {stable_mosaic.version = 14 : i64} {
  func.func @_proj_body(%arg0: i32, %arg1: memref<1056x128xf32, #tpu.memory_space<vmem>>, %arg2: memref<128x32xf32, #tpu.memory_space<vmem>>, %arg3: memref<128x32xf32, #tpu.memory_space<vmem>>, %arg4: memref<128x64xf32, #tpu.memory_space<vmem>>, %arg5: memref<1x64xf32, #tpu.memory_space<vmem>>, %arg6: memref<1056x32xf32, #tpu.memory_space<vmem>>, %arg7: memref<1056x32xf32, #tpu.memory_space<vmem>>, %arg8: memref<1056x64xf32, #tpu.memory_space<vmem>>) attributes {dimension_semantics = [#tpu.dimension_semantics<arbitrary>], iteration_bounds = array<i64: 16>, scalar_prefetch = 0 : i64, scratch_operands = 0 : i64, tpu.core_type = #tpu.core_type<tc>, window_params = [{transform_indices = @transform_0, window_bounds = array<i64: 1056, 128>}, {pipeline_mode = #tpu.pipeline_mode<synchronous>, transform_indices = @transform_1, window_bounds = array<i64: 128, 32>}, {pipeline_mode = #tpu.pipeline_mode<synchronous>, transform_indices = @transform_2, window_bounds = array<i64: 128, 32>}, {pipeline_mode = #tpu.pipeline_mode<synchronous>, transform_indices = @transform_3, window_bounds = array<i64: 128, 64>}, {pipeline_mode = #tpu.pipeline_mode<synchronous>, transform_indices = @transform_4, window_bounds = array<i64: 1, 64>}, {transform_indices = @transform_5, window_bounds = array<i64: 1056, 32>}, {transform_indices = @transform_6, window_bounds = array<i64: 1056, 32>}, {transform_indices = @transform_7, window_bounds = array<i64: 1056, 64>}]} {
    %get3A = arith.constant 0 : index
    %get3A_0 = arith.constant 0 : index
    %get3A_1 = vector.load %arg1[%get3A, %get3A_0] : memref<1056x128xf32, #tpu.memory_space<vmem>>, vector<1056x128xf32>
    %get3A_2 = arith.constant 0 : index
    %get3A_3 = arith.constant 0 : index
    %get3A_4 = vector.load %arg2[%get3A_2, %get3A_3] : memref<128x32xf32, #tpu.memory_space<vmem>>, vector<128x32xf32>
    %dot_general3A = arith.constant dense<0.000000e+00> : vector<1056x32xf32>
    %dot_general3A_5 = tpu.matmul %get3A_1, %get3A_4, %dot_general3A {dimension_numbers = #tpu.dot_dimension_numbers<[1], [0], [0], [1], [0, 0, 1, 1], [], []>, transpose_lhs_hint = false} : vector<1056x128xf32>, vector<128x32xf32>, vector<1056x32xf32> -> vector<1056x32xf32>
    %swap3A = arith.constant 0 : index
    %swap3A_6 = arith.constant 0 : index
    %swap3A_7 = vector.load %arg6[%swap3A, %swap3A_6] : memref<1056x32xf32, #tpu.memory_space<vmem>>, vector<1056x32xf32>
    tpu.vector_store %arg6[%swap3A, %swap3A_6], %dot_general3A_5 {strides = array<i32>} : memref<1056x32xf32, #tpu.memory_space<vmem>>, vector<1056x32xf32>,
    %get3A_8 = arith.constant 0 : index
    %get3A_9 = arith.constant 0 : index
    %get3A_10 = vector.load %arg3[%get3A_8, %get3A_9] : memref<128x32xf32, #tpu.memory_space<vmem>>, vector<128x32xf32>
    %dot_general3A_11 = arith.constant dense<0.000000e+00> : vector<1056x32xf32>
    %dot_general3A_12 = tpu.matmul %get3A_1, %get3A_10, %dot_general3A_11 {dimension_numbers = #tpu.dot_dimension_numbers<[1], [0], [0], [1], [0, 0, 1, 1], [], []>, transpose_lhs_hint = false} : vector<1056x128xf32>, vector<128x32xf32>, vector<1056x32xf32> -> vector<1056x32xf32>
    %swap3A_13 = arith.constant 0 : index
    %swap3A_14 = arith.constant 0 : index
    %swap3A_15 = vector.load %arg7[%swap3A_13, %swap3A_14] : memref<1056x32xf32, #tpu.memory_space<vmem>>, vector<1056x32xf32>
    tpu.vector_store %arg7[%swap3A_13, %swap3A_14], %dot_general3A_12 {strides = array<i32>} : memref<1056x32xf32, #tpu.memory_space<vmem>>, vector<1056x32xf32>,
    %get3A_16 = arith.constant 0 : index
    %get3A_17 = arith.constant 0 : index
    %get3A_18 = vector.load %arg4[%get3A_16, %get3A_17] : memref<128x64xf32, #tpu.memory_space<vmem>>, vector<128x64xf32>
    %dot_general3A_19 = arith.constant dense<0.000000e+00> : vector<1056x64xf32>
    %dot_general3A_20 = tpu.matmul %get3A_1, %get3A_18, %dot_general3A_19 {dimension_numbers = #tpu.dot_dimension_numbers<[1], [0], [0], [1], [0, 0, 1, 1], [], []>, transpose_lhs_hint = false} : vector<1056x128xf32>, vector<128x64xf32>, vector<1056x64xf32> -> vector<1056x64xf32>
    %get3A_21 = arith.constant 0 : index
    %get3A_22 = arith.constant 0 : index
    %get3A_23 = vector.load %arg5[%get3A_21, %get3A_22] : memref<1x64xf32, #tpu.memory_space<vmem>>, vector<1x64xf32>
    %add3A = vector.broadcast %get3A_23 : vector<1x64xf32> to vector<1056x64xf32>
    %add3A_24 = arith.addf %dot_general3A_20, %add3A : vector<1056x64xf32>
    %swap3A_25 = arith.constant 0 : index
    %swap3A_26 = arith.constant 0 : index
    %swap3A_27 = vector.load %arg8[%swap3A_25, %swap3A_26] : memref<1056x64xf32, #tpu.memory_space<vmem>>, vector<1056x64xf32>
    tpu.vector_store %arg8[%swap3A_25, %swap3A_26], %add3A_24 {strides = array<i32>} : memref<1056x64xf32, #tpu.memory_space<vmem>>, vector<1056x64xf32>,
    return
  }
  func.func @transform_0(%arg0: i32) -> (i32, i32) {
    %c0_i32 = arith.constant 0 : i32
    %c0_i32_0 = arith.constant 0 : i32
    return %arg0, %c0_i32 : i32, i32
  }
  func.func @transform_1(%arg0: i32) -> (i32, i32) {
    %c0_i32 = arith.constant 0 : i32
    %c0_i32_0 = arith.constant 0 : i32
    %c0_i32_1 = arith.constant 0 : i32
    return %c0_i32, %c0_i32_0 : i32, i32
  }
  func.func @transform_2(%arg0: i32) -> (i32, i32) {
    %c0_i32 = arith.constant 0 : i32
    %c0_i32_0 = arith.constant 0 : i32
    %c0_i32_1 = arith.constant 0 : i32
    return %c0_i32, %c0_i32_0 : i32, i32
  }
  func.func @transform_3(%arg0: i32) -> (i32, i32) {
    %c0_i32 = arith.constant 0 : i32
    %c0_i32_0 = arith.constant 0 : i32
    %c0_i32_1 = arith.constant 0 : i32
    return %c0_i32, %c0_i32_0 : i32, i32
  }
  func.func @transform_4(%arg0: i32) -> (i32, i32) {
    %c0_i32 = arith.constant 0 : i32
    %c0_i32_0 = arith.constant 0 : i32
    %c0_i32_1 = arith.constant 0 : i32
    return %c0_i32, %c0_i32_0 : i32, i32
  }
  func.func @transform_5(%arg0: i32) -> (i32, i32) {
    %c0_i32 = arith.constant 0 : i32
    %c0_i32_0 = arith.constant 0 : i32
    return %arg0, %c0_i32 : i32, i32
  }
  func.func @transform_6(%arg0: i32) -> (i32, i32) {
    %c0_i32 = arith.constant 0 : i32
    %c0_i32_0 = arith.constant 0 : i32
    return %arg0, %c0_i32 : i32, i32
  }
  func.func @transform_7(%arg0: i32) -> (i32, i32) {
    %c0_i32 = arith.constant 0 : i32
    %c0_i32_0 = arith.constant 0 : i32
    return %arg0, %c0_i32 : i32, i32
  }
}

module attributes {stable_mosaic.version = 14 : i64} {
  func.func @_z_body(%arg0: i32, %arg1: memref<1056x128xf32, #tpu.memory_space<vmem>>, %arg2: memref<1056x128xf32, #tpu.memory_space<vmem>>, %arg3: memref<1056x64xf32, #tpu.memory_space<vmem>>, %arg4: memref<1056x64xf32, #tpu.memory_space<vmem>>) attributes {dimension_semantics = [#tpu.dimension_semantics<arbitrary>], iteration_bounds = array<i64: 16>, scalar_prefetch = 0 : i64, scratch_operands = 0 : i64, tpu.core_type = #tpu.core_type<tc>, window_params = [{transform_indices = @transform_0, window_bounds = array<i64: 1056, 128>}, {transform_indices = @transform_1, window_bounds = array<i64: 1056, 128>}, {transform_indices = @transform_2, window_bounds = array<i64: 1056, 64>}, {transform_indices = @transform_3, window_bounds = array<i64: 1056, 64>}]} {
    %get3A = arith.constant 0 : index
    %get3A_0 = arith.constant 0 : index
    %get3A_1 = vector.load %arg1[%get3A, %get3A_0] : memref<1056x128xf32, #tpu.memory_space<vmem>>, vector<1056x128xf32>
    %get3A_2 = arith.constant 0 : index
    %get3A_3 = arith.constant 0 : index
    %get3A_4 = vector.load %arg2[%get3A_2, %get3A_3] : memref<1056x128xf32, #tpu.memory_space<vmem>>, vector<1056x128xf32>
    %slice3A = vector.extract_strided_slice %get3A_1 {offsets = [0, 0], sizes = [1056, 32], strides = [1, 1]} : vector<1056x128xf32> to vector<1056x32xf32>
    %slice3A_5 = vector.extract_strided_slice %get3A_4 {offsets = [0, 0], sizes = [1056, 32], strides = [1, 1]} : vector<1056x128xf32> to vector<1056x32xf32>
    %add3A = arith.addf %slice3A, %slice3A_5 : vector<1056x32xf32>
    %slice3A_6 = vector.extract_strided_slice %get3A_1 {offsets = [0, 32], sizes = [1056, 32], strides = [1, 1]} : vector<1056x128xf32> to vector<1056x32xf32>
    %slice3A_7 = vector.extract_strided_slice %get3A_4 {offsets = [0, 32], sizes = [1056, 32], strides = [1, 1]} : vector<1056x128xf32> to vector<1056x32xf32>
    %add3A_8 = arith.addf %slice3A_6, %slice3A_7 : vector<1056x32xf32>
    %slice3A_9 = vector.extract_strided_slice %get3A_1 {offsets = [0, 64], sizes = [1056, 1], strides = [1, 1]} : vector<1056x128xf32> to vector<1056x1xf32>
    %slice3A_10 = vector.extract_strided_slice %get3A_4 {offsets = [0, 64], sizes = [1056, 1], strides = [1, 1]} : vector<1056x128xf32> to vector<1056x1xf32>
    %add3A_11 = arith.addf %slice3A_9, %slice3A_10 : vector<1056x1xf32>
    %slice3A_12 = vector.extract_strided_slice %get3A_1 {offsets = [0, 80], sizes = [1056, 1], strides = [1, 1]} : vector<1056x128xf32> to vector<1056x1xf32>
    %slice3A_13 = vector.extract_strided_slice %get3A_4 {offsets = [0, 80], sizes = [1056, 1], strides = [1, 1]} : vector<1056x128xf32> to vector<1056x1xf32>
    %add3A_14 = arith.addf %slice3A_12, %slice3A_13 : vector<1056x1xf32>
    %max3A = arith.constant 1.000000e+00 : f32
    %max3A_15 = vector.broadcast %max3A : f32 to vector<1056x1xf32>
    %max3A_16 = arith.maximumf %add3A_11, %max3A_15 : vector<1056x1xf32>
    %div3A = arith.constant 1.000000e+00 : f32
    %div3A_17 = vector.broadcast %div3A : f32 to vector<1056x1xf32>
    %div3A_18 = arith.divf %div3A_17, %max3A_16 : vector<1056x1xf32>
    %max3A_19 = arith.constant 1.000000e+00 : f32
    %max3A_20 = vector.broadcast %max3A_19 : f32 to vector<1056x1xf32>
    %max3A_21 = arith.maximumf %add3A_14, %max3A_20 : vector<1056x1xf32>
    %div3A_22 = arith.constant 1.000000e+00 : f32
    %div3A_23 = vector.broadcast %div3A_22 : f32 to vector<1056x1xf32>
    %div3A_24 = arith.divf %div3A_23, %max3A_21 : vector<1056x1xf32>
    %mul3A = vector.broadcast %div3A_18 : vector<1056x1xf32> to vector<1056x32xf32>
    %mul3A_25 = arith.mulf %add3A, %mul3A : vector<1056x32xf32>
    %mul3A_26 = vector.broadcast %div3A_24 : vector<1056x1xf32> to vector<1056x32xf32>
    %mul3A_27 = arith.mulf %add3A_8, %mul3A_26 : vector<1056x32xf32>
    %concatenate3A = tpu.concatenate %mul3A_25, %mul3A_27 in 1 : vector<1056x32xf32>, vector<1056x32xf32> -> vector<1056x64xf32>
    %get3A_28 = arith.constant 0 : index
    %get3A_29 = arith.constant 0 : index
    %get3A_30 = vector.load %arg3[%get3A_28, %get3A_29] : memref<1056x64xf32, #tpu.memory_space<vmem>>, vector<1056x64xf32>
    %add3A_31 = arith.addf %concatenate3A, %get3A_30 : vector<1056x64xf32>
    %max3A_32 = arith.constant 0.000000e+00 : f32
    %max3A_33 = vector.broadcast %max3A_32 : f32 to vector<1056x64xf32>
    %max3A_34 = arith.maximumf %add3A_31, %max3A_33 : vector<1056x64xf32>
    %swap3A = arith.constant 0 : index
    %swap3A_35 = arith.constant 0 : index
    %swap3A_36 = vector.load %arg4[%swap3A, %swap3A_35] : memref<1056x64xf32, #tpu.memory_space<vmem>>, vector<1056x64xf32>
    tpu.vector_store %arg4[%swap3A, %swap3A_35], %max3A_34 {strides = array<i32>} : memref<1056x64xf32, #tpu.memory_space<vmem>>, vector<1056x64xf32>,
    return
  }
  func.func @transform_0(%arg0: i32) -> (i32, i32) {
    %c0_i32 = arith.constant 0 : i32
    %c0_i32_0 = arith.constant 0 : i32
    return %arg0, %c0_i32 : i32, i32
  }
  func.func @transform_1(%arg0: i32) -> (i32, i32) {
    %add3A = arith.constant 16 : i32
    %add3A_0 = arith.addi %add3A, %arg0 : i32
    %c0_i32 = arith.constant 0 : i32
    %c0_i32_1 = arith.constant 0 : i32
    return %add3A_0, %c0_i32 : i32, i32
  }
  func.func @transform_2(%arg0: i32) -> (i32, i32) {
    %c0_i32 = arith.constant 0 : i32
    %c0_i32_0 = arith.constant 0 : i32
    return %arg0, %c0_i32 : i32, i32
  }
  func.func @transform_3(%arg0: i32) -> (i32, i32) {
    %c0_i32 = arith.constant 0 : i32
    %c0_i32_0 = arith.constant 0 : i32
    return %arg0, %c0_i32 : i32, i32
  }
}

module attributes {stable_mosaic.version = 14 : i64} {
  func.func @_final_body(%arg0: i32, %arg1: memref<1056x128xf32, #tpu.memory_space<vmem>>, %arg2: memref<1056x128xf32, #tpu.memory_space<vmem>>, %arg3: memref<1056x128xf32, #tpu.memory_space<vmem>>, %arg4: memref<1056x128xf32, #tpu.memory_space<vmem>>, %arg5: memref<1056x64xf32, #tpu.memory_space<vmem>>, %arg6: memref<64x64xf32, #tpu.memory_space<vmem>>, %arg7: memref<64x64xf32, #tpu.memory_space<vmem>>, %arg8: memref<64x64xf32, #tpu.memory_space<vmem>>, %arg9: memref<1x64xf32, #tpu.memory_space<vmem>>, %arg10: memref<1056x64xf32, #tpu.memory_space<vmem>>) attributes {dimension_semantics = [#tpu.dimension_semantics<arbitrary>], iteration_bounds = array<i64: 16>, scalar_prefetch = 0 : i64, scratch_operands = 0 : i64, tpu.core_type = #tpu.core_type<tc>, window_params = [{transform_indices = @transform_0, window_bounds = array<i64: 1056, 128>}, {transform_indices = @transform_1, window_bounds = array<i64: 1056, 128>}, {transform_indices = @transform_2, window_bounds = array<i64: 1056, 128>}, {transform_indices = @transform_3, window_bounds = array<i64: 1056, 128>}, {transform_indices = @transform_4, window_bounds = array<i64: 1056, 64>}, {pipeline_mode = #tpu.pipeline_mode<synchronous>, transform_indices = @transform_5, window_bounds = array<i64: 64, 64>}, {pipeline_mode = #tpu.pipeline_mode<synchronous>, transform_indices = @transform_6, window_bounds = array<i64: 64, 64>}, {pipeline_mode = #tpu.pipeline_mode<synchronous>, transform_indices = @transform_7, window_bounds = array<i64: 64, 64>}, {pipeline_mode = #tpu.pipeline_mode<synchronous>, transform_indices = @transform_8, window_bounds = array<i64: 1, 64>}, {transform_indices = @transform_9, window_bounds = array<i64: 1056, 64>}]} {
    %get3A = arith.constant 0 : index
    %get3A_0 = arith.constant 0 : index
    %get3A_1 = vector.load %arg1[%get3A, %get3A_0] : memref<1056x128xf32, #tpu.memory_space<vmem>>, vector<1056x128xf32>
    %get3A_2 = arith.constant 0 : index
    %get3A_3 = arith.constant 0 : index
    %get3A_4 = vector.load %arg2[%get3A_2, %get3A_3] : memref<1056x128xf32, #tpu.memory_space<vmem>>, vector<1056x128xf32>
    %get3A_5 = arith.constant 0 : index
    %get3A_6 = arith.constant 0 : index
    %get3A_7 = vector.load %arg3[%get3A_5, %get3A_6] : memref<1056x128xf32, #tpu.memory_space<vmem>>, vector<1056x128xf32>
    %get3A_8 = arith.constant 0 : index
    %get3A_9 = arith.constant 0 : index
    %get3A_10 = vector.load %arg4[%get3A_8, %get3A_9] : memref<1056x128xf32, #tpu.memory_space<vmem>>, vector<1056x128xf32>
    %slice3A = vector.extract_strided_slice %get3A_7 {offsets = [0, 64], sizes = [1056, 1], strides = [1, 1]} : vector<1056x128xf32> to vector<1056x1xf32>
    %slice3A_11 = vector.extract_strided_slice %get3A_10 {offsets = [0, 64], sizes = [1056, 1], strides = [1, 1]} : vector<1056x128xf32> to vector<1056x1xf32>
    %add3A = arith.addf %slice3A, %slice3A_11 : vector<1056x1xf32>
    %slice3A_12 = vector.extract_strided_slice %get3A_7 {offsets = [0, 80], sizes = [1056, 1], strides = [1, 1]} : vector<1056x128xf32> to vector<1056x1xf32>
    %slice3A_13 = vector.extract_strided_slice %get3A_10 {offsets = [0, 80], sizes = [1056, 1], strides = [1, 1]} : vector<1056x128xf32> to vector<1056x1xf32>
    %add3A_14 = arith.addf %slice3A_12, %slice3A_13 : vector<1056x1xf32>
    %max3A = arith.constant 1.000000e+00 : f32
    %max3A_15 = vector.broadcast %max3A : f32 to vector<1056x1xf32>
    %max3A_16 = arith.maximumf %add3A, %max3A_15 : vector<1056x1xf32>
    %div3A = arith.constant 1.000000e+00 : f32
    %div3A_17 = vector.broadcast %div3A : f32 to vector<1056x1xf32>
    %div3A_18 = arith.divf %div3A_17, %max3A_16 : vector<1056x1xf32>
    %max3A_19 = arith.constant 1.000000e+00 : f32
    %max3A_20 = vector.broadcast %max3A_19 : f32 to vector<1056x1xf32>
    %max3A_21 = arith.maximumf %add3A_14, %max3A_20 : vector<1056x1xf32>
    %div3A_22 = arith.constant 1.000000e+00 : f32
    %div3A_23 = vector.broadcast %div3A_22 : f32 to vector<1056x1xf32>
    %div3A_24 = arith.divf %div3A_23, %max3A_21 : vector<1056x1xf32>
    %slice3A_25 = vector.extract_strided_slice %get3A_1 {offsets = [0, 0], sizes = [1056, 64], strides = [1, 1]} : vector<1056x128xf32> to vector<1056x64xf32>
    %slice3A_26 = vector.extract_strided_slice %get3A_4 {offsets = [0, 0], sizes = [1056, 64], strides = [1, 1]} : vector<1056x128xf32> to vector<1056x64xf32>
    %add3A_27 = arith.addf %slice3A_25, %slice3A_26 : vector<1056x64xf32>
    %mul3A = vector.broadcast %div3A_18 : vector<1056x1xf32> to vector<1056x64xf32>
    %mul3A_28 = arith.mulf %add3A_27, %mul3A : vector<1056x64xf32>
    %slice3A_29 = vector.extract_strided_slice %get3A_1 {offsets = [0, 64], sizes = [1056, 64], strides = [1, 1]} : vector<1056x128xf32> to vector<1056x64xf32>
    %slice3A_30 = vector.extract_strided_slice %get3A_4 {offsets = [0, 64], sizes = [1056, 64], strides = [1, 1]} : vector<1056x128xf32> to vector<1056x64xf32>
    %add3A_31 = arith.addf %slice3A_29, %slice3A_30 : vector<1056x64xf32>
    %mul3A_32 = vector.broadcast %div3A_24 : vector<1056x1xf32> to vector<1056x64xf32>
    %mul3A_33 = arith.mulf %add3A_31, %mul3A_32 : vector<1056x64xf32>
    %get3A_34 = arith.constant 0 : index
    %get3A_35 = arith.constant 0 : index
    %get3A_36 = vector.load %arg6[%get3A_34, %get3A_35] : memref<64x64xf32, #tpu.memory_space<vmem>>, vector<64x64xf32>
    %dot_general3A = arith.constant dense<0.000000e+00> : vector<1056x64xf32>
    %dot_general3A_37 = tpu.matmul %mul3A_28, %get3A_36, %dot_general3A {dimension_numbers = #tpu.dot_dimension_numbers<[1], [0], [0], [1], [0, 0, 1, 1], [], []>, transpose_lhs_hint = false} : vector<1056x64xf32>, vector<64x64xf32>, vector<1056x64xf32> -> vector<1056x64xf32>
    %get3A_38 = arith.constant 0 : index
    %get3A_39 = arith.constant 0 : index
    %get3A_40 = vector.load %arg7[%get3A_38, %get3A_39] : memref<64x64xf32, #tpu.memory_space<vmem>>, vector<64x64xf32>
    %dot_general3A_41 = arith.constant dense<0.000000e+00> : vector<1056x64xf32>
    %dot_general3A_42 = tpu.matmul %mul3A_33, %get3A_40, %dot_general3A_41 {dimension_numbers = #tpu.dot_dimension_numbers<[1], [0], [0], [1], [0, 0, 1, 1], [], []>, transpose_lhs_hint = false} : vector<1056x64xf32>, vector<64x64xf32>, vector<1056x64xf32> -> vector<1056x64xf32>
    %add3A_43 = arith.addf %dot_general3A_37, %dot_general3A_42 : vector<1056x64xf32>
    %get3A_44 = arith.constant 0 : index
    %get3A_45 = arith.constant 0 : index
    %get3A_46 = vector.load %arg5[%get3A_44, %get3A_45] : memref<1056x64xf32, #tpu.memory_space<vmem>>, vector<1056x64xf32>
    %get3A_47 = arith.constant 0 : index
    %get3A_48 = arith.constant 0 : index
    %get3A_49 = vector.load %arg8[%get3A_47, %get3A_48] : memref<64x64xf32, #tpu.memory_space<vmem>>, vector<64x64xf32>
    %dot_general3A_50 = arith.constant dense<0.000000e+00> : vector<1056x64xf32>
    %dot_general3A_51 = tpu.matmul %get3A_46, %get3A_49, %dot_general3A_50 {dimension_numbers = #tpu.dot_dimension_numbers<[1], [0], [0], [1], [0, 0, 1, 1], [], []>, transpose_lhs_hint = false} : vector<1056x64xf32>, vector<64x64xf32>, vector<1056x64xf32> -> vector<1056x64xf32>
    %add3A_52 = arith.addf %add3A_43, %dot_general3A_51 : vector<1056x64xf32>
    %get3A_53 = arith.constant 0 : index
    %get3A_54 = arith.constant 0 : index
    %get3A_55 = vector.load %arg9[%get3A_53, %get3A_54] : memref<1x64xf32, #tpu.memory_space<vmem>>, vector<1x64xf32>
    %add3A_56 = vector.broadcast %get3A_55 : vector<1x64xf32> to vector<1056x64xf32>
    %add3A_57 = arith.addf %add3A_52, %add3A_56 : vector<1056x64xf32>
    %max3A_58 = arith.constant 0.000000e+00 : f32
    %max3A_59 = vector.broadcast %max3A_58 : f32 to vector<1056x64xf32>
    %max3A_60 = arith.maximumf %add3A_57, %max3A_59 : vector<1056x64xf32>
    %swap3A = arith.constant 0 : index
    %swap3A_61 = arith.constant 0 : index
    %swap3A_62 = vector.load %arg10[%swap3A, %swap3A_61] : memref<1056x64xf32, #tpu.memory_space<vmem>>, vector<1056x64xf32>
    tpu.vector_store %arg10[%swap3A, %swap3A_61], %max3A_60 {strides = array<i32>} : memref<1056x64xf32, #tpu.memory_space<vmem>>, vector<1056x64xf32>,
    return
  }
  func.func @transform_0(%arg0: i32) -> (i32, i32) {
    %c0_i32 = arith.constant 0 : i32
    %c0_i32_0 = arith.constant 0 : i32
    return %arg0, %c0_i32 : i32, i32
  }
  func.func @transform_1(%arg0: i32) -> (i32, i32) {
    %add3A = arith.constant 16 : i32
    %add3A_0 = arith.addi %add3A, %arg0 : i32
    %c0_i32 = arith.constant 0 : i32
    %c0_i32_1 = arith.constant 0 : i32
    return %add3A_0, %c0_i32 : i32, i32
  }
  func.func @transform_2(%arg0: i32) -> (i32, i32) {
    %c0_i32 = arith.constant 0 : i32
    %c0_i32_0 = arith.constant 0 : i32
    return %arg0, %c0_i32 : i32, i32
  }
  func.func @transform_3(%arg0: i32) -> (i32, i32) {
    %add3A = arith.constant 16 : i32
    %add3A_0 = arith.addi %add3A, %arg0 : i32
    %c0_i32 = arith.constant 0 : i32
    %c0_i32_1 = arith.constant 0 : i32
    return %add3A_0, %c0_i32 : i32, i32
  }
  func.func @transform_4(%arg0: i32) -> (i32, i32) {
    %c0_i32 = arith.constant 0 : i32
    %c0_i32_0 = arith.constant 0 : i32
    return %arg0, %c0_i32 : i32, i32
  }
  func.func @transform_5(%arg0: i32) -> (i32, i32) {
    %c0_i32 = arith.constant 0 : i32
    %c0_i32_0 = arith.constant 0 : i32
    %c0_i32_1 = arith.constant 0 : i32
    return %c0_i32, %c0_i32_0 : i32, i32
  }
  func.func @transform_6(%arg0: i32) -> (i32, i32) {
    %c0_i32 = arith.constant 0 : i32
    %c0_i32_0 = arith.constant 0 : i32
    %c0_i32_1 = arith.constant 0 : i32
    return %c0_i32, %c0_i32_0 : i32, i32
  }
  func.func @transform_7(%arg0: i32) -> (i32, i32) {
    %c0_i32 = arith.constant 0 : i32
    %c0_i32_0 = arith.constant 0 : i32
    %c0_i32_1 = arith.constant 0 : i32
    return %c0_i32, %c0_i32_0 : i32, i32
  }
  func.func @transform_8(%arg0: i32) -> (i32, i32) {
    %c0_i32 = arith.constant 0 : i32
    %c0_i32_0 = arith.constant 0 : i32
    %c0_i32_1 = arith.constant 0 : i32
    return %c0_i32, %c0_i32_0 : i32, i32
  }
  func.func @transform_9(%arg0: i32) -> (i32, i32) {
    %c0_i32 = arith.constant 0 : i32
    %c0_i32_0 = arith.constant 0 : i32
    return %arg0, %c0_i32 : i32, i32
  }
}

</mosaic_0001>

<sc_bundles>
// kernel: kernel.10.cloned.1.call-start
scs
__scs_entry_jumppad:
0x0: {  	(pc) =	sbr.rel $0x88, $3  }
0x1: {  	(tag) =	ssettag $0x0;
	lr =	simm.s32 $0x1  }
0x2: {  	[smem:$0x3F92] =	sst lr;
	_ =	strace $0xD0000000  }
0x3: {  	_ = 	snop  }
0x4: {  	_ = 	snop  }
0x5: {  	_ = 	snop  }
0x6: {  	_ = 	snop  }
0x7: {  	_ = 	snop  }
__scs_overlays_trampoline_lowered:
0x8: {  	[smem:$0x3FA1] =	sst s0  }
0x9: {  	[smem:$0x3FA2] =	sst s1  }
0xa: {  	[smem:$0x3FA3] =	sst s2  }
0xb: {  	[smem:$0x3FA4] =	sst s3  }
0xc: {  	[smem:$0x3FA5] =	sst s4  }
0xd: {  	[smem:$0x3FA6] =	sst s5  }
0xe: {  	[smem:$0x3FA7] =	sst s6  }
0xf: {  	[smem:$0x3FA8] =	sst s7  }
0x10: {  	[smem:$0x3FA9] =	sst s8  }
0x11: {  	[smem:$0x3FAA] =	sst s9;
	s0 =	simm.s32 @!p0 $0x0  }
0x12: {  	s1 =	sld [smem:$0x3F90];
	s0 =	simm.s32 @p0 $0x1  }
0x13: {  	[smem:$0x3FAB] =	sst s0;
	s0 =	simm.s32 @!p1 $0x0  }
0x14: {  	s2 =	sld [smem:$0x3F8F];
	s0 =	simm.s32 @p1 $0x1  }
0x15: {  	[smem:$0x3FAC] =	sst s0;
	s0 =	simm.s32 @!p2 $0x0  }
0x16: {  	s3 =	sld [smem:$0x3FDB];
	s0 =	simm.s32 @p2 $0x1  }
0x17: {  	s4 =	simm.s32 $0x1BF5;
	[smem:$0x3FAE] =	sst s0  }
0x18: {  	s0 =	sld [smem:$0x3F91];
	_ =	swait.ge [sflag:s4], $0x0  }
0x19: {  	s7 =	sld [smem:$0x3F92]  }
0x1a: {  	s8 =	sadd.s32 $0xFFFFE003, lr  }
0x1b: {  	s9 =	sadd.s32 $0xFFFFFEF7, lr;
	s5 =	simm.s32 $0xFFFFFFFF;
	p2 =	slt.u32 s8, $0xFFFFF086  }
0x1c: {  	p1 =	slt.u32 s9, $0xF7A;
	s5 =	simm.s32 @!p2 $0x0  }
0x1d: {  	s5 =	simm.s32 @p1 $0x1;
	p0 =	seq.s32 s7, s2  }
0x1e: {  	s7 =	smul.u32 @!p0 $0xF7A, s2;
	p2 =	seq.s32 @!p0 s5, $0x0  }
0x1f: {  	s9 =	smul.u32 $0xF7A, s1;
	s8 =	simm.s32 @!p0 $0x1BF5;
	p2 =	por !p2, p0  }
0x20: {  	[sflag:s8] =	ssyncset.s32 @!p0 $0xFFFFF086;
	s6 =	sadd.s32 @!p0 s3, s7;
	s7 =	simm.s32 @!p0 $0x108  }
0x21: {  	s3 =	sadd.s32 s3, s9;
	s6 =	sadd.s32 @!p0 $0x88, s6;
	s7 =	simm.s32 @p2 $0x1082  }
0x22: {  	[simem:s7], [sflag:s8] =	dma.local @!p0 [hbm:s6], $0xF7A  }
0x23: {  	s9 =	sor.u32 $0xD0000000, s2;
	s6 =	simm.s32 $0x108;
	_ =	swait.ge @!p0 [sflag:s8], $0x0  }
0x24: {  	s3 =	sadd.s32 $0x88, s3;
	s6 =	simm.s32 @!p1 $0x1082;
	[sflag:s4] =	ssyncset.s32 $0xFFFFF086  }
0x25: {  	[simem:s6], [sflag:s4] =	dma.local [hbm:s3], $0xF7A  }
0x26: {  	[smem:$0x3F92] =	sst s1;
	(tag) =	ssettag s2;
	_ =	strace s9  }
0x27: {  	s1 =	sld [smem:$0x3FA2]  }
0x28: {  	s2 =	sld [smem:$0x3FA3]  }
0x29: {  	s4 =	sld [smem:$0x3FA5]  }
0x2a: {  	p0 =	seq.s32 s5, $0x0;
	s5 =	sld [smem:$0x3FA6]  }
0x2b: {  	s6 =	sld [smem:$0x3FA7]  }
0x2c: {  	s7 =	sld [smem:$0x3FA8]  }
0x2d: {  	s3 =	simm.s32 $0x108;
	s8 =	sld [smem:$0x3FA9]  }
0x2e: {  	s3 =	simm.s32 @!p0 $0x1082;
	s9 =	sld [smem:$0x3FAA]  }
0x2f: {  	lr =	sadd.s32 s0, s3;
	s0 =	sld [smem:$0x3FA1]  }
0x30: {  	s3 =	sld [smem:$0x3FA4]  }
0x31: {  	[smem:$0x3FAD] =	sst s10  }
0x32: {  	s10 =	sld [smem:$0x3FAB];
	_ =	sdelay $0x3  }
0x33: {  	p0 =	seq.s32 s10, $0x1;
	s10 =	sld [smem:$0x3FAD];
	_ =	sdelay $0x3  }
0x34: {  	[smem:$0x3FAD] =	sst s10  }
0x35: {  	s10 =	sld [smem:$0x3FAC];
	_ =	sdelay $0x3  }
0x36: {  	p1 =	seq.s32 s10, $0x1;
	s10 =	sld [smem:$0x3FAD];
	_ =	sdelay $0x3  }
0x37: {  	[smem:$0x3FAD] =	sst s10  }
0x38: {  	s10 =	sld [smem:$0x3FAE]  }
0x39: {  	_ = 	snop;
	(pc) =	sbr.ind lr, $3  }
0x3a: {  	_ = 	snop  }
0x3b: {  	_ = 	snop  }
0x3c: {  	p2 =	seq.s32 s10, $0x1;
	s10 =	sld [smem:$0x3FAD]  }
0x3d: {  	_ =	shalt  }
0x3e: {  	_ =	shalt  }
0x3f: {  	_ =	shalt  }
0x40: {  	_ =	shalt  }
0x41: {  	_ =	shalt  }
0x42: {  	_ =	shalt  }
0x43: {  	_ =	shalt  }
0x44: {  	_ =	shalt  }
0x45: {  	_ =	shalt  }
0x46: {  	_ =	shalt  }
0x47: {  	_ =	shalt  }
0x48: {  	_ =	shalt  }
0x49: {  	_ =	shalt  }
0x4a: {  	_ =	shalt  }
0x4b: {  	_ =	shalt  }
0x4c: {  	_ =	shalt  }
0x4d: {  	_ =	shalt  }
0x4e: {  	_ =	shalt  }
0x4f: {  	_ =	shalt  }
0x50: {  	_ =	shalt  }
0x51: {  	_ =	shalt  }
0x52: {  	_ =	shalt  }
0x53: {  	_ =	shalt  }
0x54: {  	_ =	shalt  }
0x55: {  	_ =	shalt  }
0x56: {  	_ =	shalt  }
0x57: {  	_ =	shalt  }
0x58: {  	_ =	shalt  }
0x59: {  	_ =	shalt  }
0x5a: {  	_ =	shalt  }
0x5b: {  	_ =	shalt  }
0x5c: {  	_ =	shalt  }
0x5d: {  	_ =	shalt  }
0x5e: {  	_ =	shalt  }
0x5f: {  	_ =	shalt  }
0x60: {  	_ =	shalt  }
0x61: {  	_ =	shalt  }
0x62: {  	_ =	shalt  }
0x63: {  	_ =	shalt  }
0x64: {  	_ =	shalt  }
0x65: {  	_ =	shalt  }
0x66: {  	_ =	shalt  }
0x67: {  	_ =	shalt  }
0x68: {  	_ =	shalt  }
0x69: {  	_ =	shalt  }
0x6a: {  	_ =	shalt  }
0x6b: {  	_ =	shalt  }
0x6c: {  	_ =	shalt  }
0x6d: {  	_ =	shalt  }
0x6e: {  	_ =	shalt  }
0x6f: {  	_ =	shalt  }
0x70: {  	_ =	shalt  }
0x71: {  	_ =	shalt  }
0x72: {  	_ =	shalt  }
0x73: {  	_ =	shalt  }
0x74: {  	_ =	shalt  }
0x75: {  	_ =	shalt  }
0x76: {  	_ =	shalt  }
0x77: {  	_ =	shalt  }
0x78: {  	_ =	shalt  }
0x79: {  	_ =	shalt  }
0x7a: {  	_ =	shalt  }
0x7b: {  	_ =	shalt  }
0x7c: {  	_ =	shalt  }
0x7d: {  	_ =	shalt  }
0x7e: {  	_ =	shalt  }
0x7f: {  	_ =	shalt  }
0x80: {  	_ =	shalt  }
0x81: {  	_ =	shalt  }
0x82: {  	_ =	shalt  }
0x83: {  	_ =	shalt  }
0x84: {  	_ =	shalt  }
0x85: {  	_ =	shalt  }
0x86: {  	_ =	shalt  }
0x87: {  	_ =	shalt  }
.Lfunc_end0:
.L_simem_size_0:
called_computation.1_lowered:
.L_overlay_start_0:
0x88: {  	s2 =	sld [smem:$0x3FD9]  }
0x89: {  	s3 =	sld [smem:$0x3FFE];
	_ =	sdelay $0x1  }
0x8a: {  	s1 =	srdreg.scid  }
0x8b: {  	s0 =	sand.u32 $0x1, s1  }
0x8c: {  	s17 =	sshll.u32 s0, $0xA;
	s2 =	sadd.s32 s3, s2  }
0x8d: {  	s2 =	sadd.s32 s2, s17  }
0x8e: {  	[smem:$0x3FB9] =	sst s2  }
0x8f: {  	_ = 	snop  }
0x90: {  	s2 =	sld [smem:$0x3FD0];
	(tm) =	ssettm $0x1  }
0x91: {  	s18 =	sld [smem:$0x3FFB];
	_ =	sdelay $0x3  }
0x92: {  	_ =	strace s18  }
0x93: {  	s3 =	sld [smem:$0x3FFC];
	_ =	sdelay $0x3  }
0x94: {  	_ =	strace s3  }
0x95: {  	s3 =	sld [smem:$0x3FFD];
	_ =	sdelay $0x3  }
0x96: {  	_ =	strace s3  }
0x97: {  	_ =	strace $0x8FFFFFFF  }
0x98: {  	s19 =	sld [smem:$0x3FDB];
	_ =	sdelay $0x1  }
0x99: {  	s4 =	simm.s32 $_scs_section_size  }
0x9a: {  	s5 =	simm.s32 $_size__tile_overlayer_lowered;
	s6 =	simm.s32 $_tile_overlayer_lowered  }
0x9b: {  	s22 =	simm.s32 $0x1BFF;
	s21 =	sshll.u32 s6, $0x1;
	s3 =	sadd.s32 s4, s19  }
0x9c: {  	s7 =	simm.s32 $0x0;
	s20 =	sshll.u32 s5, $0x1;
	s5 =	sadd.s32 s21, s3  }
0x9d: {  	[timem:s7], [sflag:s22] =	dma.local [hbm:s5], s20  }
0x9e: {  	_ =	swait.ge [sflag:s22], s20  }
0x9f: {  	s4 =	ssub.s32 $0x0, s20;
	[sflag:s22] =	ssyncset.done $0x0  }
0xa0: {  	[sflag:s22] =	ssyncadd.s32 s4;
	_ =	sdelay $0x1  }
0xa1: {  	s23 =	simm.s32 $0x1B8B  }
0xa2: {  	_ =	swait.ge [sflag:s23], $0x1  }
0xa3: {  	[sflag:s23] =	ssyncset.done $0x0  }
0xa4: {  	s25 =	simm.s32 $0x1B8E;
	s24 =	sld [smem:$0x3FFE];
	[sflag:s23] =	ssyncadd.s32 $0xFFFFFFFF  }
0xa5: {  	s26 =	simm.s32 $execute0_lowered;
	[smem:$0x3FD2] =	sst s25  }
0xa6: {  	s5 =	sshll.u32 s26, $0x1;
	_ =	strace $0x80000049;
	[dreg:$0x1] =	wrdreg $0xFFFFFFFF  }
0xa7: {  	s28 =	simm.s32 $_size_execute0_lowered;
	s3 =	sadd.s32 s3, s5;
	[dreg:$0x0] =	wrdreg $0x0  }
0xa8: {  	s5 =	sshll.u32 s28, $0x1;
	[dreg:$0x2] =	wrdreg s3  }
0xa9: {  	[dreg:$0x3] =	wrdreg s5  }
0xaa: {  	[dreg:$0x4] =	wrdreg $0xC0  }
0xab: {  	_ =	task [dreg:s7], $0x5FFFF  }
0xac: {  	[dreg:$0x1] =	wrdreg $0xFFFFFFFF  }
0xad: {  	[dreg:$0x0] =	wrdreg $0x60  }
0xae: {  	[dreg:$0x2] =	wrdreg s24  }
0xaf: {  	[dreg:$0x3] =	wrdreg s2  }
0xb0: {  	[dreg:$0x4] =	wrdreg $0xC8000  }
0xb1: {  	[dreg:$0x5] =	wrdreg $0x9  }
0xb2: {  	_ =	task.clear_ibuf [dreg:s7], $0x6FFFF;
	_ =	strace $0x90000049  }
0xb3: {  	s29 =	simm.s32 $0x9;
	_ =	strace $0x8000004B  }
0xb4: {  	_ =	swait.ge [sflag:s29], $0x1  }
0xb5: {  	[sflag:s29] =	ssyncadd.s32 $0xFFFFFFFF  }
0xb6: {  	_ =	strace $0x9000004B  }
0xb7: {  	_ =	sfence  }
0xb8: {  	s30 =	sld [smem:$0x0];
	_ =	sdelay $0x2  }
0xb9: {  	s31 =	sshll.u32 s1, $0xD;
	s1 =	sshrl.u32 s1, $0x2  }
0xba: {  	s3 =	sand.u32 $0x4000, s31;
	s1 =	sadd.s32 s1, s30  }
0xbb: {  	s0 =	sor.u32 s3, s0;
	s1 =	sshll.u32 s1, $0x11  }
0xbc: {  	s0 =	sor.u32 s1, s0  }
0xbd: {  	s0 =	sadd.s32 $0x8F2B, s0  }
0xbe: {  	[sflag:s0] =	ssyncadd.remote.s32 $0x1  }
0xbf: {  	_ =	sfence.sel $0xFFFF  }
0xc0: {  	[dreg:$0x0] =	wrdreg $0xFFFFFFFF;
	(pc) =	sbr.abs _section_cstart, $3  }
0xc1: {  	[dreg:$0x1] =	wrdreg $0xFFFFFFFF  }
0xc2: {  	_ =	task.clear_ibuf [dreg:s7], $0x2FFFF;
	_ =	strace $0x9FFFFFFF  }
0xc3: {  	(tm) =	ssettm $0x7FFFFFFF  }
tec
execute0_lowered:
.L_overlay_start_1:
0x0: {  	(tag) =	ssettag $0x1  }
0x1: {  	s0 =	srdreg.scid;
	s1 =	rddreg [dreg:$0x0]  }
0x2: {  	s11 =	stileid.u32;
	s7 =	rddreg [dreg:$0x1];
	s3 =	simm.s32 $0x0  }
0x3: {  	s19 =	simm.s32 $0x3;
	s20 =	simm.s32 $0x4400;
	s21 =	simm.s32 $0x80  }
0x4: {  	s28 =	simm.s32 $0x0;
	s0 =	sand.u32 $0x1, s0;
	s8 =	smul.u32 $0x420, s11  }
0x5: {  	s2 =	sshll.u32 s11, $0x1;
	[smem:$0x7FF] =	sst s3;
	s22 =	smul.u32 $0x42000, s11  }
0x6: {  	s4 =	sadd.s32 $0x3200, s1;
	s6 =	sor.u32 s0, s2;
	s9 =	smul.u32 $0x4200, s0  }
0x7: {  	s25 =	sshll.u32 s11, $0x6;
	s2 =	rddreg [dreg:$0x2];
	s5 =	smul.u32 $0x420, s6  }
0x8: {  	_ =	strace $0x8000004A;
	s10 =	ssub.s32 $0x2, s0;
	s24 =	smul.u32 $0x840, s6  }
0x9: {  	s0 =	sshll.u32 s0, $0x2;
	s23 =	sshrl.u32 s10, $0x1;
	s26 =	smul.u32 $0x42, s6  }
0xa: {  	s6 =	sor.u32 $0x1C03, s25;
	s0 =	sadd.s32 $0x84, s0;
	s8 =	sadd.s32 s8, s9  }
0xb: {  	s9 =	sshrl.u32 s22, $0x2;
	s0 =	sshrl.u32 s0, $0x1;
	s22 =	simm.s32 $0x8800  }
0xc: {  	s5 =	sand.u32 $0x7F80, s5;
	s8 =	sshll.u32 s8, $0x4;
	s18 =	sadd.s32 s9, s2  }
0xd: {  	s9 =	sand.u32 $0xFF80, s24;
	s29 =	sand.u32 $0x6, s26;
	p0 =	slt.s32 s0, $0x4  }
0xe: {  	s24 =	simm.s32 $0x1;
	s26 =	simm.s32 $0x8;
	s13 =	sadd.s32 s5, s1  }
0xf: {  	s5 =	sadd.s32 $0x24200, s1;
	s1 =	sadd.s32 s8, s1;
	s8 =	ssub.s32 s10, s23  }
0x10: {  	s7 =	sadd.s32 s7, s9;
	s12 =	sadd.s32 $0x42, s29;
	s18 =	sshrl.u32 s18, $0x3  }
0x11: {  	s23 =	simm.s32 $0xA800;
	s9 =	sadd.s32 $0x10800, s7;
	s30 =	sadd.s32 $0xFC800, s1  }
.Ltmp0:
0x12: {  	s25 =	sshrl.u32 s12, $0x1;
	s31 =	sadd.s32 $0x66200, s13;
	(pc) =	sbr.rel .LBB2_1-.Ltmp0, $4  }
0x13: {  	s13 =	sadd.s32 $0x6E600, s13;
	s16 =	sadd.s32 $0xFC808, s1;
	[dreg:$0x4] =	wrdreg s9  }
0x14: {  	s17 =	smax.u32 s8, $0x1;
	s9 =	sand.u32 $0x44, s0;
	[dreg:$0x5] =	wrdreg s30  }
0x15: {  	[dreg:$0x6] =	wrdreg s31;
	s14 =	sand.u32 $0x24, s25;
	p1 =	slt.s32 s25, $0x4  }
0x16: {  	s25 =	simm.s32 $0x10;
	s10 =	sadd.s32 $0xFFFFFFFF, s9;
	s15 =	sadd.s32 $0xFFFFFFFF, s14  }
.LBB2_8:
0x17: {  	[tilespmem:s8], [sflag:$0x2] =	stream.indirect.gather @!p2 [hbm4b:s4+s0], $0x40, s31, s0, $0xb8;
	[tilespmem:$0x1D000] =	vst v63  }
.LBB2_9:
0x18: {  	s28 =	sadd.s32 $0x1, s28  }
0x19: {  	p2 =	sne.s32 s28, s17  }
.Ltmp1:
0x1a: {  	[bflag:$0x0] =	sbarrier.arrive $0xFFFF;
	(pc) =	sbr.rel @!p2 .LBB2_10-.Ltmp1, $4  }
0x1b: {  	[hbm:s16@s25], [sflag:s6] =	dma.strided [spmem:s18@s26], $0x2100, s24, $0x8   }
0x1c: {  	_ =	swait.ge [sflag:s19], $0x2100  }
0x1d: {  	[sflag:s19] =	ssyncset.done $0x0  }
0x1e: {  	[sflag:s19] =	ssyncadd.s32 $0xFFFFDF00  }
.LBB2_1:
0x1f: {  	[spmem:s18], [sflag:s6] =	dma.local [hbm:s5], $0x2100  }
0x20: {  	_ =	swait.ge [sflag:s19], $0x2100  }
0x21: {  	[sflag:s19] =	ssyncset.done $0x0  }
0x22: {  	[sflag:s19] =	ssyncadd.s32 $0xFFFFDF00  }
0x23: {  	[bflag:$0x0] =	sbarrier.arrive $0xFFFF  }
0x24: {  	[tilespmem:s3], [sflag:$0x3] =	stream.linear.gather [hbm4b:s7+s3], $0x4400, $0x38;
	[tilespmem:$0x1D000] =	vst v63  }
0x25: {  	_ =	swait.ge [sflag:s19], $0x4400  }
0x26: {  	[sflag:s19] =	ssyncset.done $0x0  }
0x27: {  	s0 =	rddreg [dreg:$0x4];
	[sflag:s19] =	ssyncadd.s32 $0xFFFFBC00  }
0x28: {  	[tilespmem:s20], [sflag:$0x3] =	stream.linear.gather [hbm4b:s0+s3], $0x4400, $0x38;
	[tilespmem:$0x1D000] =	vst v63  }
0x29: {  	_ =	swait.ge [sflag:s19], $0x4400  }
.Ltmp2:
0x2a: {  	[sflag:s19] =	ssyncset.done $0x0;
	(pc) =	sbr.rel @p0 .LBB2_5-.Ltmp2, $4  }
0x2b: {  	[sflag:s19] =	ssyncadd.s32 $0xFFFFBC00  }
0x2c: {  	[tilespmem:s22], [sflag:$0x1] =	stream.indirect.gather [hbm4b:s4+s21], $0x40, s3, s21, $0xb8;
	[tilespmem:$0x1D000] =	vst v63  }
0x2d: {  	_ = 	snop  }
0x2e: {  	[tilespmem:s23], [sflag:$0x2] =	stream.indirect.gather [hbm4b:s4+s21], $0x40, s21, s21, $0xb8;
	[tilespmem:$0x1D000] =	vst v63  }
0x2f: {  	_ =	swait.ge [sflag:s24], $0x2000  }
0x30: {  	[sflag:s24] =	ssyncset.done $0x0  }
0x31: {  	s0 =	simm.s32 $0x4400;
	[sflag:s24] =	ssyncadd.s32 $0xFFFFE000  }
0x32: {  	[spmem:s2] =	stream.indirect.scatter.add.f32 [tilespmem:s22], [sflag:$0x3], $0x40, s0, s21, $0xb8;
	[tilespmem:$0x1D000] =	vst v63  }
0x33: {  	_ =	swait.ge [sflag:s19], $0x2000  }
0x34: {  	p2 =	sle.s32 s10, $0x0;
	[sflag:s19] =	ssyncset.done $0x0  }
0x35: {  	s0 =	simm.s32 @p2 $0x2;
	[sflag:s19] =	ssyncadd.s32 $0xFFFFE000  }
0x36: {  	_ =	swait.ge @p2 [sflag:s0], $0x2000  }
0x37: {  	s1 =	simm.s32 $0x4480;
	s8 =	simm.s32 @p2 $0x3;
	[sflag:s0] =	ssyncset.done @p2 $0x0  }
0x38: {  	s29 =	simm.s32 @p2 $0xA800;
	[sflag:s0] =	ssyncadd.s32 @p2 $0xFFFFE000;
	s0 =	simm.s32 @p2 $0x80  }
0x39: {  	[spmem:s2] =	stream.indirect.scatter.add.f32 @p2 [tilespmem:s29], [sflag:$0x3], $0x40, s1, s0, $0xb8;
	[tilespmem:$0x1D000] =	vst v63  }
0x3a: {  	_ =	swait.ge @p2 [sflag:s8], $0x2000  }
0x3b: {  	s30 =	simm.s32 @!p2 $0x2;
	s29 =	simm.s32 @!p2 $0x8800;
	[sflag:s8] =	ssyncset.done @p2 $0x0  }
0x3c: {  	s0 =	simm.s32 @!p2 $0x80;
	[sflag:s8] =	ssyncadd.s32 @p2 $0xFFFFE000;
	s8 =	simm.s32 @!p2 $0x100  }
0x3d: {  	[tilespmem:s29], [sflag:$0x1] =	stream.indirect.gather @!p2 [hbm4b:s4+s0], $0x40, s8, s0, $0xb8;
	[tilespmem:$0x1D000] =	vst v63  }
0x3e: {  	_ =	swait.ge @!p2 [sflag:s30], $0x2000  }
0x3f: {  	p3 =	sne.s32 s9, $0x1;
	s11 =	simm.s32 @!p2 $0x3;
	[sflag:s30] =	ssyncset.done @!p2 $0x0  }
.Ltmp3:
0x40: {  	s8 =	simm.s32 @!p2 $0xA800;
	[sflag:s30] =	ssyncadd.s32 @!p2 $0xFFFFE000;
	(pc) =	sbr.rel @!p3 .LBB2_4-.Ltmp3, $4  }
0x41: {  	[spmem:s2] =	stream.indirect.scatter.add.f32 @!p2 [tilespmem:s8], [sflag:$0x3], $0x40, s1, s0, $0xb8;
	[tilespmem:$0x1D000] =	vst v63  }
0x42: {  	_ =	swait.ge @!p2 [sflag:s11], $0x2000  }
0x43: {  	s31 =	simm.s32 $0x180;
	s29 =	simm.s32 $0x1;
	[sflag:s11] =	ssyncset.done @!p2 $0x0  }
0x44: {  	s30 =	simm.s32 $0x280;
	s1 =	simm.s32 $0x4580;
	[sflag:s11] =	ssyncadd.s32 @!p2 $0xFFFFE000  }
.LBB2_3:
0x45: {  	[tilespmem:s8], [sflag:$0x2] =	stream.indirect.gather @!p2 [hbm4b:s4+s0], $0x40, s31, s0, $0xb8;
	[tilespmem:$0x1D000] =	vst v63  }
0x46: {  	s0 =	smov.u32 s29;
	s29 =	sadd.s32 $0x1, s29;
	_ =	swait.ge [sflag:s24], $0x2000  }
0x47: {  	s31 =	smov.u32 s30;
	p3 =	sne.s32 s9, s29;
	[sflag:s24] =	ssyncset.done $0x0  }
0x48: {  	s8 =	sadd.s32 $0xFFFFFF80, s1;
	[sflag:s24] =	ssyncadd.s32 $0xFFFFE000  }
0x49: {  	[spmem:s2] =	stream.indirect.scatter.add.f32 [tilespmem:s22], [sflag:$0x3], $0x40, s8, s21, $0xb8;
	[tilespmem:$0x1D000] =	vst v63  }
0x4a: {  	_ =	swait.ge [sflag:s19], $0x2000  }
0x4b: {  	p2 =	sge.s32 s0, s10;
	[sflag:s19] =	ssyncset.done $0x0  }
0x4c: {  	s0 =	simm.s32 @p2 $0x2;
	[sflag:s19] =	ssyncadd.s32 $0xFFFFE000  }
0x4d: {  	_ =	swait.ge @p2 [sflag:s0], $0x2000  }
0x4e: {  	s8 =	simm.s32 @p2 $0x3;
	[sflag:s0] =	ssyncset.done @p2 $0x0  }
0x4f: {  	s11 =	simm.s32 @p2 $0xA800;
	[sflag:s0] =	ssyncadd.s32 @p2 $0xFFFFE000;
	s0 =	simm.s32 @p2 $0x80  }
0x50: {  	[spmem:s2] =	stream.indirect.scatter.add.f32 @p2 [tilespmem:s11], [sflag:$0x3], $0x40, s1, s0, $0xb8;
	[tilespmem:$0x1D000] =	vst v63  }
0x51: {  	_ =	swait.ge @p2 [sflag:s8], $0x2000  }
0x52: {  	s12 =	simm.s32 @!p2 $0x2;
	s11 =	simm.s32 @!p2 $0x8800;
	[sflag:s8] =	ssyncset.done @p2 $0x0  }
0x53: {  	s0 =	simm.s32 @!p2 $0x80;
	[sflag:s8] =	ssyncadd.s32 @p2 $0xFFFFE000;
	s8 =	sadd.s32 @!p2 $0xFFFFFF80, s30  }
0x54: {  	[tilespmem:s11], [sflag:$0x1] =	stream.indirect.gather @!p2 [hbm4b:s4+s0], $0x40, s8, s0, $0xb8;
	[tilespmem:$0x1D000] =	vst v63  }
0x55: {  	_ =	swait.ge @!p2 [sflag:s12], $0x2000  }
0x56: {  	s11 =	simm.s32 @!p2 $0x3;
	[sflag:s12] =	ssyncset.done @!p2 $0x0  }
.Ltmp4:
0x57: {  	s8 =	simm.s32 @!p2 $0xA800;
	[sflag:s12] =	ssyncadd.s32 @!p2 $0xFFFFE000;
	(pc) =	sbr.rel @p3 .LBB2_3-.Ltmp4, $4  }
0x58: {  	[spmem:s2] =	stream.indirect.scatter.add.f32 @!p2 [tilespmem:s8], [sflag:$0x3], $0x40, s1, s0, $0xb8;
	[tilespmem:$0x1D000] =	vst v63  }
0x59: {  	_ =	swait.ge @!p2 [sflag:s11], $0x2000  }
0x5a: {  	[sflag:s11] =	ssyncset.done @!p2 $0x0  }
0x5b: {  	s30 =	sadd.s32 $0x100, s30;
	s1 =	sadd.s32 $0x100, s1;
	[sflag:s11] =	ssyncadd.s32 @!p2 $0xFFFFE000  }
.LBB2_4:
0x5c: {  	[tilespmem:s8], [sflag:$0x2] =	stream.indirect.gather @!p2 [hbm4b:s4+s0], $0x40, s31, s0, $0xb8;
	[tilespmem:$0x1D000] =	vst v63  }
.LBB2_5:
0x5d: {  	[bflag:$0x0] =	sbarrier.arrive $0xFFFF  }
0x5e: {  	s0 =	rddreg [dreg:$0x5]  }
0x5f: {  	[hbm:s0@s25], [sflag:s6] =	dma.strided [spmem:s18@s26], $0x2100, s24, $0x8   }
0x60: {  	_ =	swait.ge [sflag:s19], $0x2100  }
0x61: {  	[sflag:s19] =	ssyncset.done $0x0  }
0x62: {  	[sflag:s19] =	ssyncadd.s32 $0xFFFFDF00  }
0x63: {  	[spmem:s18], [sflag:s6] =	dma.local [hbm:s5], $0x2100  }
0x64: {  	_ =	swait.ge [sflag:s19], $0x2100  }
0x65: {  	[sflag:s19] =	ssyncset.done $0x0  }
0x66: {  	[sflag:s19] =	ssyncadd.s32 $0xFFFFDF00  }
0x67: {  	[bflag:$0x0] =	sbarrier.arrive $0xFFFF  }
0x68: {  	s31 =	simm.s32 $0x0;
	s1 =	rddreg [dreg:$0x6]  }
0x69: {  	[tilespmem:s31], [sflag:$0x3] =	stream.linear.gather [hbm4b:s1+s31], $0x2400, $0x38;
	[tilespmem:$0x1D000] =	vst v63  }
0x6a: {  	_ =	swait.ge [sflag:s19], $0x2400  }
0x6b: {  	[sflag:s19] =	ssyncset.done $0x0  }
0x6c: {  	[sflag:s19] =	ssyncadd.s32 $0xFFFFDC00  }
0x6d: {  	[tilespmem:s20], [sflag:$0x3] =	stream.linear.gather [hbm4b:s13+s31], $0x2400, $0x38;
	[tilespmem:$0x1D000] =	vst v63  }
0x6e: {  	_ =	swait.ge [sflag:s19], $0x2400  }
.Ltmp5:
0x6f: {  	[sflag:s19] =	ssyncset.done $0x0;
	(pc) =	sbr.rel @p1 .LBB2_9-.Ltmp5, $4  }
0x70: {  	[sflag:s19] =	ssyncadd.s32 $0xFFFFDC00  }
0x71: {  	[tilespmem:s22], [sflag:$0x1] =	stream.indirect.gather [hbm4b:s4+s21], $0x40, s31, s21, $0xb8;
	[tilespmem:$0x1D000] =	vst v63  }
0x72: {  	_ = 	snop  }
0x73: {  	[tilespmem:s23], [sflag:$0x2] =	stream.indirect.gather [hbm4b:s4+s21], $0x40, s21, s21, $0xb8;
	[tilespmem:$0x1D000] =	vst v63  }
0x74: {  	_ =	swait.ge [sflag:s24], $0x2000  }
0x75: {  	[sflag:s24] =	ssyncset.done $0x0  }
0x76: {  	s0 =	simm.s32 $0x4400;
	[sflag:s24] =	ssyncadd.s32 $0xFFFFE000  }
0x77: {  	[spmem:s2] =	stream.indirect.scatter.add.f32 [tilespmem:s22], [sflag:$0x3], $0x40, s0, s21, $0xb8;
	[tilespmem:$0x1D000] =	vst v63  }
0x78: {  	_ =	swait.ge [sflag:s19], $0x2000  }
0x79: {  	p2 =	sle.s32 s15, $0x0;
	[sflag:s19] =	ssyncset.done $0x0  }
0x7a: {  	s0 =	simm.s32 @p2 $0x2;
	[sflag:s19] =	ssyncadd.s32 $0xFFFFE000  }
0x7b: {  	_ =	swait.ge @p2 [sflag:s0], $0x2000  }
0x7c: {  	s1 =	simm.s32 $0x4480;
	s8 =	simm.s32 @p2 $0x3;
	[sflag:s0] =	ssyncset.done @p2 $0x0  }
0x7d: {  	s11 =	simm.s32 @p2 $0xA800;
	[sflag:s0] =	ssyncadd.s32 @p2 $0xFFFFE000;
	s0 =	simm.s32 @p2 $0x80  }
0x7e: {  	[spmem:s2] =	stream.indirect.scatter.add.f32 @p2 [tilespmem:s11], [sflag:$0x3], $0x40, s1, s0, $0xb8;
	[tilespmem:$0x1D000] =	vst v63  }
0x7f: {  	_ =	swait.ge @p2 [sflag:s8], $0x2000  }
0x80: {  	s12 =	simm.s32 @!p2 $0x2;
	s11 =	simm.s32 @!p2 $0x8800;
	[sflag:s8] =	ssyncset.done @p2 $0x0  }
0x81: {  	s0 =	simm.s32 @!p2 $0x80;
	[sflag:s8] =	ssyncadd.s32 @p2 $0xFFFFE000;
	s8 =	simm.s32 @!p2 $0x100  }
0x82: {  	[tilespmem:s11], [sflag:$0x1] =	stream.indirect.gather @!p2 [hbm4b:s4+s0], $0x40, s8, s0, $0xb8;
	[tilespmem:$0x1D000] =	vst v63  }
0x83: {  	_ =	swait.ge @!p2 [sflag:s12], $0x2000  }
0x84: {  	p3 =	sne.s32 s14, $0x1;
	s11 =	simm.s32 @!p2 $0x3;
	[sflag:s12] =	ssyncset.done @!p2 $0x0  }
.Ltmp6:
0x85: {  	s8 =	simm.s32 @!p2 $0xA800;
	[sflag:s12] =	ssyncadd.s32 @!p2 $0xFFFFE000;
	(pc) =	sbr.rel @!p3 .LBB2_8-.Ltmp6, $4  }
0x86: {  	[spmem:s2] =	stream.indirect.scatter.add.f32 @!p2 [tilespmem:s8], [sflag:$0x3], $0x40, s1, s0, $0xb8;
	[tilespmem:$0x1D000] =	vst v63  }
0x87: {  	_ =	swait.ge @!p2 [sflag:s11], $0x2000  }
0x88: {  	s31 =	simm.s32 $0x180;
	s29 =	simm.s32 $0x1;
	[sflag:s11] =	ssyncset.done @!p2 $0x0  }
0x89: {  	s30 =	simm.s32 $0x280;
	s1 =	simm.s32 $0x4580;
	[sflag:s11] =	ssyncadd.s32 @!p2 $0xFFFFE000  }
.LBB2_7:
0x8a: {  	[tilespmem:s8], [sflag:$0x2] =	stream.indirect.gather @!p2 [hbm4b:s4+s0], $0x40, s31, s0, $0xb8;
	[tilespmem:$0x1D000] =	vst v63  }
0x8b: {  	s0 =	smov.u32 s29;
	s29 =	sadd.s32 $0x1, s29;
	_ =	swait.ge [sflag:s24], $0x2000  }
0x8c: {  	s31 =	smov.u32 s30;
	p3 =	sne.s32 s14, s29;
	[sflag:s24] =	ssyncset.done $0x0  }
0x8d: {  	s8 =	sadd.s32 $0xFFFFFF80, s1;
	[sflag:s24] =	ssyncadd.s32 $0xFFFFE000  }
0x8e: {  	[spmem:s2] =	stream.indirect.scatter.add.f32 [tilespmem:s22], [sflag:$0x3], $0x40, s8, s21, $0xb8;
	[tilespmem:$0x1D000] =	vst v63  }
0x8f: {  	_ =	swait.ge [sflag:s19], $0x2000  }
0x90: {  	p2 =	sge.s32 s0, s15;
	[sflag:s19] =	ssyncset.done $0x0  }
0x91: {  	s0 =	simm.s32 @p2 $0x2;
	[sflag:s19] =	ssyncadd.s32 $0xFFFFE000  }
0x92: {  	_ =	swait.ge @p2 [sflag:s0], $0x2000  }
0x93: {  	s8 =	simm.s32 @p2 $0x3;
	[sflag:s0] =	ssyncset.done @p2 $0x0  }
0x94: {  	s11 =	simm.s32 @p2 $0xA800;
	[sflag:s0] =	ssyncadd.s32 @p2 $0xFFFFE000;
	s0 =	simm.s32 @p2 $0x80  }
0x95: {  	[spmem:s2] =	stream.indirect.scatter.add.f32 @p2 [tilespmem:s11], [sflag:$0x3], $0x40, s1, s0, $0xb8;
	[tilespmem:$0x1D000] =	vst v63  }
0x96: {  	_ =	swait.ge @p2 [sflag:s8], $0x2000  }
0x97: {  	s12 =	simm.s32 @!p2 $0x2;
	s11 =	simm.s32 @!p2 $0x8800;
	[sflag:s8] =	ssyncset.done @p2 $0x0  }
0x98: {  	s0 =	simm.s32 @!p2 $0x80;
	[sflag:s8] =	ssyncadd.s32 @p2 $0xFFFFE000;
	s8 =	sadd.s32 @!p2 $0xFFFFFF80, s30  }
0x99: {  	[tilespmem:s11], [sflag:$0x1] =	stream.indirect.gather @!p2 [hbm4b:s4+s0], $0x40, s8, s0, $0xb8;
	[tilespmem:$0x1D000] =	vst v63  }
0x9a: {  	_ =	swait.ge @!p2 [sflag:s12], $0x2000  }
0x9b: {  	s11 =	simm.s32 @!p2 $0x3;
	[sflag:s12] =	ssyncset.done @!p2 $0x0  }
.Ltmp7:
0x9c: {  	s8 =	simm.s32 @!p2 $0xA800;
	[sflag:s12] =	ssyncadd.s32 @!p2 $0xFFFFE000;
	(pc) =	sbr.rel @p3 .LBB2_7-.Ltmp7, $4  }
0x9d: {  	[spmem:s2] =	stream.indirect.scatter.add.f32 @!p2 [tilespmem:s8], [sflag:$0x3], $0x40, s1, s0, $0xb8;
	[tilespmem:$0x1D000] =	vst v63  }
0x9e: {  	_ =	swait.ge @!p2 [sflag:s11], $0x2000  }
0x9f: {  	[sflag:s11] =	ssyncset.done @!p2 $0x0  }
0xa0: {  	s30 =	sadd.s32 $0x100, s30;
	s1 =	sadd.s32 $0x100, s1;
	[sflag:s11] =	ssyncadd.s32 @!p2 $0xFFFFE000  }
.Ltmp8:
0xa1: {  	_ = 	snop;
	(pc) =	sbr.rel .LBB2_8-.Ltmp8, $1  }
0xa2: {  	_ =	sdelay $0x3  }
.LBB2_10:
0xa3: {  	_ =	sfence.sel $0x180000  }
0xa4: {  	[bflag:$0x0] =	sbarrier.arrive $0xFFFF  }
0xa5: {  	_ =	strace $0x9000004A  }
0xa6: {  	s0 =	stileid.u32;
	[bflag:$0x2] =	sbarrier.arrive $0xFFFF  }
0xa7: {  	p0 =	sne.s32 s0, $0x0;
	s0 =	rddreg [dreg:$0x3]  }
0xa8: {  	s0 =	sadd.s32 @!p0 $0x100000, s0  }
0xa9: {  	[sflag:s0] =	ssyncadd.tile.s32 @!p0 $0x1;
	_ =	shalt  }
.Lfunc_end2:
_tile_overlayer_lowered:
.L_overlay_start_2:
0xaa: {  	(tag) =	ssettag $0x2  }
0xab: {  	s0 =	rddreg [dreg:$0x0];
	s2 =	stileid.u32  }
0xac: {  	s1 =	rddreg [dreg:$0x1];
	p0 =	sne.s32 s2, $0x0  }
0xad: {  	s3 =	rddreg [dreg:$0x2];
	[bflag:$0x3] =	sbarrier.arrive $0xFFFF;
	s2 =	simm.s32 @!p0 $0x1C03  }
0xae: {  	[timem:s3], [sflag:s2] =	dma.local @!p0 [hbm:s0], s1  }
0xaf: {  	s0 =	simm.s32 @!p0 $0x3  }
0xb0: {  	_ =	swait.ge @!p0 [sflag:s0], s1  }
0xb1: {  	s1 =	ssub.s32 @!p0 $0x0, s1;
	[sflag:s0] =	ssyncset.done @!p0 $0x0  }
0xb2: {  	[sflag:s0] =	ssyncadd.s32 @!p0 s1  }
0xb3: {  	[bflag:$0x3] =	sbarrier.arrive $0xFFFF  }
0xb4: {  	_ =	shalt  }

// kernel: kernel.7.cloned.1.call-start
scs
__scs_entry_jumppad:
0x0: {  	(pc) =	sbr.rel $0x88, $3  }
0x1: {  	(tag) =	ssettag $0x0;
	lr =	simm.s32 $0x1  }
0x2: {  	[smem:$0x3F92] =	sst lr;
	_ =	strace $0xD0000000  }
0x3: {  	_ = 	snop  }
0x4: {  	_ = 	snop  }
0x5: {  	_ = 	snop  }
0x6: {  	_ = 	snop  }
0x7: {  	_ = 	snop  }
__scs_overlays_trampoline_lowered:
0x8: {  	[smem:$0x3FA1] =	sst s0  }
0x9: {  	[smem:$0x3FA2] =	sst s1  }
0xa: {  	[smem:$0x3FA3] =	sst s2  }
0xb: {  	[smem:$0x3FA4] =	sst s3  }
0xc: {  	[smem:$0x3FA5] =	sst s4  }
0xd: {  	[smem:$0x3FA6] =	sst s5  }
0xe: {  	[smem:$0x3FA7] =	sst s6  }
0xf: {  	[smem:$0x3FA8] =	sst s7  }
0x10: {  	[smem:$0x3FA9] =	sst s8  }
0x11: {  	[smem:$0x3FAA] =	sst s9;
	s0 =	simm.s32 @!p0 $0x0  }
0x12: {  	s1 =	sld [smem:$0x3F90];
	s0 =	simm.s32 @p0 $0x1  }
0x13: {  	[smem:$0x3FAB] =	sst s0;
	s0 =	simm.s32 @!p1 $0x0  }
0x14: {  	s2 =	sld [smem:$0x3F8F];
	s0 =	simm.s32 @p1 $0x1  }
0x15: {  	[smem:$0x3FAC] =	sst s0;
	s0 =	simm.s32 @!p2 $0x0  }
0x16: {  	s3 =	sld [smem:$0x3FDB];
	s0 =	simm.s32 @p2 $0x1  }
0x17: {  	s4 =	simm.s32 $0x1BF5;
	[smem:$0x3FAE] =	sst s0  }
0x18: {  	s0 =	sld [smem:$0x3F91];
	_ =	swait.ge [sflag:s4], $0x0  }
0x19: {  	s7 =	sld [smem:$0x3F92]  }
0x1a: {  	s8 =	sadd.s32 $0xFFFFE003, lr  }
0x1b: {  	s9 =	sadd.s32 $0xFFFFFEF7, lr;
	s5 =	simm.s32 $0xFFFFFFFF;
	p2 =	slt.u32 s8, $0xFFFFF086  }
0x1c: {  	p1 =	slt.u32 s9, $0xF7A;
	s5 =	simm.s32 @!p2 $0x0  }
0x1d: {  	s5 =	simm.s32 @p1 $0x1;
	p0 =	seq.s32 s7, s2  }
0x1e: {  	s7 =	smul.u32 @!p0 $0xF7A, s2;
	p2 =	seq.s32 @!p0 s5, $0x0  }
0x1f: {  	s9 =	smul.u32 $0xF7A, s1;
	s8 =	simm.s32 @!p0 $0x1BF5;
	p2 =	por !p2, p0  }
0x20: {  	[sflag:s8] =	ssyncset.s32 @!p0 $0xFFFFF086;
	s6 =	sadd.s32 @!p0 s3, s7;
	s7 =	simm.s32 @!p0 $0x108  }
0x21: {  	s3 =	sadd.s32 s3, s9;
	s6 =	sadd.s32 @!p0 $0x88, s6;
	s7 =	simm.s32 @p2 $0x1082  }
0x22: {  	[simem:s7], [sflag:s8] =	dma.local @!p0 [hbm:s6], $0xF7A  }
0x23: {  	s9 =	sor.u32 $0xD0000000, s2;
	s6 =	simm.s32 $0x108;
	_ =	swait.ge @!p0 [sflag:s8], $0x0  }
0x24: {  	s3 =	sadd.s32 $0x88, s3;
	s6 =	simm.s32 @!p1 $0x1082;
	[sflag:s4] =	ssyncset.s32 $0xFFFFF086  }
0x25: {  	[simem:s6], [sflag:s4] =	dma.local [hbm:s3], $0xF7A  }
0x26: {  	[smem:$0x3F92] =	sst s1;
	(tag) =	ssettag s2;
	_ =	strace s9  }
0x27: {  	s1 =	sld [smem:$0x3FA2]  }
0x28: {  	s2 =	sld [smem:$0x3FA3]  }
0x29: {  	s4 =	sld [smem:$0x3FA5]  }
0x2a: {  	p0 =	seq.s32 s5, $0x0;
	s5 =	sld [smem:$0x3FA6]  }
0x2b: {  	s6 =	sld [smem:$0x3FA7]  }
0x2c: {  	s7 =	sld [smem:$0x3FA8]  }
0x2d: {  	s3 =	simm.s32 $0x108;
	s8 =	sld [smem:$0x3FA9]  }
0x2e: {  	s3 =	simm.s32 @!p0 $0x1082;
	s9 =	sld [smem:$0x3FAA]  }
0x2f: {  	lr =	sadd.s32 s0, s3;
	s0 =	sld [smem:$0x3FA1]  }
0x30: {  	s3 =	sld [smem:$0x3FA4]  }
0x31: {  	[smem:$0x3FAD] =	sst s10  }
0x32: {  	s10 =	sld [smem:$0x3FAB];
	_ =	sdelay $0x3  }
0x33: {  	p0 =	seq.s32 s10, $0x1;
	s10 =	sld [smem:$0x3FAD];
	_ =	sdelay $0x3  }
0x34: {  	[smem:$0x3FAD] =	sst s10  }
0x35: {  	s10 =	sld [smem:$0x3FAC];
	_ =	sdelay $0x3  }
0x36: {  	p1 =	seq.s32 s10, $0x1;
	s10 =	sld [smem:$0x3FAD];
	_ =	sdelay $0x3  }
0x37: {  	[smem:$0x3FAD] =	sst s10  }
0x38: {  	s10 =	sld [smem:$0x3FAE]  }
0x39: {  	_ = 	snop;
	(pc) =	sbr.ind lr, $3  }
0x3a: {  	_ = 	snop  }
0x3b: {  	_ = 	snop  }
0x3c: {  	p2 =	seq.s32 s10, $0x1;
	s10 =	sld [smem:$0x3FAD]  }
0x3d: {  	_ =	shalt  }
0x3e: {  	_ =	shalt  }
0x3f: {  	_ =	shalt  }
0x40: {  	_ =	shalt  }
0x41: {  	_ =	shalt  }
0x42: {  	_ =	shalt  }
0x43: {  	_ =	shalt  }
0x44: {  	_ =	shalt  }
0x45: {  	_ =	shalt  }
0x46: {  	_ =	shalt  }
0x47: {  	_ =	shalt  }
0x48: {  	_ =	shalt  }
0x49: {  	_ =	shalt  }
0x4a: {  	_ =	shalt  }
0x4b: {  	_ =	shalt  }
0x4c: {  	_ =	shalt  }
0x4d: {  	_ =	shalt  }
0x4e: {  	_ =	shalt  }
0x4f: {  	_ =	shalt  }
0x50: {  	_ =	shalt  }
0x51: {  	_ =	shalt  }
0x52: {  	_ =	shalt  }
0x53: {  	_ =	shalt  }
0x54: {  	_ =	shalt  }
0x55: {  	_ =	shalt  }
0x56: {  	_ =	shalt  }
0x57: {  	_ =	shalt  }
0x58: {  	_ =	shalt  }
0x59: {  	_ =	shalt  }
0x5a: {  	_ =	shalt  }
0x5b: {  	_ =	shalt  }
0x5c: {  	_ =	shalt  }
0x5d: {  	_ =	shalt  }
0x5e: {  	_ =	shalt  }
0x5f: {  	_ =	shalt  }
0x60: {  	_ =	shalt  }
0x61: {  	_ =	shalt  }
0x62: {  	_ =	shalt  }
0x63: {  	_ =	shalt  }
0x64: {  	_ =	shalt  }
0x65: {  	_ =	shalt  }
0x66: {  	_ =	shalt  }
0x67: {  	_ =	shalt  }
0x68: {  	_ =	shalt  }
0x69: {  	_ =	shalt  }
0x6a: {  	_ =	shalt  }
0x6b: {  	_ =	shalt  }
0x6c: {  	_ =	shalt  }
0x6d: {  	_ =	shalt  }
0x6e: {  	_ =	shalt  }
0x6f: {  	_ =	shalt  }
0x70: {  	_ =	shalt  }
0x71: {  	_ =	shalt  }
0x72: {  	_ =	shalt  }
0x73: {  	_ =	shalt  }
0x74: {  	_ =	shalt  }
0x75: {  	_ =	shalt  }
0x76: {  	_ =	shalt  }
0x77: {  	_ =	shalt  }
0x78: {  	_ =	shalt  }
0x79: {  	_ =	shalt  }
0x7a: {  	_ =	shalt  }
0x7b: {  	_ =	shalt  }
0x7c: {  	_ =	shalt  }
0x7d: {  	_ =	shalt  }
0x7e: {  	_ =	shalt  }
0x7f: {  	_ =	shalt  }
0x80: {  	_ =	shalt  }
0x81: {  	_ =	shalt  }
0x82: {  	_ =	shalt  }
0x83: {  	_ =	shalt  }
0x84: {  	_ =	shalt  }
0x85: {  	_ =	shalt  }
0x86: {  	_ =	shalt  }
0x87: {  	_ =	shalt  }
.Lfunc_end0:
.L_simem_size_0:
called_computation_lowered:
.L_overlay_start_0:
0x88: {  	s2 =	sld [smem:$0x3FD9]  }
0x89: {  	s3 =	sld [smem:$0x3FFE];
	_ =	sdelay $0x1  }
0x8a: {  	s1 =	srdreg.scid  }
0x8b: {  	s0 =	sand.u32 $0x1, s1  }
0x8c: {  	s17 =	sshll.u32 s0, $0xA;
	s2 =	sadd.s32 s3, s2  }
0x8d: {  	s2 =	sadd.s32 s2, s17  }
0x8e: {  	[smem:$0x3FB9] =	sst s2  }
0x8f: {  	_ = 	snop  }
0x90: {  	s2 =	sld [smem:$0x3FD0];
	(tm) =	ssettm $0x1  }
0x91: {  	s18 =	sld [smem:$0x3FFB];
	_ =	sdelay $0x3  }
0x92: {  	_ =	strace s18  }
0x93: {  	s3 =	sld [smem:$0x3FFC];
	_ =	sdelay $0x3  }
0x94: {  	_ =	strace s3  }
0x95: {  	s3 =	sld [smem:$0x3FFD];
	_ =	sdelay $0x3  }
0x96: {  	_ =	strace s3  }
0x97: {  	_ =	strace $0x8FFFFFFF  }
0x98: {  	s19 =	sld [smem:$0x3FDB];
	_ =	sdelay $0x1  }
0x99: {  	s4 =	simm.s32 $_scs_section_size  }
0x9a: {  	s5 =	simm.s32 $_size__tile_overlayer_lowered;
	s6 =	simm.s32 $_tile_overlayer_lowered  }
0x9b: {  	s22 =	simm.s32 $0x1BFF;
	s21 =	sshll.u32 s6, $0x1;
	s3 =	sadd.s32 s4, s19  }
0x9c: {  	s7 =	simm.s32 $0x0;
	s20 =	sshll.u32 s5, $0x1;
	s5 =	sadd.s32 s21, s3  }
0x9d: {  	[timem:s7], [sflag:s22] =	dma.local [hbm:s5], s20  }
0x9e: {  	_ =	swait.ge [sflag:s22], s20  }
0x9f: {  	s4 =	ssub.s32 $0x0, s20;
	[sflag:s22] =	ssyncset.done $0x0  }
0xa0: {  	[sflag:s22] =	ssyncadd.s32 s4;
	_ =	sdelay $0x1  }
0xa1: {  	s23 =	simm.s32 $0x1B8B  }
0xa2: {  	_ =	swait.ge [sflag:s23], $0x1  }
0xa3: {  	[sflag:s23] =	ssyncset.done $0x0  }
0xa4: {  	s25 =	simm.s32 $0x1B8E;
	s24 =	sld [smem:$0x3FFE];
	[sflag:s23] =	ssyncadd.s32 $0xFFFFFFFF  }
0xa5: {  	s26 =	simm.s32 $execute0_lowered;
	[smem:$0x3FD2] =	sst s25  }
0xa6: {  	s5 =	sshll.u32 s26, $0x1;
	_ =	strace $0x80000046;
	[dreg:$0x1] =	wrdreg $0xFFFFFFFF  }
0xa7: {  	s28 =	simm.s32 $_size_execute0_lowered;
	s3 =	sadd.s32 s3, s5;
	[dreg:$0x0] =	wrdreg $0x0  }
0xa8: {  	s5 =	sshll.u32 s28, $0x1;
	[dreg:$0x2] =	wrdreg s3  }
0xa9: {  	[dreg:$0x3] =	wrdreg s5  }
0xaa: {  	[dreg:$0x4] =	wrdreg $0xC0  }
0xab: {  	_ =	task [dreg:s7], $0x5FFFF  }
0xac: {  	[dreg:$0x1] =	wrdreg $0xFFFFFFFF  }
0xad: {  	[dreg:$0x0] =	wrdreg $0x60  }
0xae: {  	[dreg:$0x2] =	wrdreg s24  }
0xaf: {  	[dreg:$0x3] =	wrdreg s2  }
0xb0: {  	[dreg:$0x4] =	wrdreg $0xA8000  }
0xb1: {  	[dreg:$0x5] =	wrdreg $0x134000  }
0xb2: {  	[dreg:$0x6] =	wrdreg $0x176000  }
0xb3: {  	[dreg:$0x7] =	wrdreg $0x9  }
0xb4: {  	_ =	task.clear_ibuf [dreg:s7], $0x8FFFF;
	_ =	strace $0x90000046  }
0xb5: {  	s29 =	simm.s32 $0x9;
	_ =	strace $0x80000048  }
0xb6: {  	_ =	swait.ge [sflag:s29], $0x1  }
0xb7: {  	[sflag:s29] =	ssyncadd.s32 $0xFFFFFFFF  }
0xb8: {  	_ =	strace $0x90000048  }
0xb9: {  	_ =	sfence  }
0xba: {  	s30 =	sld [smem:$0x0];
	_ =	sdelay $0x2  }
0xbb: {  	s31 =	sshll.u32 s1, $0xD;
	s1 =	sshrl.u32 s1, $0x2  }
0xbc: {  	s3 =	sand.u32 $0x4000, s31;
	s1 =	sadd.s32 s1, s30  }
0xbd: {  	s0 =	sor.u32 s3, s0;
	s1 =	sshll.u32 s1, $0x11  }
0xbe: {  	s0 =	sor.u32 s1, s0  }
0xbf: {  	s0 =	sadd.s32 $0x8F2B, s0  }
0xc0: {  	[sflag:s0] =	ssyncadd.remote.s32 $0x1  }
0xc1: {  	_ =	sfence.sel $0xFFFF  }
0xc2: {  	[dreg:$0x0] =	wrdreg $0xFFFFFFFF;
	(pc) =	sbr.abs _section_cstart, $3  }
0xc3: {  	[dreg:$0x1] =	wrdreg $0xFFFFFFFF  }
0xc4: {  	_ =	task.clear_ibuf [dreg:s7], $0x2FFFF;
	_ =	strace $0x9FFFFFFF  }
0xc5: {  	(tm) =	ssettm $0x7FFFFFFF  }
tec
execute0_lowered:
.L_overlay_start_1:
0x0: {  	(tag) =	ssettag $0x1  }
0x1: {  	s0 =	rddreg [dreg:$0x0]  }
0x2: {  	s2 =	rddreg [dreg:$0x1]  }
0x3: {  	s1 =	rddreg [dreg:$0x2]  }
0x4: {  	s3 =	rddreg [dreg:$0x3]  }
0x5: {  	s5 =	srdreg.scid;
	s15 =	stileid.u32  }
0x6: {  	s4 =	rddreg [dreg:$0x4];
	s29 =	simm.s32 $0x4;
	s30 =	simm.s32 $0x12C00  }
0x7: {  	s8 =	sand.u32 $0x1, s5;
	s6 =	sshll.u32 s15, $0x1;
	s10 =	smul.u32 $0x420, s15  }
0x8: {  	s5 =	simm.s32 $0x0;
	s31 =	sadd.s32 $0x77600, s0;
	s23 =	smul.u32 $0x21000, s15  }
0x9: {  	s18 =	sadd.s32 $0x76A00, s0;
	s13 =	sadd.s32 $0x77400, s0;
	s14 =	smul.u32 $0x4200, s15  }
0xa: {  	s15 =	sshll.u32 s15, $0x6;
	s9 =	sor.u32 s8, s6;
	[smem:$0x7FF] =	sst s5  }
0xb: {  	s6 =	sadd.s32 $0x55A00, s0;
	s12 =	smul.u32 $0x4200, s8;
	s22 =	ssub.s32 $0x2, s8  }
0xc: {  	s8 =	sshll.u32 s8, $0x2;
	s7 =	smul.u32 $0x420, s9;
	_ =	strace $0x80000047  }
0xd: {  	[dreg:$0x7] =	wrdreg s13;
	s24 =	sshrl.u32 s22, $0x1;
	s13 =	sshrl.u32 s23, $0x2  }
0xe: {  	s16 =	smul.u32 $0x840, s9;
	s26 =	sadd.s32 s14, s3;
	s8 =	sadd.s32 $0x84, s8  }
0xf: {  	s19 =	sadd.s32 s14, s4;
	[dreg:$0x6] =	wrdreg s18;
	s10 =	sadd.s32 s10, s12  }
0x10: {  	s25 =	sadd.s32 s13, s1;
	s12 =	sor.u32 $0x1C04, s15;
	[dreg:$0x9] =	wrdreg s26  }
0x11: {  	[dreg:$0xb] =	wrdreg s19;
	s8 =	sshrl.u32 s8, $0x1;
	s19 =	simm.s32 $0x0  }
0x12: {  	s11 =	sand.u32 $0x7F80, s7;
	s7 =	sadd.s32 $0x45200, s0;
	s10 =	sshll.u32 s10, $0x4  }
0x13: {  	[dreg:$0x8] =	wrdreg s25;
	s15 =	sand.u32 $0xFF80, s16;
	s16 =	smul.u32 $0x42, s9  }
0x14: {  	s17 =	sand.u32 $0x44, s8;
	p0 =	slt.s32 s8, $0x4;
	s9 =	simm.s32 $0x4400  }
0x15: {  	s11 =	sadd.s32 s11, s0;
	s0 =	sadd.s32 s10, s0;
	s13 =	sadd.s32 s2, s15  }
0x16: {  	s10 =	ssub.s32 s22, s24;
	[dreg:$0xa] =	wrdreg s13;
	s20 =	sadd.s32 $0x10800, s13  }
0x17: {  	s15 =	simm.s32 $0x3;
	s21 =	sadd.s32 $0x78800, s0;
	[dreg:$0xc] =	wrdreg s20  }
0x18: {  	s2 =	sand.u32 $0x6, s16;
	s22 =	sadd.s32 $0x78808, s0;
	[dreg:$0xd] =	wrdreg s21  }
0x19: {  	s23 =	sadd.s32 $0x66200, s11;
	s24 =	sadd.s32 $0x6E600, s11;
	[dreg:$0xe] =	wrdreg s22  }
0x1a: {  	s25 =	sadd.s32 $0x78804, s0;
	s0 =	sadd.s32 $0x7880A, s0;
	[dreg:$0xf] =	wrdreg s23  }
0x1b: {  	s26 =	smax.u32 s10, $0x1;
	s10 =	simm.s32 $0x9800;
	[dreg:$0x10] =	wrdreg s24  }
.Ltmp0:
0x1c: {  	s11 =	simm.s32 $0x2;
	[dreg:$0x11] =	wrdreg s25;
	(pc) =	sbr.rel .LBB2_1-.Ltmp0, $4  }
0x1d: {  	s16 =	simm.s32 $0x1;
	s2 =	sadd.s32 $0x42, s2;
	[dreg:$0x12] =	wrdreg s0  }
0x1e: {  	s13 =	simm.s32 $0x10;
	[dreg:$0x13] =	wrdreg s26;
	s2 =	sshrl.u32 s2, $0x1  }
0x1f: {  	s26 =	sadd.s32 $0xFFFFFFFF, s17;
	s0 =	simm.s32 $0x8800;
	s22 =	sand.u32 $0x24, s2  }
0x20: {  	p1 =	slt.s32 s2, $0x4;
	s2 =	simm.s32 $0x80;
	s28 =	sadd.s32 $0xFFFFFFFF, s22  }
.LBB2_8:
0x21: {  	[tilespmem:s9], [sflag:$0x2] =	stream.indirect.gather @!p2 [hbm4b:s7+s8], $0x20, s13, s8, $0xb8;
	[tilespmem:$0x1B800] =	vst v63  }
0x22: {  	s9 =	simm.s32 $0x4400;
	s13 =	simm.s32 $0x10  }
.LBB2_9:
0x23: {  	_ =	swait.ge [sflag:s15], $0x800  }
0x24: {  	[sflag:s15] =	ssyncset.done $0x0  }
0x25: {  	[sflag:s15] =	ssyncadd.s32 $0xFFFFF800  }
0x26: {  	[bflag:$0x0] =	sbarrier.arrive $0xFFFF  }
0x27: {  	s8 =	rddreg [dreg:$0x11]  }
0x28: {  	[hbm:s8@s13], [sflag:s12] =	dma.strided [spmem:s20@s29], $0x1080, s16, $0x4   }
0x29: {  	_ =	swait.ge [sflag:s29], $0x1080  }
0x2a: {  	[sflag:s29] =	ssyncset.done $0x0  }
0x2b: {  	s24 =	rddreg [dreg:$0x12];
	[sflag:s29] =	ssyncadd.s32 $0xFFFFEF80  }
0x2c: {  	[hbm:s24@s13], [sflag:s12] =	dma.strided [spmem:s21@s11], $0x840, s16, $0x2   }
0x2d: {  	_ =	swait.ge [sflag:s29], $0x840  }
0x2e: {  	s19 =	sadd.s32 $0x1, s19;
	s25 =	rddreg [dreg:$0x13]  }
0x2f: {  	p2 =	sne.s32 s19, s25  }
.Ltmp1:
0x30: {  	_ = 	snop;
	(pc) =	sbr.rel @!p2 .LBB2_10-.Ltmp1, $3  }
0x31: {  	_ =	sdelay $0x1  }
0x32: {  	[sflag:s29] =	ssyncset.done $0x0  }
0x33: {  	[sflag:s29] =	ssyncadd.s32 $0xFFFFF7C0  }
.LBB2_1:
0x34: {  	s8 =	rddreg [dreg:$0x8]  }
0x35: {  	s20 =	sshrl.u32 s8, $0x3  }
0x36: {  	[spmem:s20], [sflag:s12] =	dma.local [hbm:s31], $0x1080  }
0x37: {  	_ =	swait.ge [sflag:s29], $0x1080  }
0x38: {  	[sflag:s29] =	ssyncset.done $0x0;
	s14 =	rddreg [dreg:$0x9]  }
0x39: {  	[sflag:s29] =	ssyncadd.s32 $0xFFFFEF80;
	s14 =	sshrl.u32 s14, $0x3  }
0x3a: {  	[spmem:s14], [sflag:s12] =	dma.local [hbm:s18], $0x840  }
0x3b: {  	_ =	swait.ge [sflag:s29], $0x840  }
0x3c: {  	[sflag:s29] =	ssyncset.done $0x0;
	s21 =	rddreg [dreg:$0xb]  }
0x3d: {  	[sflag:s29] =	ssyncadd.s32 $0xFFFFF7C0;
	s21 =	sshrl.u32 s21, $0x3  }
0x3e: {  	[spmem:s21], [sflag:s12] =	dma.local [hbm:s18], $0x840  }
0x3f: {  	_ =	swait.ge [sflag:s29], $0x840  }
0x40: {  	[sflag:s29] =	ssyncset.done $0x0  }
0x41: {  	s23 =	rddreg [dreg:$0x7];
	[sflag:s29] =	ssyncadd.s32 $0xFFFFF7C0  }
0x42: {  	[tilespmem:s30], [sflag:$0x4] =	stream.linear.gather [hbm4b:s23+s5], $0x800, $0x38;
	[tilespmem:$0x1B800] =	vst v63  }
0x43: {  	_ =	swait.ge [sflag:s29], $0x800  }
0x44: {  	[sflag:s29] =	ssyncset.done $0x0  }
0x45: {  	[sflag:s29] =	ssyncadd.s32 $0xFFFFF800  }
0x46: {  	[bflag:$0x0] =	sbarrier.arrive $0xFFFF  }
0x47: {  	s24 =	rddreg [dreg:$0xa]  }
0x48: {  	[tilespmem:s5], [sflag:$0x4] =	stream.linear.gather [hbm4b:s24+s5], $0x4400, $0x38;
	[tilespmem:$0x1B800] =	vst v63  }
0x49: {  	_ =	swait.ge [sflag:s29], $0x4400  }
0x4a: {  	[sflag:s29] =	ssyncset.done $0x0  }
0x4b: {  	s25 =	rddreg [dreg:$0xc];
	[sflag:s29] =	ssyncadd.s32 $0xFFFFBC00  }
0x4c: {  	[tilespmem:s9], [sflag:$0x4] =	stream.linear.gather [hbm4b:s25+s5], $0x4400, $0x38;
	[tilespmem:$0x1B800] =	vst v63  }
0x4d: {  	_ =	swait.ge [sflag:s29], $0x4400  }
.Ltmp2:
0x4e: {  	[sflag:s29] =	ssyncset.done $0x0;
	(pc) =	sbr.rel @p0 .LBB2_5-.Ltmp2, $4  }
0x4f: {  	[sflag:s29] =	ssyncadd.s32 $0xFFFFBC00  }
0x50: {  	[tilespmem:s0], [sflag:$0x1] =	stream.indirect.gather [hbm4b:s6+s2], $0x20, s5, s2, $0xb8;
	[tilespmem:$0x1B800] =	vst v63  }
0x51: {  	_ = 	snop  }
0x52: {  	[tilespmem:s10], [sflag:$0x2] =	stream.indirect.gather [hbm4b:s6+s2], $0x20, s2, s2, $0xb8;
	[tilespmem:$0x1B800] =	vst v63  }
0x53: {  	s8 =	simm.s32 $0x1  }
0x54: {  	_ =	swait.ge [sflag:s8], $0x1000  }
0x55: {  	[sflag:s8] =	ssyncset.done $0x0  }
0x56: {  	[sflag:s8] =	ssyncadd.s32 $0xFFFFF000  }
0x57: {  	[spmem:s1] =	stream.indirect.scatter.add.f32 [tilespmem:s0], [sflag:$0x4], $0x20, s9, s2, $0xb8;
	[tilespmem:$0x1B800] =	vst v63  }
0x58: {  	_ =	swait.ge [sflag:s29], $0x1000  }
0x59: {  	[sflag:s29] =	ssyncset.done $0x0  }
0x5a: {  	[sflag:s29] =	ssyncadd.s32 $0xFFFFF000  }
0x5b: {  	[spmem:s3] =	stream.indirect.scatter.add.f32 [tilespmem:s30], [sflag:$0x3], $0x10, s9, s2, $0xb8;
	[tilespmem:$0x1B800] =	vst v63  }
0x5c: {  	s13 =	simm.s32 $0x100  }
0x5d: {  	[tilespmem:s0], [sflag:$0x1] =	stream.indirect.gather [hbm4b:s6+s2], $0x20, s13, s2, $0xb8;
	[tilespmem:$0x1B800] =	vst v63  }
0x5e: {  	_ =	swait.ge [sflag:s11], $0x1000  }
0x5f: {  	[sflag:s11] =	ssyncset.done $0x0  }
0x60: {  	s23 =	simm.s32 $0x4480;
	[sflag:s11] =	ssyncadd.s32 $0xFFFFF000  }
0x61: {  	[spmem:s1] =	stream.indirect.scatter.add.f32 [tilespmem:s10], [sflag:$0x4], $0x20, s23, s2, $0xb8;
	[tilespmem:$0x1B800] =	vst v63  }
0x62: {  	_ =	swait.ge [sflag:s29], $0x1000  }
0x63: {  	[sflag:s29] =	ssyncset.done $0x0  }
0x64: {  	[sflag:s29] =	ssyncadd.s32 $0xFFFFF000  }
0x65: {  	_ =	swait.ge [sflag:s15], $0x800  }
0x66: {  	[sflag:s15] =	ssyncset.done $0x0  }
0x67: {  	[sflag:s15] =	ssyncadd.s32 $0xFFFFF800  }
0x68: {  	[spmem:s3] =	stream.indirect.scatter.add.f32 [tilespmem:s30], [sflag:$0x3], $0x10, s23, s2, $0xb8;
	[tilespmem:$0x1B800] =	vst v63  }
0x69: {  	s24 =	simm.s32 $0x180  }
0x6a: {  	[tilespmem:s10], [sflag:$0x2] =	stream.indirect.gather [hbm4b:s6+s2], $0x20, s24, s2, $0xb8;
	[tilespmem:$0x1B800] =	vst v63  }
0x6b: {  	_ =	swait.ge [sflag:s16], $0x1000  }
0x6c: {  	[sflag:s16] =	ssyncset.done $0x0  }
0x6d: {  	s25 =	simm.s32 $0x4500;
	[sflag:s16] =	ssyncadd.s32 $0xFFFFF000  }
0x6e: {  	[spmem:s1] =	stream.indirect.scatter.add.f32 [tilespmem:s0], [sflag:$0x4], $0x20, s25, s2, $0xb8;
	[tilespmem:$0x1B800] =	vst v63  }
0x6f: {  	_ =	swait.ge [sflag:s29], $0x1000  }
0x70: {  	[sflag:s29] =	ssyncset.done $0x0  }
0x71: {  	[sflag:s29] =	ssyncadd.s32 $0xFFFFF000  }
0x72: {  	_ =	swait.ge [sflag:s15], $0x800  }
0x73: {  	[sflag:s15] =	ssyncset.done $0x0  }
0x74: {  	p2 =	sle.s32 s26, $0x1;
	[sflag:s15] =	ssyncadd.s32 $0xFFFFF800  }
0x75: {  	[spmem:s3] =	stream.indirect.scatter.add.f32 [tilespmem:s30], [sflag:$0x3], $0x10, s25, s2, $0xb8;
	[tilespmem:$0x1B800] =	vst v63  }
0x76: {  	s8 =	simm.s32 @!p2 $0x80;
	s9 =	simm.s32 @!p2 $0x200;
	s13 =	simm.s32 @!p2 $0x8800  }
0x77: {  	[tilespmem:s13], [sflag:$0x1] =	stream.indirect.gather @!p2 [hbm4b:s6+s8], $0x20, s9, s8, $0xb8;
	[tilespmem:$0x1B800] =	vst v63  }
0x78: {  	_ =	swait.ge [sflag:s11], $0x1000  }
0x79: {  	[sflag:s11] =	ssyncset.done $0x0  }
0x7a: {  	s18 =	smov.u32 s31;
	s31 =	simm.s32 $0x4580;
	[sflag:s11] =	ssyncadd.s32 $0xFFFFF000  }
0x7b: {  	[spmem:s1] =	stream.indirect.scatter.add.f32 [tilespmem:s10], [sflag:$0x4], $0x20, s31, s2, $0xb8;
	[tilespmem:$0x1B800] =	vst v63  }
0x7c: {  	_ =	swait.ge [sflag:s29], $0x1000  }
0x7d: {  	p3 =	sne.s32 s17, $0x2;
	[sflag:s29] =	ssyncset.done $0x0  }
.Ltmp3:
0x7e: {  	[sflag:s29] =	ssyncadd.s32 $0xFFFFF000;
	(pc) =	sbr.rel @!p3 .LBB2_4-.Ltmp3, $4  }
0x7f: {  	s23 =	simm.s32 $0x2;
	_ =	swait.ge [sflag:s15], $0x800  }
0x80: {  	s24 =	simm.s32 $0x380;
	s25 =	simm.s32 $0x4680;
	[sflag:s15] =	ssyncset.done $0x0  }
0x81: {  	s13 =	simm.s32 $0x280;
	s9 =	simm.s32 @!p2 $0x9800;
	[sflag:s15] =	ssyncadd.s32 $0xFFFFF800  }
0x82: {  	[spmem:s3] =	stream.indirect.scatter.add.f32 [tilespmem:s30], [sflag:$0x3], $0x10, s31, s2, $0xb8;
	[tilespmem:$0x1B800] =	vst v63  }
.LBB2_3:
0x83: {  	[tilespmem:s9], [sflag:$0x2] =	stream.indirect.gather @!p2 [hbm4b:s6+s8], $0x20, s13, s8, $0xb8;
	[tilespmem:$0x1B800] =	vst v63  }
0x84: {  	s8 =	smov.u32 s23;
	s23 =	sadd.s32 $0x1, s23;
	_ =	swait.ge [sflag:s16], $0x1000  }
0x85: {  	s13 =	smov.u32 s24;
	p3 =	sne.s32 s17, s23;
	[sflag:s16] =	ssyncset.done $0x0  }
0x86: {  	s9 =	sadd.s32 $0xFFFFFF80, s25;
	[sflag:s16] =	ssyncadd.s32 $0xFFFFF000  }
0x87: {  	[spmem:s1] =	stream.indirect.scatter.add.f32 [tilespmem:s0], [sflag:$0x4], $0x20, s9, s2, $0xb8;
	[tilespmem:$0x1B800] =	vst v63  }
0x88: {  	_ =	swait.ge [sflag:s29], $0x1000  }
0x89: {  	[sflag:s29] =	ssyncset.done $0x0  }
0x8a: {  	[sflag:s29] =	ssyncadd.s32 $0xFFFFF000  }
0x8b: {  	_ =	swait.ge [sflag:s15], $0x800  }
0x8c: {  	[sflag:s15] =	ssyncset.done $0x0  }
0x8d: {  	p2 =	sge.s32 s8, s26;
	[sflag:s15] =	ssyncadd.s32 $0xFFFFF800  }
0x8e: {  	[spmem:s3] =	stream.indirect.scatter.add.f32 [tilespmem:s30], [sflag:$0x3], $0x10, s9, s2, $0xb8;
	[tilespmem:$0x1B800] =	vst v63  }
0x8f: {  	s8 =	simm.s32 @!p2 $0x80;
	s31 =	simm.s32 @!p2 $0x8800;
	s9 =	sadd.s32 @!p2 $0xFFFFFF80, s24  }
0x90: {  	[tilespmem:s31], [sflag:$0x1] =	stream.indirect.gather @!p2 [hbm4b:s6+s8], $0x20, s9, s8, $0xb8;
	[tilespmem:$0x1B800] =	vst v63  }
0x91: {  	_ =	swait.ge [sflag:s11], $0x1000  }
0x92: {  	[sflag:s11] =	ssyncset.done $0x0  }
0x93: {  	[sflag:s11] =	ssyncadd.s32 $0xFFFFF000  }
0x94: {  	[spmem:s1] =	stream.indirect.scatter.add.f32 [tilespmem:s10], [sflag:$0x4], $0x20, s25, s2, $0xb8;
	[tilespmem:$0x1B800] =	vst v63  }
0x95: {  	_ =	swait.ge [sflag:s29], $0x1000  }
0x96: {  	[sflag:s29] =	ssyncset.done $0x0  }
0x97: {  	[sflag:s29] =	ssyncadd.s32 $0xFFFFF000  }
.Ltmp4:
0x98: {  	_ =	swait.ge [sflag:s15], $0x800;
	(pc) =	sbr.rel @p3 .LBB2_3-.Ltmp4, $4  }
0x99: {  	[sflag:s15] =	ssyncset.done $0x0  }
0x9a: {  	[sflag:s15] =	ssyncadd.s32 $0xFFFFF800  }
0x9b: {  	[spmem:s3] =	stream.indirect.scatter.add.f32 [tilespmem:s30], [sflag:$0x3], $0x10, s25, s2, $0xb8;
	[tilespmem:$0x1B800] =	vst v63  }
0x9c: {  	s24 =	sadd.s32 $0x100, s24;
	s9 =	simm.s32 @!p2 $0x9800;
	s25 =	sadd.s32 $0x100, s25  }
.LBB2_4:
0x9d: {  	[tilespmem:s9], [sflag:$0x2] =	stream.indirect.gather @!p2 [hbm4b:s6+s8], $0x20, s13, s8, $0xb8;
	[tilespmem:$0x1B800] =	vst v63  }
0x9e: {  	s31 =	smov.u32 s18  }
0x9f: {  	s18 =	rddreg [dreg:$0x6];
	s9 =	simm.s32 $0x4400;
	s13 =	simm.s32 $0x10  }
.LBB2_5:
0xa0: {  	_ =	swait.ge [sflag:s15], $0x800  }
0xa1: {  	[sflag:s15] =	ssyncset.done $0x0  }
0xa2: {  	[sflag:s15] =	ssyncadd.s32 $0xFFFFF800  }
0xa3: {  	[bflag:$0x0] =	sbarrier.arrive $0xFFFF  }
0xa4: {  	s8 =	rddreg [dreg:$0xd]  }
0xa5: {  	[hbm:s8@s13], [sflag:s12] =	dma.strided [spmem:s20@s29], $0x1080, s16, $0x4   }
0xa6: {  	_ =	swait.ge [sflag:s29], $0x1080  }
0xa7: {  	[sflag:s29] =	ssyncset.done $0x0  }
0xa8: {  	s23 =	rddreg [dreg:$0xe];
	[sflag:s29] =	ssyncadd.s32 $0xFFFFEF80  }
0xa9: {  	[hbm:s23@s13], [sflag:s12] =	dma.strided [spmem:s14@s11], $0x840, s16, $0x2   }
0xaa: {  	_ =	swait.ge [sflag:s29], $0x840  }
0xab: {  	[sflag:s29] =	ssyncset.done $0x0  }
0xac: {  	[sflag:s29] =	ssyncadd.s32 $0xFFFFF7C0  }
0xad: {  	[spmem:s20], [sflag:s12] =	dma.local [hbm:s31], $0x1080  }
0xae: {  	_ =	swait.ge [sflag:s29], $0x1080  }
0xaf: {  	[sflag:s29] =	ssyncset.done $0x0  }
0xb0: {  	[sflag:s29] =	ssyncadd.s32 $0xFFFFEF80  }
0xb1: {  	[bflag:$0x0] =	sbarrier.arrive $0xFFFF  }
0xb2: {  	s24 =	rddreg [dreg:$0xf]  }
0xb3: {  	[tilespmem:s5], [sflag:$0x4] =	stream.linear.gather [hbm4b:s24+s5], $0x2400, $0x38;
	[tilespmem:$0x1B800] =	vst v63  }
0xb4: {  	_ =	swait.ge [sflag:s29], $0x2400  }
0xb5: {  	[sflag:s29] =	ssyncset.done $0x0  }
0xb6: {  	s25 =	rddreg [dreg:$0x10];
	[sflag:s29] =	ssyncadd.s32 $0xFFFFDC00  }
0xb7: {  	[tilespmem:s9], [sflag:$0x4] =	stream.linear.gather [hbm4b:s25+s5], $0x2400, $0x38;
	[tilespmem:$0x1B800] =	vst v63  }
0xb8: {  	_ =	swait.ge [sflag:s29], $0x2400  }
.Ltmp5:
0xb9: {  	[sflag:s29] =	ssyncset.done $0x0;
	(pc) =	sbr.rel @p1 .LBB2_9-.Ltmp5, $4  }
0xba: {  	[sflag:s29] =	ssyncadd.s32 $0xFFFFDC00  }
0xbb: {  	[tilespmem:s0], [sflag:$0x1] =	stream.indirect.gather [hbm4b:s7+s2], $0x20, s5, s2, $0xb8;
	[tilespmem:$0x1B800] =	vst v63  }
0xbc: {  	_ = 	snop  }
0xbd: {  	[tilespmem:s10], [sflag:$0x2] =	stream.indirect.gather [hbm4b:s7+s2], $0x20, s2, s2, $0xb8;
	[tilespmem:$0x1B800] =	vst v63  }
0xbe: {  	s8 =	simm.s32 $0x1  }
0xbf: {  	_ =	swait.ge [sflag:s8], $0x1000  }
0xc0: {  	[sflag:s8] =	ssyncset.done $0x0  }
0xc1: {  	[sflag:s8] =	ssyncadd.s32 $0xFFFFF000  }
0xc2: {  	[spmem:s1] =	stream.indirect.scatter.add.f32 [tilespmem:s0], [sflag:$0x4], $0x20, s9, s2, $0xb8;
	[tilespmem:$0x1B800] =	vst v63  }
0xc3: {  	_ =	swait.ge [sflag:s29], $0x1000  }
0xc4: {  	[sflag:s29] =	ssyncset.done $0x0  }
0xc5: {  	[sflag:s29] =	ssyncadd.s32 $0xFFFFF000  }
0xc6: {  	[spmem:s4] =	stream.indirect.scatter.add.f32 [tilespmem:s30], [sflag:$0x3], $0x10, s9, s2, $0xb8;
	[tilespmem:$0x1B800] =	vst v63  }
0xc7: {  	s13 =	simm.s32 $0x100  }
0xc8: {  	[tilespmem:s0], [sflag:$0x1] =	stream.indirect.gather [hbm4b:s7+s2], $0x20, s13, s2, $0xb8;
	[tilespmem:$0x1B800] =	vst v63  }
0xc9: {  	_ =	swait.ge [sflag:s11], $0x1000  }
0xca: {  	[sflag:s11] =	ssyncset.done $0x0  }
0xcb: {  	s14 =	simm.s32 $0x4480;
	[sflag:s11] =	ssyncadd.s32 $0xFFFFF000  }
0xcc: {  	[spmem:s1] =	stream.indirect.scatter.add.f32 [tilespmem:s10], [sflag:$0x4], $0x20, s14, s2, $0xb8;
	[tilespmem:$0x1B800] =	vst v63  }
0xcd: {  	_ =	swait.ge [sflag:s29], $0x1000  }
0xce: {  	[sflag:s29] =	ssyncset.done $0x0  }
0xcf: {  	[sflag:s29] =	ssyncadd.s32 $0xFFFFF000  }
0xd0: {  	_ =	swait.ge [sflag:s15], $0x800  }
0xd1: {  	[sflag:s15] =	ssyncset.done $0x0  }
0xd2: {  	[sflag:s15] =	ssyncadd.s32 $0xFFFFF800  }
0xd3: {  	[spmem:s4] =	stream.indirect.scatter.add.f32 [tilespmem:s30], [sflag:$0x3], $0x10, s14, s2, $0xb8;
	[tilespmem:$0x1B800] =	vst v63  }
0xd4: {  	s23 =	simm.s32 $0x180  }
0xd5: {  	[tilespmem:s10], [sflag:$0x2] =	stream.indirect.gather [hbm4b:s7+s2], $0x20, s23, s2, $0xb8;
	[tilespmem:$0x1B800] =	vst v63  }
0xd6: {  	_ =	swait.ge [sflag:s16], $0x1000  }
0xd7: {  	[sflag:s16] =	ssyncset.done $0x0  }
0xd8: {  	s24 =	simm.s32 $0x4500;
	[sflag:s16] =	ssyncadd.s32 $0xFFFFF000  }
0xd9: {  	[spmem:s1] =	stream.indirect.scatter.add.f32 [tilespmem:s0], [sflag:$0x4], $0x20, s24, s2, $0xb8;
	[tilespmem:$0x1B800] =	vst v63  }
0xda: {  	_ =	swait.ge [sflag:s29], $0x1000  }
0xdb: {  	[sflag:s29] =	ssyncset.done $0x0  }
0xdc: {  	[sflag:s29] =	ssyncadd.s32 $0xFFFFF000  }
0xdd: {  	_ =	swait.ge [sflag:s15], $0x800  }
0xde: {  	[sflag:s15] =	ssyncset.done $0x0  }
0xdf: {  	p2 =	sle.s32 s28, $0x1;
	[sflag:s15] =	ssyncadd.s32 $0xFFFFF800  }
0xe0: {  	[spmem:s4] =	stream.indirect.scatter.add.f32 [tilespmem:s30], [sflag:$0x3], $0x10, s24, s2, $0xb8;
	[tilespmem:$0x1B800] =	vst v63  }
0xe1: {  	s8 =	simm.s32 @!p2 $0x80;
	s9 =	simm.s32 @!p2 $0x200;
	s13 =	simm.s32 @!p2 $0x8800  }
0xe2: {  	[tilespmem:s13], [sflag:$0x1] =	stream.indirect.gather @!p2 [hbm4b:s7+s8], $0x20, s9, s8, $0xb8;
	[tilespmem:$0x1B800] =	vst v63  }
0xe3: {  	_ =	swait.ge [sflag:s11], $0x1000  }
0xe4: {  	[sflag:s11] =	ssyncset.done $0x0  }
0xe5: {  	s25 =	simm.s32 $0x4580;
	[sflag:s11] =	ssyncadd.s32 $0xFFFFF000  }
0xe6: {  	[spmem:s1] =	stream.indirect.scatter.add.f32 [tilespmem:s10], [sflag:$0x4], $0x20, s25, s2, $0xb8;
	[tilespmem:$0x1B800] =	vst v63  }
0xe7: {  	_ =	swait.ge [sflag:s29], $0x1000  }
0xe8: {  	p3 =	sne.s32 s22, $0x2;
	[sflag:s29] =	ssyncset.done $0x0  }
.Ltmp6:
0xe9: {  	[sflag:s29] =	ssyncadd.s32 $0xFFFFF000;
	(pc) =	sbr.rel @!p3 .LBB2_8-.Ltmp6, $4  }
0xea: {  	s14 =	simm.s32 $0x2;
	_ =	swait.ge [sflag:s15], $0x800  }
0xeb: {  	s23 =	simm.s32 $0x380;
	s24 =	simm.s32 $0x4680;
	[sflag:s15] =	ssyncset.done $0x0  }
0xec: {  	s13 =	simm.s32 $0x280;
	s9 =	simm.s32 @!p2 $0x9800;
	[sflag:s15] =	ssyncadd.s32 $0xFFFFF800  }
0xed: {  	[spmem:s4] =	stream.indirect.scatter.add.f32 [tilespmem:s30], [sflag:$0x3], $0x10, s25, s2, $0xb8;
	[tilespmem:$0x1B800] =	vst v63  }
.LBB2_7:
0xee: {  	[tilespmem:s9], [sflag:$0x2] =	stream.indirect.gather @!p2 [hbm4b:s7+s8], $0x20, s13, s8, $0xb8;
	[tilespmem:$0x1B800] =	vst v63  }
0xef: {  	s8 =	smov.u32 s14;
	s14 =	sadd.s32 $0x1, s14;
	_ =	swait.ge [sflag:s16], $0x1000  }
0xf0: {  	s13 =	smov.u32 s23;
	p3 =	sne.s32 s22, s14;
	[sflag:s16] =	ssyncset.done $0x0  }
0xf1: {  	s9 =	sadd.s32 $0xFFFFFF80, s24;
	[sflag:s16] =	ssyncadd.s32 $0xFFFFF000  }
0xf2: {  	[spmem:s1] =	stream.indirect.scatter.add.f32 [tilespmem:s0], [sflag:$0x4], $0x20, s9, s2, $0xb8;
	[tilespmem:$0x1B800] =	vst v63  }
0xf3: {  	_ =	swait.ge [sflag:s29], $0x1000  }
0xf4: {  	[sflag:s29] =	ssyncset.done $0x0  }
0xf5: {  	[sflag:s29] =	ssyncadd.s32 $0xFFFFF000  }
0xf6: {  	_ =	swait.ge [sflag:s15], $0x800  }
0xf7: {  	[sflag:s15] =	ssyncset.done $0x0  }
0xf8: {  	p2 =	sge.s32 s8, s28;
	[sflag:s15] =	ssyncadd.s32 $0xFFFFF800  }
0xf9: {  	[spmem:s4] =	stream.indirect.scatter.add.f32 [tilespmem:s30], [sflag:$0x3], $0x10, s9, s2, $0xb8;
	[tilespmem:$0x1B800] =	vst v63  }
0xfa: {  	s8 =	simm.s32 @!p2 $0x80;
	s25 =	simm.s32 @!p2 $0x8800;
	s9 =	sadd.s32 @!p2 $0xFFFFFF80, s23  }
0xfb: {  	[tilespmem:s25], [sflag:$0x1] =	stream.indirect.gather @!p2 [hbm4b:s7+s8], $0x20, s9, s8, $0xb8;
	[tilespmem:$0x1B800] =	vst v63  }
0xfc: {  	_ =	swait.ge [sflag:s11], $0x1000  }
0xfd: {  	[sflag:s11] =	ssyncset.done $0x0  }
0xfe: {  	[sflag:s11] =	ssyncadd.s32 $0xFFFFF000  }
0xff: {  	[spmem:s1] =	stream.indirect.scatter.add.f32 [tilespmem:s10], [sflag:$0x4], $0x20, s24, s2, $0xb8;
	[tilespmem:$0x1B800] =	vst v63  }
0x100: {  	_ =	swait.ge [sflag:s29], $0x1000  }
0x101: {  	[sflag:s29] =	ssyncset.done $0x0  }
0x102: {  	[sflag:s29] =	ssyncadd.s32 $0xFFFFF000  }
.Ltmp7:
0x103: {  	_ =	swait.ge [sflag:s15], $0x800;
	(pc) =	sbr.rel @p3 .LBB2_7-.Ltmp7, $4  }
0x104: {  	[sflag:s15] =	ssyncset.done $0x0  }
0x105: {  	[sflag:s15] =	ssyncadd.s32 $0xFFFFF800  }
0x106: {  	[spmem:s4] =	stream.indirect.scatter.add.f32 [tilespmem:s30], [sflag:$0x3], $0x10, s24, s2, $0xb8;
	[tilespmem:$0x1B800] =	vst v63  }
0x107: {  	s23 =	sadd.s32 $0x100, s23;
	s9 =	simm.s32 @!p2 $0x9800;
	s24 =	sadd.s32 $0x100, s24  }
.Ltmp8:
0x108: {  	_ = 	snop;
	(pc) =	sbr.rel .LBB2_8-.Ltmp8, $1  }
0x109: {  	_ =	sdelay $0x3  }
.LBB2_10:
0x10a: {  	_ =	sfence.sel $0x180000  }
0x10b: {  	[bflag:$0x0] =	sbarrier.arrive $0xFFFF  }
0x10c: {  	_ =	strace $0x90000047  }
0x10d: {  	s0 =	stileid.u32;
	[bflag:$0x2] =	sbarrier.arrive $0xFFFF  }
0x10e: {  	p0 =	sne.s32 s0, $0x0;
	s0 =	rddreg [dreg:$0x5]  }
0x10f: {  	s0 =	sadd.s32 @!p0 $0x100000, s0  }
0x110: {  	[sflag:s0] =	ssyncadd.tile.s32 @!p0 $0x1;
	_ =	shalt  }
.Lfunc_end2:
_tile_overlayer_lowered:
.L_overlay_start_2:
0x111: {  	(tag) =	ssettag $0x2  }
0x112: {  	s0 =	rddreg [dreg:$0x0];
	s2 =	stileid.u32  }
0x113: {  	s1 =	rddreg [dreg:$0x1];
	p0 =	sne.s32 s2, $0x0  }
0x114: {  	s3 =	rddreg [dreg:$0x2];
	[bflag:$0x3] =	sbarrier.arrive $0xFFFF;
	s2 =	simm.s32 @!p0 $0x1C04  }
0x115: {  	[timem:s3], [sflag:s2] =	dma.local @!p0 [hbm:s0], s1  }
0x116: {  	s0 =	simm.s32 @!p0 $0x4  }
0x117: {  	_ =	swait.ge @!p0 [sflag:s0], s1  }
0x118: {  	s1 =	ssub.s32 @!p0 $0x0, s1;
	[sflag:s0] =	ssyncset.done @!p0 $0x0  }
0x119: {  	[sflag:s0] =	ssyncadd.s32 @!p0 s1  }
0x11a: {  	[bflag:$0x3] =	sbarrier.arrive $0xFFFF  }
0x11b: {  	_ =	shalt  }

</sc_bundles>
